<compile_context>
chip_gen: v7x
topology: tpu7x:2x2x1
jax: 0.10.2.dev20260603
libtpu: 0.0.44.dev20260713+nightly
codegen_flags: <defaults>
</compile_context>

<pallas_src>
import functools

import jax
import jax.numpy as jnp
from jax import lax
from jax.experimental import pallas as pl
from jax.experimental.pallas import tpu as pltpu
from jax.experimental.pallas import tpu_sc as plsc

N_NODES = 10000
NP = 10240
NPA = NP + 16
N_EDGES = 160000
EP = 163840
D = 256
H = 128
EPS = 1e-5
K = 128
NSC = 2
NT = 16
RPT = NP // NT
BN = 512
NBI = NP // BN

ET_E = EP // NT
NB_E = ET_E // K
CH = 40
ET_D = EP // (NSC * NT)
NB_D = ET_D // K

_MESH = plsc.VectorSubcoreMesh(
    core_axis_name="c", subcore_axis_name="s", num_cores=NSC, num_subcores=NT
)


@functools.partial(
    pl.kernel,
    out_type=jax.ShapeDtypeStruct((NSC, NP, H), jnp.float32),
    mesh=_MESH,
    scratch_types=[
        pltpu.VMEM((NB_D, K), jnp.int32),
        pltpu.VMEM((K, H), jnp.float32),
        pltpu.VMEM_SHARED((NPA, H), jnp.float32),
    ],
)
def _sc_degree(col_hbm, zeros_hbm, ones_hbm, out_hbm, idx_v, ones_v, acc):
    cid = lax.axis_index("c")
    sid = lax.axis_index("s")
    pltpu.sync_copy(zeros_hbm.at[pl.ds(sid * RPT, RPT)],
                    acc.at[pl.ds(sid * RPT, RPT)])
    pltpu.sync_copy(ones_hbm, ones_v)
    tile = cid * NT + sid
    pltpu.sync_copy(col_hbm.at[tile], idx_v)
    plsc.subcore_barrier()

    def body(b, carry):
        pltpu.sync_copy(ones_v, acc.at[idx_v.at[b]], add=True)
        return carry

    lax.fori_loop(0, NB_D, body, 0)
    plsc.subcore_barrier()
    pltpu.sync_copy(acc.at[pl.ds(sid * RPT, RPT)],
                    out_hbm.at[cid, pl.ds(sid * RPT, RPT)])


@functools.partial(
    pl.kernel,
    out_type=jax.ShapeDtypeStruct((NSC, NP, H), jnp.float32),
    mesh=_MESH,
    scratch_types=[
        pltpu.VMEM((CH, K), jnp.int32),
        pltpu.VMEM((CH, K), jnp.int32),
        pltpu.VMEM((K, H), jnp.float32),
        pltpu.VMEM((K, H), jnp.float32),
        pltpu.VMEM_SHARED((NPA, H), jnp.float32),
        pltpu.SemaphoreType.DMA,
        pltpu.SemaphoreType.DMA,
    ],
)
def _sc_edge_sum(row_hbm, col_hbm, y_hbm, out_hbm, idxr, idxc, gbuf0, gbuf1,
                 acc, sem0, sem1):
    cid = lax.axis_index("c")
    sid = lax.axis_index("s")
    pltpu.sync_copy(y_hbm.at[pl.ds(cid * NP + sid * RPT, RPT)],
                    acc.at[pl.ds(sid * RPT, RPT)])
    plsc.subcore_barrier()

    def chunk(ch, carry):
        pltpu.sync_copy(row_hbm.at[cid, sid, pl.ds(ch * CH, CH)], idxr)
        pltpu.sync_copy(col_hbm.at[sid, pl.ds(ch * CH, CH)], idxc)
        pltpu.async_copy(y_hbm.at[idxr.at[0]], gbuf0, sem0)

        def body(i, c2):
            b0 = 2 * i
            pltpu.async_copy(y_hbm.at[idxr.at[b0 + 1]], gbuf1, sem1)
            pltpu.make_async_copy(y_hbm.at[idxr.at[b0]], gbuf0, sem0).wait()
            pltpu.sync_copy(gbuf0, acc.at[idxc.at[b0]], add=True)

            @pl.when(b0 + 2 < CH)
            def _():
                pltpu.async_copy(y_hbm.at[idxr.at[b0 + 2]], gbuf0, sem0)

            pltpu.make_async_copy(y_hbm.at[idxr.at[b0 + 1]], gbuf1, sem1).wait()
            pltpu.sync_copy(gbuf1, acc.at[idxc.at[b0 + 1]], add=True)
            return c2

        lax.fori_loop(0, CH // 2, body, 0)
        return carry

    lax.fori_loop(0, NB_E // CH, chunk, 0)
    plsc.subcore_barrier()
    pltpu.sync_copy(acc.at[pl.ds(sid * RPT, RPT)],
                    out_hbm.at[cid, pl.ds(sid * RPT, RPT)])


def _tc_mm_body(x_ref, w_ref, o_ref):
    o_ref[...] = jnp.dot(x_ref[...], w_ref[...],
                         preferred_element_type=jnp.float32)


def _tc_first_body(t_ref, dp_ref, y_ref, s_ref):
    deg = jnp.sum(dp_ref[...], axis=(0, 2)) * (1.0 / H) + 1.0
    s = (1.0 / jnp.sqrt(deg))[:, None]
    y = t_ref[...] * s
    y_ref[0] = y[:, :H]
    y_ref[1] = y[:, H:]
    s_ref[...] = s


def _tc_mid_body(z_ref, s_ref, b_ref, g_ref, be_ref, w_ref, y_ref):
    s = s_ref[...]
    u = jnp.concatenate([z_ref[0], z_ref[1]], axis=1) * s + b_ref[...]
    mu = jnp.mean(u, axis=1, keepdims=True)
    var = jnp.mean((u - mu) ** 2, axis=1, keepdims=True)
    t = g_ref[...] * (u - mu) / jnp.sqrt(var + EPS) + be_ref[...]
    t = jnp.maximum(t, 0.0)
    y = jnp.dot(t, w_ref[...], preferred_element_type=jnp.float32) * s
    y_ref[0] = y[:, :H]
    y_ref[1] = y[:, H:]


def _tc_final_body(z_ref, s_ref, b_ref, g_ref, be_ref, o_ref):
    s = s_ref[...]
    u = jnp.concatenate([z_ref[0], z_ref[1]], axis=1) * s + b_ref[...]
    mu = jnp.mean(u, axis=1, keepdims=True)
    var = jnp.mean((u - mu) ** 2, axis=1, keepdims=True)
    t = g_ref[...] * (u - mu) / jnp.sqrt(var + EPS) + be_ref[...]
    o_ref[...] = jnp.maximum(t, 0.0)


_VEC_SPEC = pl.BlockSpec((1, D), lambda i: (0, 0))
_Z_SPEC = pl.BlockSpec((NSC, BN, H), lambda i: (0, i, 0))
_S_SPEC = pl.BlockSpec((BN, 1), lambda i: (i, 0))
_W_SPEC = pl.BlockSpec((D, D), lambda i: (0, 0))

_tc_mm = pl.pallas_call(
    _tc_mm_body,
    grid=(NBI,),
    in_specs=[pl.BlockSpec((BN, D), lambda i: (i, 0)), _W_SPEC],
    out_specs=pl.BlockSpec((BN, D), lambda i: (i, 0)),
    out_shape=jax.ShapeDtypeStruct((NP, D), jnp.float32),
)

_tc_first = pl.pallas_call(
    _tc_first_body,
    grid=(NBI,),
    in_specs=[
        pl.BlockSpec((BN, D), lambda i: (i, 0)),
        pl.BlockSpec((NSC, BN, H), lambda i: (0, i, 0)),
    ],
    out_specs=[_Z_SPEC, _S_SPEC],
    out_shape=[
        jax.ShapeDtypeStruct((NSC, NP, H), jnp.float32),
        jax.ShapeDtypeStruct((NP, 1), jnp.float32),
    ],
)

_tc_mid = pl.pallas_call(
    _tc_mid_body,
    grid=(NBI,),
    in_specs=[_Z_SPEC, _S_SPEC, _VEC_SPEC, _VEC_SPEC, _VEC_SPEC, _W_SPEC],
    out_specs=_Z_SPEC,
    out_shape=jax.ShapeDtypeStruct((NSC, NP, H), jnp.float32),
)

_tc_final = pl.pallas_call(
    _tc_final_body,
    grid=(NBI,),
    in_specs=[_Z_SPEC, _S_SPEC, _VEC_SPEC, _VEC_SPEC, _VEC_SPEC],
    out_specs=pl.BlockSpec((BN, D), lambda i: (i, 0)),
    out_shape=jax.ShapeDtypeStruct((NP, D), jnp.float32),
)


def kernel(x, edge_index, W1, b1, g1, be1, W2, b2, g2, be2,
           W3, b3, g3, be3, W4, b4, g4, be4):
    f32 = jnp.float32
    ei = edge_index.astype(jnp.int32)
    pad_e = EP - N_EDGES
    rowp = jnp.concatenate([ei[0], jnp.zeros((pad_e,), jnp.int32)])
    colp = jnp.concatenate([ei[1], jnp.full((pad_e,), NP, jnp.int32)])
    rowboth = jnp.stack([rowp, rowp + NP]).reshape(NSC, NT, NB_E, K)
    col_e = colp.reshape(NT, NB_E, K)
    col_d = colp.reshape(NSC * NT, NB_D, K)
    xp = jnp.pad(x, ((0, NP - N_NODES), (0, 0)))

    t1 = _tc_mm(xp, W1)
    dparts = _sc_degree(col_d, jnp.zeros((NP, H), f32), jnp.ones((K, H), f32))
    y, s = _tc_first(t1, dparts)

    params = [(b1, g1, be1, W2), (b2, g2, be2, W3), (b3, g3, be3, W4)]
    for (b, g, be, w_next) in params:
        z = _sc_edge_sum(rowboth, col_e, y.reshape(NSC * NP, H))
        y = _tc_mid(z, s, b.reshape(1, D), g.reshape(1, D), be.reshape(1, D),
                    w_next)
    z = _sc_edge_sum(rowboth, col_e, y.reshape(NSC * NP, H))
    h = _tc_final(z, s, b4.reshape(1, D), g4.reshape(1, D), be4.reshape(1, D))
    return h[:N_NODES]

# --- scband reference (transcript-rebuilt; emitter-appended) ---
"""Pipeline reference for scband-gcnv2-12704513261863 (READ-ONLY COPY).

The authoritative reference and input builder live on the scoring server;
editing this copy changes nothing except your own understanding.
"""

import jax, jax.numpy as jnp
import numpy as np

N = 10000
E = 160000
D = 256
EPS = 1e-5
NUM_LAYERS = 4


def gcn_conv(x, edge_index, W, b):
    n = x.shape[0]
    loop = jnp.arange(n, dtype=edge_index.dtype)
    row = jnp.concatenate([edge_index[0], loop])
    col = jnp.concatenate([edge_index[1], loop])
    ew = jnp.ones(row.shape[0], dtype=x.dtype)
    deg = jnp.zeros((n,), x.dtype).at[col].add(ew)
    deg_inv_sqrt = jnp.where(deg > 0, 1.0 / jnp.sqrt(jnp.maximum(deg, 1e-12)), 0.0)
    norm = deg_inv_sqrt[row] * deg_inv_sqrt[col]
    h = x @ W
    msg = norm[:, None] * h[row]
    out = jnp.zeros((n, W.shape[1]), x.dtype).at[col].add(msg)
    return out + b


def layer_norm(x, g, b):
    mu = jnp.mean(x, axis=-1, keepdims=True)
    var = jnp.mean((x - mu) ** 2, axis=-1, keepdims=True)
    return g * (x - mu) / jnp.sqrt(var + EPS) + b


def setup_inputs(seed: int = 0) -> dict:
    key = jax.random.key(seed)
    inp = {}
    inp["x"] = jax.random.normal(jax.random.fold_in(key, 0), (N, D), dtype=jnp.float32)
    inp["edge_index"] = jax.random.randint(jax.random.fold_in(key, 1), (2, E), 0, N, dtype=jnp.int64)
    scale = 1.0 / np.sqrt(D)
    for i in range(NUM_LAYERS):
        inp[f"W{i+1}"] = jax.random.normal(jax.random.fold_in(key, 10 + i), (D, D), dtype=jnp.float32) * scale
        inp[f"b{i+1}"] = jnp.zeros((D,), dtype=jnp.float32)
        inp[f"g{i+1}"] = jnp.ones((D,), dtype=jnp.float32)
        inp[f"be{i+1}"] = jnp.zeros((D,), dtype=jnp.float32)
    return inp


def reference(x, edge_index, W1, b1, g1, be1, W2, b2, g2, be2, W3, b3, g3, be3, W4, b4, g4, be4):
    params = [(W1, b1, g1, be1), (W2, b2, g2, be2), (W3, b3, g3, be3), (W4, b4, g4, be4)]
    h = x
    for (W, b, g, be) in params:
        h = gcn_conv(h, edge_index, W, b)
        h = layer_norm(h, g, be)
        h = jax.nn.relu(h)
        # dropout_rate=0.0 -> identity
    return h

if __name__ == "__main__":
    import jax
    _d = setup_inputs()
    print(jax.jit(kernel)(*tuple(_d.values())))

</pallas_src>

<mosaic_0001>
#map = affine_map<(d0, d1) -> (0, 0, 0, 0)>
#map1 = affine_map<(d0, d1) -> (0, 0, 0)>
#map2 = affine_map<(d0, d1) -> (0, 0)>
module attributes {stable_mosaic.version = 14 : i64} {
  func.func @_sc_edge_sum(%arg0: i32, %arg1: i32, %arg2: memref<2x16x80x128xi32, #tpu.memory_space<hbm>>, %arg3: memref<16x80x128xi32, #tpu.memory_space<hbm>>, %arg4: memref<20480x128xf32, #tpu.memory_space<hbm>>, %arg5: memref<2x10240x128xf32, #tpu.memory_space<hbm>>, %arg6: memref<40x128xi32, #tpu.memory_space<vmem>>, %arg7: memref<40x128xi32, #tpu.memory_space<vmem>>, %arg8: memref<128x128xf32, #tpu.memory_space<vmem>>, %arg9: memref<128x128xf32, #tpu.memory_space<vmem>>, %arg10: memref<10256x128xf32, #tpu.memory_space<vmem_shared>>, %arg11: memref<!tpu.dma_semaphore, #tpu.memory_space<semaphore_mem>>, %arg12: memref<!tpu.dma_semaphore, #tpu.memory_space<semaphore_mem>>) attributes {dimension_semantics = [#tpu.dimension_semantics<core_parallel>, #tpu.dimension_semantics<subcore_parallel>], iteration_bounds = array<i64: 2, 16>, scalar_prefetch = 0 : i64, scratch_operands = 7 : i64, tpu.core_type = #tpu.core_type<sc_vector_subcore>, window_params = [{transform_indices = #map}, {transform_indices = #map1}, {transform_indices = #map2}, {transform_indices = #map1}]} {
    %mul3A = arith.constant 10240 : i32
    %mul3A_0 = arith.muli %arg0, %mul3A : i32
    %mul3A_1 = arith.constant 640 : i32
    %mul3A_2 = arith.muli %arg1, %mul3A_1 : i32
    %add3A = arith.addi %mul3A_0, %mul3A_2 : i32
    %mul3A_3 = arith.constant 640 : i32
    %mul3A_4 = arith.muli %arg1, %mul3A_3 : i32
    "tpu.region"() ({
      %run_scoped3A = tpu.sem_alloc : memref<!tpu.dma_semaphore, #tpu.memory_space<semaphore_mem>>
      %dma_start3A = arith.constant 0 : i32
      %dma_start3A_15 = tpu.memref_slice %arg10[%mul3A_4, %dma_start3A] : memref<10256x128xf32, #tpu.memory_space<vmem_shared>> -> memref<640x128xf32, #tpu.memory_space<vmem_shared>>
      %dma_start3A_16 = arith.constant 0 : i32
      %dma_start3A_17 = tpu.memref_slice %arg4[%add3A, %dma_start3A_16] : memref<20480x128xf32, #tpu.memory_space<hbm>> -> memref<640x128xf32, #tpu.memory_space<hbm>>
      tpu.enqueue_dma source(%dma_start3A_17 : memref<640x128xf32, #tpu.memory_space<hbm>>) target(%dma_start3A_15 : memref<640x128xf32, #tpu.memory_space<vmem_shared>>) target_semaphore(%run_scoped3A : memref<!tpu.dma_semaphore, #tpu.memory_space<semaphore_mem>>)
      %dma_wait3A = arith.constant 0 : i32
      %dma_wait3A_18 = tpu.memref_slice %arg10[%mul3A_4, %dma_wait3A] : memref<10256x128xf32, #tpu.memory_space<vmem_shared>> -> memref<640x128xf32, #tpu.memory_space<vmem_shared>>
      %dma_wait3A_19 = arith.constant 0 : i32
      %dma_wait3A_20 = tpu.memref_slice %arg4[%add3A, %dma_wait3A_19] : memref<20480x128xf32, #tpu.memory_space<hbm>> -> memref<640x128xf32, #tpu.memory_space<hbm>>
      tpu.wait_dma2 semaphore(%run_scoped3A : memref<!tpu.dma_semaphore, #tpu.memory_space<semaphore_mem>>) src(%dma_wait3A_20 : memref<640x128xf32, #tpu.memory_space<hbm>>) dst(%dma_wait3A_18 : memref<640x128xf32, #tpu.memory_space<vmem_shared>>)
      tpu.yield
    }) : () -> ()
    %barrier3A = arith.constant 0 : index
    tpu.barrier barrier_id(%barrier3A)
    %scan3A = arith.constant 0 : i32
    %scan3A_5 = arith.constant 0 : i32
    %scan3A_6 = arith.constant 2 : i32
    %scan3A_7 = arith.addi %scan3A_5, %scan3A_6 : i32
    %scan3A_8 = arith.constant 1 : i32
    scf.for %scan3A_15 = %scan3A_5 to %scan3A_7 step %scan3A_8  : i32 {
      %mul3A_16 = arith.constant 40 : i32
      %mul3A_17 = arith.muli %scan3A_15, %mul3A_16 : i32
      "tpu.region"() ({
        %run_scoped3A = tpu.sem_alloc : memref<!tpu.dma_semaphore, #tpu.memory_space<semaphore_mem>>
        %dma_start3A_32 = arith.constant 0 : i32
        %dma_start3A_33 = tpu.memref_slice %arg2[%arg0, %arg1, %mul3A_17, %dma_start3A_32] : memref<2x16x80x128xi32, #tpu.memory_space<hbm>> -> memref<1x1x40x128xi32, #tpu.memory_space<hbm>>
        %dma_start3A_34 = tpu.memref_squeeze %dma_start3A_33 : memref<1x1x40x128xi32, #tpu.memory_space<hbm>> -> memref<40x128xi32, #tpu.memory_space<hbm>>
        %dma_start3A_35 = arith.constant 0 : i32
        %dma_start3A_36 = tpu.memref_slice %arg2[%arg0, %arg1, %mul3A_17, %dma_start3A_35] : memref<2x16x80x128xi32, #tpu.memory_space<hbm>> -> memref<1x1x40x128xi32, #tpu.memory_space<hbm>>
        %dma_start3A_37 = tpu.memref_squeeze %dma_start3A_36 : memref<1x1x40x128xi32, #tpu.memory_space<hbm>> -> memref<40x128xi32, #tpu.memory_space<hbm>>
        tpu.enqueue_dma source(%dma_start3A_37 : memref<40x128xi32, #tpu.memory_space<hbm>>) target(%arg6 : memref<40x128xi32, #tpu.memory_space<vmem>>) target_semaphore(%run_scoped3A : memref<!tpu.dma_semaphore, #tpu.memory_space<semaphore_mem>>)
        %dma_wait3A = arith.constant 0 : i32
        %dma_wait3A_38 = tpu.memref_slice %arg2[%arg0, %arg1, %mul3A_17, %dma_wait3A] : memref<2x16x80x128xi32, #tpu.memory_space<hbm>> -> memref<1x1x40x128xi32, #tpu.memory_space<hbm>>
        %dma_wait3A_39 = tpu.memref_squeeze %dma_wait3A_38 : memref<1x1x40x128xi32, #tpu.memory_space<hbm>> -> memref<40x128xi32, #tpu.memory_space<hbm>>
        %dma_wait3A_40 = arith.constant 0 : i32
        %dma_wait3A_41 = tpu.memref_slice %arg2[%arg0, %arg1, %mul3A_17, %dma_wait3A_40] : memref<2x16x80x128xi32, #tpu.memory_space<hbm>> -> memref<1x1x40x128xi32, #tpu.memory_space<hbm>>
        %dma_wait3A_42 = tpu.memref_squeeze %dma_wait3A_41 : memref<1x1x40x128xi32, #tpu.memory_space<hbm>> -> memref<40x128xi32, #tpu.memory_space<hbm>>
        tpu.wait_dma2 semaphore(%run_scoped3A : memref<!tpu.dma_semaphore, #tpu.memory_space<semaphore_mem>>) src(%dma_wait3A_42 : memref<40x128xi32, #tpu.memory_space<hbm>>) dst(%arg6 : memref<40x128xi32, #tpu.memory_space<vmem>>)
        tpu.yield
      }) : () -> ()
      %mul3A_18 = arith.constant 40 : i32
      %mul3A_19 = arith.muli %scan3A_15, %mul3A_18 : i32
      "tpu.region"() ({
        %run_scoped3A = tpu.sem_alloc : memref<!tpu.dma_semaphore, #tpu.memory_space<semaphore_mem>>
        %dma_start3A_32 = arith.constant 0 : i32
        %dma_start3A_33 = tpu.memref_slice %arg3[%arg1, %mul3A_19, %dma_start3A_32] : memref<16x80x128xi32, #tpu.memory_space<hbm>> -> memref<1x40x128xi32, #tpu.memory_space<hbm>>
        %dma_start3A_34 = tpu.memref_squeeze %dma_start3A_33 : memref<1x40x128xi32, #tpu.memory_space<hbm>> -> memref<40x128xi32, #tpu.memory_space<hbm>>
        %dma_start3A_35 = arith.constant 0 : i32
        %dma_start3A_36 = tpu.memref_slice %arg3[%arg1, %mul3A_19, %dma_start3A_35] : memref<16x80x128xi32, #tpu.memory_space<hbm>> -> memref<1x40x128xi32, #tpu.memory_space<hbm>>
        %dma_start3A_37 = tpu.memref_squeeze %dma_start3A_36 : memref<1x40x128xi32, #tpu.memory_space<hbm>> -> memref<40x128xi32, #tpu.memory_space<hbm>>
        tpu.enqueue_dma source(%dma_start3A_37 : memref<40x128xi32, #tpu.memory_space<hbm>>) target(%arg7 : memref<40x128xi32, #tpu.memory_space<vmem>>) target_semaphore(%run_scoped3A : memref<!tpu.dma_semaphore, #tpu.memory_space<semaphore_mem>>)
        %dma_wait3A = arith.constant 0 : i32
        %dma_wait3A_38 = tpu.memref_slice %arg3[%arg1, %mul3A_19, %dma_wait3A] : memref<16x80x128xi32, #tpu.memory_space<hbm>> -> memref<1x40x128xi32, #tpu.memory_space<hbm>>
        %dma_wait3A_39 = tpu.memref_squeeze %dma_wait3A_38 : memref<1x40x128xi32, #tpu.memory_space<hbm>> -> memref<40x128xi32, #tpu.memory_space<hbm>>
        %dma_wait3A_40 = arith.constant 0 : i32
        %dma_wait3A_41 = tpu.memref_slice %arg3[%arg1, %mul3A_19, %dma_wait3A_40] : memref<16x80x128xi32, #tpu.memory_space<hbm>> -> memref<1x40x128xi32, #tpu.memory_space<hbm>>
        %dma_wait3A_42 = tpu.memref_squeeze %dma_wait3A_41 : memref<1x40x128xi32, #tpu.memory_space<hbm>> -> memref<40x128xi32, #tpu.memory_space<hbm>>
        tpu.wait_dma2 semaphore(%run_scoped3A : memref<!tpu.dma_semaphore, #tpu.memory_space<semaphore_mem>>) src(%dma_wait3A_42 : memref<40x128xi32, #tpu.memory_space<hbm>>) dst(%arg7 : memref<40x128xi32, #tpu.memory_space<vmem>>)
        tpu.yield
      }) : () -> ()
      %dma_start3A = arith.constant 0 : i32
      %dma_start3A_20 = arith.constant 0 : i32
      %dma_start3A_21 = tpu.memref_slice %arg6[%dma_start3A, %dma_start3A_20] : memref<40x128xi32, #tpu.memory_space<vmem>> -> memref<1x128xi32, #tpu.memory_space<vmem>>
      %dma_start3A_22 = tpu.memref_squeeze %dma_start3A_21 : memref<1x128xi32, #tpu.memory_space<vmem>> -> memref<128xi32, #tpu.memory_space<vmem>>
      %dma_start3A_23 = arith.constant 0 : i32
      %dma_start3A_24 = arith.constant 0 : i32
      %dma_start3A_25 = tpu.memref_slice %arg4[%dma_start3A_23, %dma_start3A_24] : memref<20480x128xf32, #tpu.memory_space<hbm>> -> memref<20480x128xf32, #tpu.memory_space<hbm>>
      tpu.enqueue_indirect_dma source(%dma_start3A_25 : memref<20480x128xf32, #tpu.memory_space<hbm>>) target(%arg8 : memref<128x128xf32, #tpu.memory_space<vmem>>) offsets(%dma_start3A_22 : memref<128xi32, #tpu.memory_space<vmem>>) semaphore(%arg11 : memref<!tpu.dma_semaphore, #tpu.memory_space<semaphore_mem>>)
      %scan3A_26 = arith.constant 0 : i32
      %scan3A_27 = arith.constant 0 : i32
      %scan3A_28 = arith.constant 20 : i32
      %scan3A_29 = arith.addi %scan3A_27, %scan3A_28 : i32
      %scan3A_30 = arith.constant 1 : i32
      scf.for %scan3A_32 = %scan3A_27 to %scan3A_29 step %scan3A_30  : i32 {
        %mul3A_33 = arith.constant 2 : i32
        %mul3A_34 = arith.muli %mul3A_33, %scan3A_32 : i32
        %add3A_35 = arith.constant 1 : i32
        %add3A_36 = arith.addi %mul3A_34, %add3A_35 : i32
        %dma_start3A_37 = arith.constant 0 : i32
        %dma_start3A_38 = tpu.memref_slice %arg6[%add3A_36, %dma_start3A_37] : memref<40x128xi32, #tpu.memory_space<vmem>> -> memref<1x128xi32, #tpu.memory_space<vmem>>
        %dma_start3A_39 = tpu.memref_squeeze %dma_start3A_38 : memref<1x128xi32, #tpu.memory_space<vmem>> -> memref<128xi32, #tpu.memory_space<vmem>>
        %dma_start3A_40 = arith.constant 0 : i32
        %dma_start3A_41 = arith.constant 0 : i32
        %dma_start3A_42 = tpu.memref_slice %arg4[%dma_start3A_40, %dma_start3A_41] : memref<20480x128xf32, #tpu.memory_space<hbm>> -> memref<20480x128xf32, #tpu.memory_space<hbm>>
        tpu.enqueue_indirect_dma source(%dma_start3A_42 : memref<20480x128xf32, #tpu.memory_space<hbm>>) target(%arg9 : memref<128x128xf32, #tpu.memory_space<vmem>>) offsets(%dma_start3A_39 : memref<128xi32, #tpu.memory_space<vmem>>) semaphore(%arg12 : memref<!tpu.dma_semaphore, #tpu.memory_space<semaphore_mem>>)
        %dma_wait3A = arith.constant 0 : i32
        %dma_wait3A_43 = tpu.memref_slice %arg6[%mul3A_34, %dma_wait3A] : memref<40x128xi32, #tpu.memory_space<vmem>> -> memref<1x128xi32, #tpu.memory_space<vmem>>
        %dma_wait3A_44 = tpu.memref_squeeze %dma_wait3A_43 : memref<1x128xi32, #tpu.memory_space<vmem>> -> memref<128xi32, #tpu.memory_space<vmem>>
        %dma_wait3A_45 = arith.constant 0 : i32
        %dma_wait3A_46 = arith.constant 0 : i32
        %dma_wait3A_47 = tpu.memref_slice %arg4[%dma_wait3A_45, %dma_wait3A_46] : memref<20480x128xf32, #tpu.memory_space<hbm>> -> memref<20480x128xf32, #tpu.memory_space<hbm>>
        tpu.wait_indirect_dma semaphore(%arg11 : memref<!tpu.dma_semaphore, #tpu.memory_space<semaphore_mem>>) src(%dma_wait3A_47 : memref<20480x128xf32, #tpu.memory_space<hbm>>) dst(%arg8 : memref<128x128xf32, #tpu.memory_space<vmem>>)
        "tpu.region"() ({
          %run_scoped3A = tpu.sem_alloc : memref<!tpu.dma_semaphore, #tpu.memory_space<semaphore_mem>>
          %dma_start3A_62 = arith.constant 0 : i32
          %dma_start3A_63 = tpu.memref_slice %arg7[%mul3A_34, %dma_start3A_62] : memref<40x128xi32, #tpu.memory_space<vmem>> -> memref<1x128xi32, #tpu.memory_space<vmem>>
          %dma_start3A_64 = tpu.memref_squeeze %dma_start3A_63 : memref<1x128xi32, #tpu.memory_space<vmem>> -> memref<128xi32, #tpu.memory_space<vmem>>
          %dma_start3A_65 = arith.constant 0 : i32
          %dma_start3A_66 = arith.constant 0 : i32
          %dma_start3A_67 = tpu.memref_slice %arg10[%dma_start3A_65, %dma_start3A_66] : memref<10256x128xf32, #tpu.memory_space<vmem_shared>> -> memref<10256x128xf32, #tpu.memory_space<vmem_shared>>
          tpu.enqueue_indirect_dma source(%arg8 : memref<128x128xf32, #tpu.memory_space<vmem>>) target(%dma_start3A_67 : memref<10256x128xf32, #tpu.memory_space<vmem_shared>>) offsets(%dma_start3A_64 : memref<128xi32, #tpu.memory_space<vmem>>) semaphore(%run_scoped3A : memref<!tpu.dma_semaphore, #tpu.memory_space<semaphore_mem>>) {add = true}
          %dma_wait3A_68 = arith.constant 0 : i32
          %dma_wait3A_69 = tpu.memref_slice %arg7[%mul3A_34, %dma_wait3A_68] : memref<40x128xi32, #tpu.memory_space<vmem>> -> memref<1x128xi32, #tpu.memory_space<vmem>>
          %dma_wait3A_70 = tpu.memref_squeeze %dma_wait3A_69 : memref<1x128xi32, #tpu.memory_space<vmem>> -> memref<128xi32, #tpu.memory_space<vmem>>
          %dma_wait3A_71 = arith.constant 0 : i32
          %dma_wait3A_72 = arith.constant 0 : i32
          %dma_wait3A_73 = tpu.memref_slice %arg10[%dma_wait3A_71, %dma_wait3A_72] : memref<10256x128xf32, #tpu.memory_space<vmem_shared>> -> memref<10256x128xf32, #tpu.memory_space<vmem_shared>>
          tpu.wait_indirect_dma semaphore(%run_scoped3A : memref<!tpu.dma_semaphore, #tpu.memory_space<semaphore_mem>>) src(%arg8 : memref<128x128xf32, #tpu.memory_space<vmem>>) dst(%dma_wait3A_73 : memref<10256x128xf32, #tpu.memory_space<vmem_shared>>)
          tpu.yield
        }) : () -> ()
        %add3A_48 = arith.constant 2 : i32
        %add3A_49 = arith.addi %mul3A_34, %add3A_48 : i32
        %lt3A = arith.constant 40 : i32
        %lt3A_50 = arith.cmpi slt, %add3A_49, %lt3A : i32
        %convert_element_type3A = arith.extui %lt3A_50 : i1 to i32
        %cond3A = arith.constant 0 : i32
        %cond3A_51 = arith.cmpi ne, %convert_element_type3A, %cond3A : i32
        scf.if %cond3A_51 {
          %add3A_62 = arith.constant 2 : i32
          %add3A_63 = arith.addi %mul3A_34, %add3A_62 : i32
          %dma_start3A_64 = arith.constant 0 : i32
          %dma_start3A_65 = tpu.memref_slice %arg6[%add3A_63, %dma_start3A_64] : memref<40x128xi32, #tpu.memory_space<vmem>> -> memref<1x128xi32, #tpu.memory_space<vmem>>
          %dma_start3A_66 = tpu.memref_squeeze %dma_start3A_65 : memref<1x128xi32, #tpu.memory_space<vmem>> -> memref<128xi32, #tpu.memory_space<vmem>>
          %dma_start3A_67 = arith.constant 0 : i32
          %dma_start3A_68 = arith.constant 0 : i32
          %dma_start3A_69 = tpu.memref_slice %arg4[%dma_start3A_67, %dma_start3A_68] : memref<20480x128xf32, #tpu.memory_space<hbm>> -> memref<20480x128xf32, #tpu.memory_space<hbm>>
          tpu.enqueue_indirect_dma source(%dma_start3A_69 : memref<20480x128xf32, #tpu.memory_space<hbm>>) target(%arg8 : memref<128x128xf32, #tpu.memory_space<vmem>>) offsets(%dma_start3A_66 : memref<128xi32, #tpu.memory_space<vmem>>) semaphore(%arg11 : memref<!tpu.dma_semaphore, #tpu.memory_space<semaphore_mem>>)
        } else {
        }
        %add3A_52 = arith.constant 1 : i32
        %add3A_53 = arith.addi %mul3A_34, %add3A_52 : i32
        %dma_wait3A_54 = arith.constant 0 : i32
        %dma_wait3A_55 = tpu.memref_slice %arg6[%add3A_53, %dma_wait3A_54] : memref<40x128xi32, #tpu.memory_space<vmem>> -> memref<1x128xi32, #tpu.memory_space<vmem>>
        %dma_wait3A_56 = tpu.memref_squeeze %dma_wait3A_55 : memref<1x128xi32, #tpu.memory_space<vmem>> -> memref<128xi32, #tpu.memory_space<vmem>>
        %dma_wait3A_57 = arith.constant 0 : i32
        %dma_wait3A_58 = arith.constant 0 : i32
        %dma_wait3A_59 = tpu.memref_slice %arg4[%dma_wait3A_57, %dma_wait3A_58] : memref<20480x128xf32, #tpu.memory_space<hbm>> -> memref<20480x128xf32, #tpu.memory_space<hbm>>
        tpu.wait_indirect_dma semaphore(%arg12 : memref<!tpu.dma_semaphore, #tpu.memory_space<semaphore_mem>>) src(%dma_wait3A_59 : memref<20480x128xf32, #tpu.memory_space<hbm>>) dst(%arg9 : memref<128x128xf32, #tpu.memory_space<vmem>>)
        %add3A_60 = arith.constant 1 : i32
        %add3A_61 = arith.addi %mul3A_34, %add3A_60 : i32
        "tpu.region"() ({
          %run_scoped3A = tpu.sem_alloc : memref<!tpu.dma_semaphore, #tpu.memory_space<semaphore_mem>>
          %dma_start3A_62 = arith.constant 0 : i32
          %dma_start3A_63 = tpu.memref_slice %arg7[%add3A_61, %dma_start3A_62] : memref<40x128xi32, #tpu.memory_space<vmem>> -> memref<1x128xi32, #tpu.memory_space<vmem>>
          %dma_start3A_64 = tpu.memref_squeeze %dma_start3A_63 : memref<1x128xi32, #tpu.memory_space<vmem>> -> memref<128xi32, #tpu.memory_space<vmem>>
          %dma_start3A_65 = arith.constant 0 : i32
          %dma_start3A_66 = arith.constant 0 : i32
          %dma_start3A_67 = tpu.memref_slice %arg10[%dma_start3A_65, %dma_start3A_66] : memref<10256x128xf32, #tpu.memory_space<vmem_shared>> -> memref<10256x128xf32, #tpu.memory_space<vmem_shared>>
          tpu.enqueue_indirect_dma source(%arg9 : memref<128x128xf32, #tpu.memory_space<vmem>>) target(%dma_start3A_67 : memref<10256x128xf32, #tpu.memory_space<vmem_shared>>) offsets(%dma_start3A_64 : memref<128xi32, #tpu.memory_space<vmem>>) semaphore(%run_scoped3A : memref<!tpu.dma_semaphore, #tpu.memory_space<semaphore_mem>>) {add = true}
          %dma_wait3A_68 = arith.constant 0 : i32
          %dma_wait3A_69 = tpu.memref_slice %arg7[%add3A_61, %dma_wait3A_68] : memref<40x128xi32, #tpu.memory_space<vmem>> -> memref<1x128xi32, #tpu.memory_space<vmem>>
          %dma_wait3A_70 = tpu.memref_squeeze %dma_wait3A_69 : memref<1x128xi32, #tpu.memory_space<vmem>> -> memref<128xi32, #tpu.memory_space<vmem>>
          %dma_wait3A_71 = arith.constant 0 : i32
          %dma_wait3A_72 = arith.constant 0 : i32
          %dma_wait3A_73 = tpu.memref_slice %arg10[%dma_wait3A_71, %dma_wait3A_72] : memref<10256x128xf32, #tpu.memory_space<vmem_shared>> -> memref<10256x128xf32, #tpu.memory_space<vmem_shared>>
          tpu.wait_indirect_dma semaphore(%run_scoped3A : memref<!tpu.dma_semaphore, #tpu.memory_space<semaphore_mem>>) src(%arg9 : memref<128x128xf32, #tpu.memory_space<vmem>>) dst(%dma_wait3A_73 : memref<10256x128xf32, #tpu.memory_space<vmem_shared>>)
          tpu.yield
        }) : () -> ()
      }
      %scan3A_31 = arith.constant 20 : i32
    }
    %scan3A_9 = arith.constant 2 : i32
    %barrier3A_10 = arith.constant 0 : index
    tpu.barrier barrier_id(%barrier3A_10)
    %mul3A_11 = arith.constant 640 : i32
    %mul3A_12 = arith.muli %arg1, %mul3A_11 : i32
    %mul3A_13 = arith.constant 640 : i32
    %mul3A_14 = arith.muli %arg1, %mul3A_13 : i32
    "tpu.region"() ({
      %run_scoped3A = tpu.sem_alloc : memref<!tpu.dma_semaphore, #tpu.memory_space<semaphore_mem>>
      %dma_start3A = arith.constant 0 : i32
      %dma_start3A_15 = tpu.memref_slice %arg5[%arg0, %mul3A_14, %dma_start3A] : memref<2x10240x128xf32, #tpu.memory_space<hbm>> -> memref<1x640x128xf32, #tpu.memory_space<hbm>>
      %dma_start3A_16 = tpu.memref_squeeze %dma_start3A_15 : memref<1x640x128xf32, #tpu.memory_space<hbm>> -> memref<640x128xf32, #tpu.memory_space<hbm>>
      %dma_start3A_17 = arith.constant 0 : i32
      %dma_start3A_18 = tpu.memref_slice %arg10[%mul3A_12, %dma_start3A_17] : memref<10256x128xf32, #tpu.memory_space<vmem_shared>> -> memref<640x128xf32, #tpu.memory_space<vmem_shared>>
      tpu.enqueue_dma source(%dma_start3A_18 : memref<640x128xf32, #tpu.memory_space<vmem_shared>>) target(%dma_start3A_16 : memref<640x128xf32, #tpu.memory_space<hbm>>) target_semaphore(%run_scoped3A : memref<!tpu.dma_semaphore, #tpu.memory_space<semaphore_mem>>)
      %dma_wait3A = arith.constant 0 : i32
      %dma_wait3A_19 = tpu.memref_slice %arg5[%arg0, %mul3A_14, %dma_wait3A] : memref<2x10240x128xf32, #tpu.memory_space<hbm>> -> memref<1x640x128xf32, #tpu.memory_space<hbm>>
      %dma_wait3A_20 = tpu.memref_squeeze %dma_wait3A_19 : memref<1x640x128xf32, #tpu.memory_space<hbm>> -> memref<640x128xf32, #tpu.memory_space<hbm>>
      %dma_wait3A_21 = arith.constant 0 : i32
      %dma_wait3A_22 = tpu.memref_slice %arg10[%mul3A_12, %dma_wait3A_21] : memref<10256x128xf32, #tpu.memory_space<vmem_shared>> -> memref<640x128xf32, #tpu.memory_space<vmem_shared>>
      tpu.wait_dma2 semaphore(%run_scoped3A : memref<!tpu.dma_semaphore, #tpu.memory_space<semaphore_mem>>) src(%dma_wait3A_22 : memref<640x128xf32, #tpu.memory_space<vmem_shared>>) dst(%dma_wait3A_20 : memref<640x128xf32, #tpu.memory_space<hbm>>)
      tpu.yield
    }) : () -> ()
    return
  }
}

#map = affine_map<(d0, d1) -> (0, 0, 0)>
#map1 = affine_map<(d0, d1) -> (0, 0)>
module attributes {stable_mosaic.version = 14 : i64} {
  func.func @_sc_degree(%arg0: i32, %arg1: i32, %arg2: memref<32x40x128xi32, #tpu.memory_space<hbm>>, %arg3: memref<10240x128xf32, #tpu.memory_space<hbm>>, %arg4: memref<128x128xf32, #tpu.memory_space<hbm>>, %arg5: memref<2x10240x128xf32, #tpu.memory_space<hbm>>, %arg6: memref<40x128xi32, #tpu.memory_space<vmem>>, %arg7: memref<128x128xf32, #tpu.memory_space<vmem>>, %arg8: memref<10256x128xf32, #tpu.memory_space<vmem_shared>>) attributes {dimension_semantics = [#tpu.dimension_semantics<core_parallel>, #tpu.dimension_semantics<subcore_parallel>], iteration_bounds = array<i64: 2, 16>, scalar_prefetch = 0 : i64, scratch_operands = 3 : i64, tpu.core_type = #tpu.core_type<sc_vector_subcore>, window_params = [{transform_indices = #map}, {transform_indices = #map1}, {transform_indices = #map1}, {transform_indices = #map}]} {
    %mul3A = arith.constant 640 : i32
    %mul3A_0 = arith.muli %arg1, %mul3A : i32
    %mul3A_1 = arith.constant 640 : i32
    %mul3A_2 = arith.muli %arg1, %mul3A_1 : i32
    "tpu.region"() ({
      %run_scoped3A = tpu.sem_alloc : memref<!tpu.dma_semaphore, #tpu.memory_space<semaphore_mem>>
      %dma_start3A = arith.constant 0 : i32
      %dma_start3A_15 = tpu.memref_slice %arg8[%mul3A_2, %dma_start3A] : memref<10256x128xf32, #tpu.memory_space<vmem_shared>> -> memref<640x128xf32, #tpu.memory_space<vmem_shared>>
      %dma_start3A_16 = arith.constant 0 : i32
      %dma_start3A_17 = tpu.memref_slice %arg3[%mul3A_0, %dma_start3A_16] : memref<10240x128xf32, #tpu.memory_space<hbm>> -> memref<640x128xf32, #tpu.memory_space<hbm>>
      tpu.enqueue_dma source(%dma_start3A_17 : memref<640x128xf32, #tpu.memory_space<hbm>>) target(%dma_start3A_15 : memref<640x128xf32, #tpu.memory_space<vmem_shared>>) target_semaphore(%run_scoped3A : memref<!tpu.dma_semaphore, #tpu.memory_space<semaphore_mem>>)
      %dma_wait3A = arith.constant 0 : i32
      %dma_wait3A_18 = tpu.memref_slice %arg8[%mul3A_2, %dma_wait3A] : memref<10256x128xf32, #tpu.memory_space<vmem_shared>> -> memref<640x128xf32, #tpu.memory_space<vmem_shared>>
      %dma_wait3A_19 = arith.constant 0 : i32
      %dma_wait3A_20 = tpu.memref_slice %arg3[%mul3A_0, %dma_wait3A_19] : memref<10240x128xf32, #tpu.memory_space<hbm>> -> memref<640x128xf32, #tpu.memory_space<hbm>>
      tpu.wait_dma2 semaphore(%run_scoped3A : memref<!tpu.dma_semaphore, #tpu.memory_space<semaphore_mem>>) src(%dma_wait3A_20 : memref<640x128xf32, #tpu.memory_space<hbm>>) dst(%dma_wait3A_18 : memref<640x128xf32, #tpu.memory_space<vmem_shared>>)
      tpu.yield
    }) : () -> ()
    "tpu.region"() ({
      %run_scoped3A = tpu.sem_alloc : memref<!tpu.dma_semaphore, #tpu.memory_space<semaphore_mem>>
      tpu.enqueue_dma source(%arg4 : memref<128x128xf32, #tpu.memory_space<hbm>>) target(%arg7 : memref<128x128xf32, #tpu.memory_space<vmem>>) target_semaphore(%run_scoped3A : memref<!tpu.dma_semaphore, #tpu.memory_space<semaphore_mem>>)
      tpu.wait_dma2 semaphore(%run_scoped3A : memref<!tpu.dma_semaphore, #tpu.memory_space<semaphore_mem>>) src(%arg4 : memref<128x128xf32, #tpu.memory_space<hbm>>) dst(%arg7 : memref<128x128xf32, #tpu.memory_space<vmem>>)
      tpu.yield
    }) : () -> ()
    %mul3A_3 = arith.constant 16 : i32
    %mul3A_4 = arith.muli %arg0, %mul3A_3 : i32
    %add3A = arith.addi %mul3A_4, %arg1 : i32
    "tpu.region"() ({
      %run_scoped3A = tpu.sem_alloc : memref<!tpu.dma_semaphore, #tpu.memory_space<semaphore_mem>>
      %dma_start3A = arith.constant 0 : i32
      %dma_start3A_15 = arith.constant 0 : i32
      %dma_start3A_16 = tpu.memref_slice %arg2[%add3A, %dma_start3A, %dma_start3A_15] : memref<32x40x128xi32, #tpu.memory_space<hbm>> -> memref<1x40x128xi32, #tpu.memory_space<hbm>>
      %dma_start3A_17 = tpu.memref_squeeze %dma_start3A_16 : memref<1x40x128xi32, #tpu.memory_space<hbm>> -> memref<40x128xi32, #tpu.memory_space<hbm>>
      %dma_start3A_18 = arith.constant 0 : i32
      %dma_start3A_19 = arith.constant 0 : i32
      %dma_start3A_20 = tpu.memref_slice %arg2[%add3A, %dma_start3A_18, %dma_start3A_19] : memref<32x40x128xi32, #tpu.memory_space<hbm>> -> memref<1x40x128xi32, #tpu.memory_space<hbm>>
      %dma_start3A_21 = tpu.memref_squeeze %dma_start3A_20 : memref<1x40x128xi32, #tpu.memory_space<hbm>> -> memref<40x128xi32, #tpu.memory_space<hbm>>
      tpu.enqueue_dma source(%dma_start3A_21 : memref<40x128xi32, #tpu.memory_space<hbm>>) target(%arg6 : memref<40x128xi32, #tpu.memory_space<vmem>>) target_semaphore(%run_scoped3A : memref<!tpu.dma_semaphore, #tpu.memory_space<semaphore_mem>>)
      %dma_wait3A = arith.constant 0 : i32
      %dma_wait3A_22 = arith.constant 0 : i32
      %dma_wait3A_23 = tpu.memref_slice %arg2[%add3A, %dma_wait3A, %dma_wait3A_22] : memref<32x40x128xi32, #tpu.memory_space<hbm>> -> memref<1x40x128xi32, #tpu.memory_space<hbm>>
      %dma_wait3A_24 = tpu.memref_squeeze %dma_wait3A_23 : memref<1x40x128xi32, #tpu.memory_space<hbm>> -> memref<40x128xi32, #tpu.memory_space<hbm>>
      %dma_wait3A_25 = arith.constant 0 : i32
      %dma_wait3A_26 = arith.constant 0 : i32
      %dma_wait3A_27 = tpu.memref_slice %arg2[%add3A, %dma_wait3A_25, %dma_wait3A_26] : memref<32x40x128xi32, #tpu.memory_space<hbm>> -> memref<1x40x128xi32, #tpu.memory_space<hbm>>
      %dma_wait3A_28 = tpu.memref_squeeze %dma_wait3A_27 : memref<1x40x128xi32, #tpu.memory_space<hbm>> -> memref<40x128xi32, #tpu.memory_space<hbm>>
      tpu.wait_dma2 semaphore(%run_scoped3A : memref<!tpu.dma_semaphore, #tpu.memory_space<semaphore_mem>>) src(%dma_wait3A_28 : memref<40x128xi32, #tpu.memory_space<hbm>>) dst(%arg6 : memref<40x128xi32, #tpu.memory_space<vmem>>)
      tpu.yield
    }) : () -> ()
    %barrier3A = arith.constant 0 : index
    tpu.barrier barrier_id(%barrier3A)
    %scan3A = arith.constant 0 : i32
    %scan3A_5 = arith.constant 0 : i32
    %scan3A_6 = arith.constant 40 : i32
    %scan3A_7 = arith.addi %scan3A_5, %scan3A_6 : i32
    %scan3A_8 = arith.constant 1 : i32
    scf.for %scan3A_15 = %scan3A_5 to %scan3A_7 step %scan3A_8  : i32 {
      "tpu.region"() ({
        %run_scoped3A = tpu.sem_alloc : memref<!tpu.dma_semaphore, #tpu.memory_space<semaphore_mem>>
        %dma_start3A = arith.constant 0 : i32
        %dma_start3A_16 = tpu.memref_slice %arg6[%scan3A_15, %dma_start3A] : memref<40x128xi32, #tpu.memory_space<vmem>> -> memref<1x128xi32, #tpu.memory_space<vmem>>
        %dma_start3A_17 = tpu.memref_squeeze %dma_start3A_16 : memref<1x128xi32, #tpu.memory_space<vmem>> -> memref<128xi32, #tpu.memory_space<vmem>>
        %dma_start3A_18 = arith.constant 0 : i32
        %dma_start3A_19 = arith.constant 0 : i32
        %dma_start3A_20 = tpu.memref_slice %arg8[%dma_start3A_18, %dma_start3A_19] : memref<10256x128xf32, #tpu.memory_space<vmem_shared>> -> memref<10256x128xf32, #tpu.memory_space<vmem_shared>>
        tpu.enqueue_indirect_dma source(%arg7 : memref<128x128xf32, #tpu.memory_space<vmem>>) target(%dma_start3A_20 : memref<10256x128xf32, #tpu.memory_space<vmem_shared>>) offsets(%dma_start3A_17 : memref<128xi32, #tpu.memory_space<vmem>>) semaphore(%run_scoped3A : memref<!tpu.dma_semaphore, #tpu.memory_space<semaphore_mem>>) {add = true}
        %dma_wait3A = arith.constant 0 : i32
        %dma_wait3A_21 = tpu.memref_slice %arg6[%scan3A_15, %dma_wait3A] : memref<40x128xi32, #tpu.memory_space<vmem>> -> memref<1x128xi32, #tpu.memory_space<vmem>>
        %dma_wait3A_22 = tpu.memref_squeeze %dma_wait3A_21 : memref<1x128xi32, #tpu.memory_space<vmem>> -> memref<128xi32, #tpu.memory_space<vmem>>
        %dma_wait3A_23 = arith.constant 0 : i32
        %dma_wait3A_24 = arith.constant 0 : i32
        %dma_wait3A_25 = tpu.memref_slice %arg8[%dma_wait3A_23, %dma_wait3A_24] : memref<10256x128xf32, #tpu.memory_space<vmem_shared>> -> memref<10256x128xf32, #tpu.memory_space<vmem_shared>>
        tpu.wait_indirect_dma semaphore(%run_scoped3A : memref<!tpu.dma_semaphore, #tpu.memory_space<semaphore_mem>>) src(%arg7 : memref<128x128xf32, #tpu.memory_space<vmem>>) dst(%dma_wait3A_25 : memref<10256x128xf32, #tpu.memory_space<vmem_shared>>)
        tpu.yield
      }) : () -> ()
    }
    %scan3A_9 = arith.constant 40 : i32
    %barrier3A_10 = arith.constant 0 : index
    tpu.barrier barrier_id(%barrier3A_10)
    %mul3A_11 = arith.constant 640 : i32
    %mul3A_12 = arith.muli %arg1, %mul3A_11 : i32
    %mul3A_13 = arith.constant 640 : i32
    %mul3A_14 = arith.muli %arg1, %mul3A_13 : i32
    "tpu.region"() ({
      %run_scoped3A = tpu.sem_alloc : memref<!tpu.dma_semaphore, #tpu.memory_space<semaphore_mem>>
      %dma_start3A = arith.constant 0 : i32
      %dma_start3A_15 = tpu.memref_slice %arg5[%arg0, %mul3A_14, %dma_start3A] : memref<2x10240x128xf32, #tpu.memory_space<hbm>> -> memref<1x640x128xf32, #tpu.memory_space<hbm>>
      %dma_start3A_16 = tpu.memref_squeeze %dma_start3A_15 : memref<1x640x128xf32, #tpu.memory_space<hbm>> -> memref<640x128xf32, #tpu.memory_space<hbm>>
      %dma_start3A_17 = arith.constant 0 : i32
      %dma_start3A_18 = tpu.memref_slice %arg8[%mul3A_12, %dma_start3A_17] : memref<10256x128xf32, #tpu.memory_space<vmem_shared>> -> memref<640x128xf32, #tpu.memory_space<vmem_shared>>
      tpu.enqueue_dma source(%dma_start3A_18 : memref<640x128xf32, #tpu.memory_space<vmem_shared>>) target(%dma_start3A_16 : memref<640x128xf32, #tpu.memory_space<hbm>>) target_semaphore(%run_scoped3A : memref<!tpu.dma_semaphore, #tpu.memory_space<semaphore_mem>>)
      %dma_wait3A = arith.constant 0 : i32
      %dma_wait3A_19 = tpu.memref_slice %arg5[%arg0, %mul3A_14, %dma_wait3A] : memref<2x10240x128xf32, #tpu.memory_space<hbm>> -> memref<1x640x128xf32, #tpu.memory_space<hbm>>
      %dma_wait3A_20 = tpu.memref_squeeze %dma_wait3A_19 : memref<1x640x128xf32, #tpu.memory_space<hbm>> -> memref<640x128xf32, #tpu.memory_space<hbm>>
      %dma_wait3A_21 = arith.constant 0 : i32
      %dma_wait3A_22 = tpu.memref_slice %arg8[%mul3A_12, %dma_wait3A_21] : memref<10256x128xf32, #tpu.memory_space<vmem_shared>> -> memref<640x128xf32, #tpu.memory_space<vmem_shared>>
      tpu.wait_dma2 semaphore(%run_scoped3A : memref<!tpu.dma_semaphore, #tpu.memory_space<semaphore_mem>>) src(%dma_wait3A_22 : memref<640x128xf32, #tpu.memory_space<vmem_shared>>) dst(%dma_wait3A_20 : memref<640x128xf32, #tpu.memory_space<hbm>>)
      tpu.yield
    }) : () -> ()
    return
  }
}

#map = affine_map<(d0, d1) -> (0, 0, 0, 0)>
#map1 = affine_map<(d0, d1) -> (0, 0, 0)>
#map2 = affine_map<(d0, d1) -> (0, 0)>
module attributes {stable_mosaic.version = 14 : i64} {
  func.func @_sc_edge_sum(%arg0: i32, %arg1: i32, %arg2: memref<2x16x80x128xi32, #tpu.memory_space<hbm>>, %arg3: memref<16x80x128xi32, #tpu.memory_space<hbm>>, %arg4: memref<20480x128xf32, #tpu.memory_space<hbm>>, %arg5: memref<2x10240x128xf32, #tpu.memory_space<hbm>>, %arg6: memref<40x128xi32, #tpu.memory_space<vmem>>, %arg7: memref<40x128xi32, #tpu.memory_space<vmem>>, %arg8: memref<128x128xf32, #tpu.memory_space<vmem>>, %arg9: memref<128x128xf32, #tpu.memory_space<vmem>>, %arg10: memref<10256x128xf32, #tpu.memory_space<vmem_shared>>, %arg11: memref<!tpu.dma_semaphore, #tpu.memory_space<semaphore_mem>>, %arg12: memref<!tpu.dma_semaphore, #tpu.memory_space<semaphore_mem>>) attributes {dimension_semantics = [#tpu.dimension_semantics<core_parallel>, #tpu.dimension_semantics<subcore_parallel>], iteration_bounds = array<i64: 2, 16>, scalar_prefetch = 0 : i64, scratch_operands = 7 : i64, tpu.core_type = #tpu.core_type<sc_vector_subcore>, window_params = [{transform_indices = #map}, {transform_indices = #map1}, {transform_indices = #map2}, {transform_indices = #map1}]} {
    %mul3A = arith.constant 10240 : i32
    %mul3A_0 = arith.muli %arg0, %mul3A : i32
    %mul3A_1 = arith.constant 640 : i32
    %mul3A_2 = arith.muli %arg1, %mul3A_1 : i32
    %add3A = arith.addi %mul3A_0, %mul3A_2 : i32
    %mul3A_3 = arith.constant 640 : i32
    %mul3A_4 = arith.muli %arg1, %mul3A_3 : i32
    "tpu.region"() ({
      %run_scoped3A = tpu.sem_alloc : memref<!tpu.dma_semaphore, #tpu.memory_space<semaphore_mem>>
      %dma_start3A = arith.constant 0 : i32
      %dma_start3A_15 = tpu.memref_slice %arg10[%mul3A_4, %dma_start3A] : memref<10256x128xf32, #tpu.memory_space<vmem_shared>> -> memref<640x128xf32, #tpu.memory_space<vmem_shared>>
      %dma_start3A_16 = arith.constant 0 : i32
      %dma_start3A_17 = tpu.memref_slice %arg4[%add3A, %dma_start3A_16] : memref<20480x128xf32, #tpu.memory_space<hbm>> -> memref<640x128xf32, #tpu.memory_space<hbm>>
      tpu.enqueue_dma source(%dma_start3A_17 : memref<640x128xf32, #tpu.memory_space<hbm>>) target(%dma_start3A_15 : memref<640x128xf32, #tpu.memory_space<vmem_shared>>) target_semaphore(%run_scoped3A : memref<!tpu.dma_semaphore, #tpu.memory_space<semaphore_mem>>)
      %dma_wait3A = arith.constant 0 : i32
      %dma_wait3A_18 = tpu.memref_slice %arg10[%mul3A_4, %dma_wait3A] : memref<10256x128xf32, #tpu.memory_space<vmem_shared>> -> memref<640x128xf32, #tpu.memory_space<vmem_shared>>
      %dma_wait3A_19 = arith.constant 0 : i32
      %dma_wait3A_20 = tpu.memref_slice %arg4[%add3A, %dma_wait3A_19] : memref<20480x128xf32, #tpu.memory_space<hbm>> -> memref<640x128xf32, #tpu.memory_space<hbm>>
      tpu.wait_dma2 semaphore(%run_scoped3A : memref<!tpu.dma_semaphore, #tpu.memory_space<semaphore_mem>>) src(%dma_wait3A_20 : memref<640x128xf32, #tpu.memory_space<hbm>>) dst(%dma_wait3A_18 : memref<640x128xf32, #tpu.memory_space<vmem_shared>>)
      tpu.yield
    }) : () -> ()
    %barrier3A = arith.constant 0 : index
    tpu.barrier barrier_id(%barrier3A)
    %scan3A = arith.constant 0 : i32
    %scan3A_5 = arith.constant 0 : i32
    %scan3A_6 = arith.constant 2 : i32
    %scan3A_7 = arith.addi %scan3A_5, %scan3A_6 : i32
    %scan3A_8 = arith.constant 1 : i32
    scf.for %scan3A_15 = %scan3A_5 to %scan3A_7 step %scan3A_8  : i32 {
      %mul3A_16 = arith.constant 40 : i32
      %mul3A_17 = arith.muli %scan3A_15, %mul3A_16 : i32
      "tpu.region"() ({
        %run_scoped3A = tpu.sem_alloc : memref<!tpu.dma_semaphore, #tpu.memory_space<semaphore_mem>>
        %dma_start3A_32 = arith.constant 0 : i32
        %dma_start3A_33 = tpu.memref_slice %arg2[%arg0, %arg1, %mul3A_17, %dma_start3A_32] : memref<2x16x80x128xi32, #tpu.memory_space<hbm>> -> memref<1x1x40x128xi32, #tpu.memory_space<hbm>>
        %dma_start3A_34 = tpu.memref_squeeze %dma_start3A_33 : memref<1x1x40x128xi32, #tpu.memory_space<hbm>> -> memref<40x128xi32, #tpu.memory_space<hbm>>
        %dma_start3A_35 = arith.constant 0 : i32
        %dma_start3A_36 = tpu.memref_slice %arg2[%arg0, %arg1, %mul3A_17, %dma_start3A_35] : memref<2x16x80x128xi32, #tpu.memory_space<hbm>> -> memref<1x1x40x128xi32, #tpu.memory_space<hbm>>
        %dma_start3A_37 = tpu.memref_squeeze %dma_start3A_36 : memref<1x1x40x128xi32, #tpu.memory_space<hbm>> -> memref<40x128xi32, #tpu.memory_space<hbm>>
        tpu.enqueue_dma source(%dma_start3A_37 : memref<40x128xi32, #tpu.memory_space<hbm>>) target(%arg6 : memref<40x128xi32, #tpu.memory_space<vmem>>) target_semaphore(%run_scoped3A : memref<!tpu.dma_semaphore, #tpu.memory_space<semaphore_mem>>)
        %dma_wait3A = arith.constant 0 : i32
        %dma_wait3A_38 = tpu.memref_slice %arg2[%arg0, %arg1, %mul3A_17, %dma_wait3A] : memref<2x16x80x128xi32, #tpu.memory_space<hbm>> -> memref<1x1x40x128xi32, #tpu.memory_space<hbm>>
        %dma_wait3A_39 = tpu.memref_squeeze %dma_wait3A_38 : memref<1x1x40x128xi32, #tpu.memory_space<hbm>> -> memref<40x128xi32, #tpu.memory_space<hbm>>
        %dma_wait3A_40 = arith.constant 0 : i32
        %dma_wait3A_41 = tpu.memref_slice %arg2[%arg0, %arg1, %mul3A_17, %dma_wait3A_40] : memref<2x16x80x128xi32, #tpu.memory_space<hbm>> -> memref<1x1x40x128xi32, #tpu.memory_space<hbm>>
        %dma_wait3A_42 = tpu.memref_squeeze %dma_wait3A_41 : memref<1x1x40x128xi32, #tpu.memory_space<hbm>> -> memref<40x128xi32, #tpu.memory_space<hbm>>
        tpu.wait_dma2 semaphore(%run_scoped3A : memref<!tpu.dma_semaphore, #tpu.memory_space<semaphore_mem>>) src(%dma_wait3A_42 : memref<40x128xi32, #tpu.memory_space<hbm>>) dst(%arg6 : memref<40x128xi32, #tpu.memory_space<vmem>>)
        tpu.yield
      }) : () -> ()
      %mul3A_18 = arith.constant 40 : i32
      %mul3A_19 = arith.muli %scan3A_15, %mul3A_18 : i32
      "tpu.region"() ({
        %run_scoped3A = tpu.sem_alloc : memref<!tpu.dma_semaphore, #tpu.memory_space<semaphore_mem>>
        %dma_start3A_32 = arith.constant 0 : i32
        %dma_start3A_33 = tpu.memref_slice %arg3[%arg1, %mul3A_19, %dma_start3A_32] : memref<16x80x128xi32, #tpu.memory_space<hbm>> -> memref<1x40x128xi32, #tpu.memory_space<hbm>>
        %dma_start3A_34 = tpu.memref_squeeze %dma_start3A_33 : memref<1x40x128xi32, #tpu.memory_space<hbm>> -> memref<40x128xi32, #tpu.memory_space<hbm>>
        %dma_start3A_35 = arith.constant 0 : i32
        %dma_start3A_36 = tpu.memref_slice %arg3[%arg1, %mul3A_19, %dma_start3A_35] : memref<16x80x128xi32, #tpu.memory_space<hbm>> -> memref<1x40x128xi32, #tpu.memory_space<hbm>>
        %dma_start3A_37 = tpu.memref_squeeze %dma_start3A_36 : memref<1x40x128xi32, #tpu.memory_space<hbm>> -> memref<40x128xi32, #tpu.memory_space<hbm>>
        tpu.enqueue_dma source(%dma_start3A_37 : memref<40x128xi32, #tpu.memory_space<hbm>>) target(%arg7 : memref<40x128xi32, #tpu.memory_space<vmem>>) target_semaphore(%run_scoped3A : memref<!tpu.dma_semaphore, #tpu.memory_space<semaphore_mem>>)
        %dma_wait3A = arith.constant 0 : i32
        %dma_wait3A_38 = tpu.memref_slice %arg3[%arg1, %mul3A_19, %dma_wait3A] : memref<16x80x128xi32, #tpu.memory_space<hbm>> -> memref<1x40x128xi32, #tpu.memory_space<hbm>>
        %dma_wait3A_39 = tpu.memref_squeeze %dma_wait3A_38 : memref<1x40x128xi32, #tpu.memory_space<hbm>> -> memref<40x128xi32, #tpu.memory_space<hbm>>
        %dma_wait3A_40 = arith.constant 0 : i32
        %dma_wait3A_41 = tpu.memref_slice %arg3[%arg1, %mul3A_19, %dma_wait3A_40] : memref<16x80x128xi32, #tpu.memory_space<hbm>> -> memref<1x40x128xi32, #tpu.memory_space<hbm>>
        %dma_wait3A_42 = tpu.memref_squeeze %dma_wait3A_41 : memref<1x40x128xi32, #tpu.memory_space<hbm>> -> memref<40x128xi32, #tpu.memory_space<hbm>>
        tpu.wait_dma2 semaphore(%run_scoped3A : memref<!tpu.dma_semaphore, #tpu.memory_space<semaphore_mem>>) src(%dma_wait3A_42 : memref<40x128xi32, #tpu.memory_space<hbm>>) dst(%arg7 : memref<40x128xi32, #tpu.memory_space<vmem>>)
        tpu.yield
      }) : () -> ()
      %dma_start3A = arith.constant 0 : i32
      %dma_start3A_20 = arith.constant 0 : i32
      %dma_start3A_21 = tpu.memref_slice %arg6[%dma_start3A, %dma_start3A_20] : memref<40x128xi32, #tpu.memory_space<vmem>> -> memref<1x128xi32, #tpu.memory_space<vmem>>
      %dma_start3A_22 = tpu.memref_squeeze %dma_start3A_21 : memref<1x128xi32, #tpu.memory_space<vmem>> -> memref<128xi32, #tpu.memory_space<vmem>>
      %dma_start3A_23 = arith.constant 0 : i32
      %dma_start3A_24 = arith.constant 0 : i32
      %dma_start3A_25 = tpu.memref_slice %arg4[%dma_start3A_23, %dma_start3A_24] : memref<20480x128xf32, #tpu.memory_space<hbm>> -> memref<20480x128xf32, #tpu.memory_space<hbm>>
      tpu.enqueue_indirect_dma source(%dma_start3A_25 : memref<20480x128xf32, #tpu.memory_space<hbm>>) target(%arg8 : memref<128x128xf32, #tpu.memory_space<vmem>>) offsets(%dma_start3A_22 : memref<128xi32, #tpu.memory_space<vmem>>) semaphore(%arg11 : memref<!tpu.dma_semaphore, #tpu.memory_space<semaphore_mem>>)
      %scan3A_26 = arith.constant 0 : i32
      %scan3A_27 = arith.constant 0 : i32
      %scan3A_28 = arith.constant 20 : i32
      %scan3A_29 = arith.addi %scan3A_27, %scan3A_28 : i32
      %scan3A_30 = arith.constant 1 : i32
      scf.for %scan3A_32 = %scan3A_27 to %scan3A_29 step %scan3A_30  : i32 {
        %mul3A_33 = arith.constant 2 : i32
        %mul3A_34 = arith.muli %mul3A_33, %scan3A_32 : i32
        %add3A_35 = arith.constant 1 : i32
        %add3A_36 = arith.addi %mul3A_34, %add3A_35 : i32
        %dma_start3A_37 = arith.constant 0 : i32
        %dma_start3A_38 = tpu.memref_slice %arg6[%add3A_36, %dma_start3A_37] : memref<40x128xi32, #tpu.memory_space<vmem>> -> memref<1x128xi32, #tpu.memory_space<vmem>>
        %dma_start3A_39 = tpu.memref_squeeze %dma_start3A_38 : memref<1x128xi32, #tpu.memory_space<vmem>> -> memref<128xi32, #tpu.memory_space<vmem>>
        %dma_start3A_40 = arith.constant 0 : i32
        %dma_start3A_41 = arith.constant 0 : i32
        %dma_start3A_42 = tpu.memref_slice %arg4[%dma_start3A_40, %dma_start3A_41] : memref<20480x128xf32, #tpu.memory_space<hbm>> -> memref<20480x128xf32, #tpu.memory_space<hbm>>
        tpu.enqueue_indirect_dma source(%dma_start3A_42 : memref<20480x128xf32, #tpu.memory_space<hbm>>) target(%arg9 : memref<128x128xf32, #tpu.memory_space<vmem>>) offsets(%dma_start3A_39 : memref<128xi32, #tpu.memory_space<vmem>>) semaphore(%arg12 : memref<!tpu.dma_semaphore, #tpu.memory_space<semaphore_mem>>)
        %dma_wait3A = arith.constant 0 : i32
        %dma_wait3A_43 = tpu.memref_slice %arg6[%mul3A_34, %dma_wait3A] : memref<40x128xi32, #tpu.memory_space<vmem>> -> memref<1x128xi32, #tpu.memory_space<vmem>>
        %dma_wait3A_44 = tpu.memref_squeeze %dma_wait3A_43 : memref<1x128xi32, #tpu.memory_space<vmem>> -> memref<128xi32, #tpu.memory_space<vmem>>
        %dma_wait3A_45 = arith.constant 0 : i32
        %dma_wait3A_46 = arith.constant 0 : i32
        %dma_wait3A_47 = tpu.memref_slice %arg4[%dma_wait3A_45, %dma_wait3A_46] : memref<20480x128xf32, #tpu.memory_space<hbm>> -> memref<20480x128xf32, #tpu.memory_space<hbm>>
        tpu.wait_indirect_dma semaphore(%arg11 : memref<!tpu.dma_semaphore, #tpu.memory_space<semaphore_mem>>) src(%dma_wait3A_47 : memref<20480x128xf32, #tpu.memory_space<hbm>>) dst(%arg8 : memref<128x128xf32, #tpu.memory_space<vmem>>)
        "tpu.region"() ({
          %run_scoped3A = tpu.sem_alloc : memref<!tpu.dma_semaphore, #tpu.memory_space<semaphore_mem>>
          %dma_start3A_62 = arith.constant 0 : i32
          %dma_start3A_63 = tpu.memref_slice %arg7[%mul3A_34, %dma_start3A_62] : memref<40x128xi32, #tpu.memory_space<vmem>> -> memref<1x128xi32, #tpu.memory_space<vmem>>
          %dma_start3A_64 = tpu.memref_squeeze %dma_start3A_63 : memref<1x128xi32, #tpu.memory_space<vmem>> -> memref<128xi32, #tpu.memory_space<vmem>>
          %dma_start3A_65 = arith.constant 0 : i32
          %dma_start3A_66 = arith.constant 0 : i32
          %dma_start3A_67 = tpu.memref_slice %arg10[%dma_start3A_65, %dma_start3A_66] : memref<10256x128xf32, #tpu.memory_space<vmem_shared>> -> memref<10256x128xf32, #tpu.memory_space<vmem_shared>>
          tpu.enqueue_indirect_dma source(%arg8 : memref<128x128xf32, #tpu.memory_space<vmem>>) target(%dma_start3A_67 : memref<10256x128xf32, #tpu.memory_space<vmem_shared>>) offsets(%dma_start3A_64 : memref<128xi32, #tpu.memory_space<vmem>>) semaphore(%run_scoped3A : memref<!tpu.dma_semaphore, #tpu.memory_space<semaphore_mem>>) {add = true}
          %dma_wait3A_68 = arith.constant 0 : i32
          %dma_wait3A_69 = tpu.memref_slice %arg7[%mul3A_34, %dma_wait3A_68] : memref<40x128xi32, #tpu.memory_space<vmem>> -> memref<1x128xi32, #tpu.memory_space<vmem>>
          %dma_wait3A_70 = tpu.memref_squeeze %dma_wait3A_69 : memref<1x128xi32, #tpu.memory_space<vmem>> -> memref<128xi32, #tpu.memory_space<vmem>>
          %dma_wait3A_71 = arith.constant 0 : i32
          %dma_wait3A_72 = arith.constant 0 : i32
          %dma_wait3A_73 = tpu.memref_slice %arg10[%dma_wait3A_71, %dma_wait3A_72] : memref<10256x128xf32, #tpu.memory_space<vmem_shared>> -> memref<10256x128xf32, #tpu.memory_space<vmem_shared>>
          tpu.wait_indirect_dma semaphore(%run_scoped3A : memref<!tpu.dma_semaphore, #tpu.memory_space<semaphore_mem>>) src(%arg8 : memref<128x128xf32, #tpu.memory_space<vmem>>) dst(%dma_wait3A_73 : memref<10256x128xf32, #tpu.memory_space<vmem_shared>>)
          tpu.yield
        }) : () -> ()
        %add3A_48 = arith.constant 2 : i32
        %add3A_49 = arith.addi %mul3A_34, %add3A_48 : i32
        %lt3A = arith.constant 40 : i32
        %lt3A_50 = arith.cmpi slt, %add3A_49, %lt3A : i32
        %convert_element_type3A = arith.extui %lt3A_50 : i1 to i32
        %cond3A = arith.constant 0 : i32
        %cond3A_51 = arith.cmpi ne, %convert_element_type3A, %cond3A : i32
        scf.if %cond3A_51 {
          %add3A_62 = arith.constant 2 : i32
          %add3A_63 = arith.addi %mul3A_34, %add3A_62 : i32
          %dma_start3A_64 = arith.constant 0 : i32
          %dma_start3A_65 = tpu.memref_slice %arg6[%add3A_63, %dma_start3A_64] : memref<40x128xi32, #tpu.memory_space<vmem>> -> memref<1x128xi32, #tpu.memory_space<vmem>>
          %dma_start3A_66 = tpu.memref_squeeze %dma_start3A_65 : memref<1x128xi32, #tpu.memory_space<vmem>> -> memref<128xi32, #tpu.memory_space<vmem>>
          %dma_start3A_67 = arith.constant 0 : i32
          %dma_start3A_68 = arith.constant 0 : i32
          %dma_start3A_69 = tpu.memref_slice %arg4[%dma_start3A_67, %dma_start3A_68] : memref<20480x128xf32, #tpu.memory_space<hbm>> -> memref<20480x128xf32, #tpu.memory_space<hbm>>
          tpu.enqueue_indirect_dma source(%dma_start3A_69 : memref<20480x128xf32, #tpu.memory_space<hbm>>) target(%arg8 : memref<128x128xf32, #tpu.memory_space<vmem>>) offsets(%dma_start3A_66 : memref<128xi32, #tpu.memory_space<vmem>>) semaphore(%arg11 : memref<!tpu.dma_semaphore, #tpu.memory_space<semaphore_mem>>)
        } else {
        }
        %add3A_52 = arith.constant 1 : i32
        %add3A_53 = arith.addi %mul3A_34, %add3A_52 : i32
        %dma_wait3A_54 = arith.constant 0 : i32
        %dma_wait3A_55 = tpu.memref_slice %arg6[%add3A_53, %dma_wait3A_54] : memref<40x128xi32, #tpu.memory_space<vmem>> -> memref<1x128xi32, #tpu.memory_space<vmem>>
        %dma_wait3A_56 = tpu.memref_squeeze %dma_wait3A_55 : memref<1x128xi32, #tpu.memory_space<vmem>> -> memref<128xi32, #tpu.memory_space<vmem>>
        %dma_wait3A_57 = arith.constant 0 : i32
        %dma_wait3A_58 = arith.constant 0 : i32
        %dma_wait3A_59 = tpu.memref_slice %arg4[%dma_wait3A_57, %dma_wait3A_58] : memref<20480x128xf32, #tpu.memory_space<hbm>> -> memref<20480x128xf32, #tpu.memory_space<hbm>>
        tpu.wait_indirect_dma semaphore(%arg12 : memref<!tpu.dma_semaphore, #tpu.memory_space<semaphore_mem>>) src(%dma_wait3A_59 : memref<20480x128xf32, #tpu.memory_space<hbm>>) dst(%arg9 : memref<128x128xf32, #tpu.memory_space<vmem>>)
        %add3A_60 = arith.constant 1 : i32
        %add3A_61 = arith.addi %mul3A_34, %add3A_60 : i32
        "tpu.region"() ({
          %run_scoped3A = tpu.sem_alloc : memref<!tpu.dma_semaphore, #tpu.memory_space<semaphore_mem>>
          %dma_start3A_62 = arith.constant 0 : i32
          %dma_start3A_63 = tpu.memref_slice %arg7[%add3A_61, %dma_start3A_62] : memref<40x128xi32, #tpu.memory_space<vmem>> -> memref<1x128xi32, #tpu.memory_space<vmem>>
          %dma_start3A_64 = tpu.memref_squeeze %dma_start3A_63 : memref<1x128xi32, #tpu.memory_space<vmem>> -> memref<128xi32, #tpu.memory_space<vmem>>
          %dma_start3A_65 = arith.constant 0 : i32
          %dma_start3A_66 = arith.constant 0 : i32
          %dma_start3A_67 = tpu.memref_slice %arg10[%dma_start3A_65, %dma_start3A_66] : memref<10256x128xf32, #tpu.memory_space<vmem_shared>> -> memref<10256x128xf32, #tpu.memory_space<vmem_shared>>
          tpu.enqueue_indirect_dma source(%arg9 : memref<128x128xf32, #tpu.memory_space<vmem>>) target(%dma_start3A_67 : memref<10256x128xf32, #tpu.memory_space<vmem_shared>>) offsets(%dma_start3A_64 : memref<128xi32, #tpu.memory_space<vmem>>) semaphore(%run_scoped3A : memref<!tpu.dma_semaphore, #tpu.memory_space<semaphore_mem>>) {add = true}
          %dma_wait3A_68 = arith.constant 0 : i32
          %dma_wait3A_69 = tpu.memref_slice %arg7[%add3A_61, %dma_wait3A_68] : memref<40x128xi32, #tpu.memory_space<vmem>> -> memref<1x128xi32, #tpu.memory_space<vmem>>
          %dma_wait3A_70 = tpu.memref_squeeze %dma_wait3A_69 : memref<1x128xi32, #tpu.memory_space<vmem>> -> memref<128xi32, #tpu.memory_space<vmem>>
          %dma_wait3A_71 = arith.constant 0 : i32
          %dma_wait3A_72 = arith.constant 0 : i32
          %dma_wait3A_73 = tpu.memref_slice %arg10[%dma_wait3A_71, %dma_wait3A_72] : memref<10256x128xf32, #tpu.memory_space<vmem_shared>> -> memref<10256x128xf32, #tpu.memory_space<vmem_shared>>
          tpu.wait_indirect_dma semaphore(%run_scoped3A : memref<!tpu.dma_semaphore, #tpu.memory_space<semaphore_mem>>) src(%arg9 : memref<128x128xf32, #tpu.memory_space<vmem>>) dst(%dma_wait3A_73 : memref<10256x128xf32, #tpu.memory_space<vmem_shared>>)
          tpu.yield
        }) : () -> ()
      }
      %scan3A_31 = arith.constant 20 : i32
    }
    %scan3A_9 = arith.constant 2 : i32
    %barrier3A_10 = arith.constant 0 : index
    tpu.barrier barrier_id(%barrier3A_10)
    %mul3A_11 = arith.constant 640 : i32
    %mul3A_12 = arith.muli %arg1, %mul3A_11 : i32
    %mul3A_13 = arith.constant 640 : i32
    %mul3A_14 = arith.muli %arg1, %mul3A_13 : i32
    "tpu.region"() ({
      %run_scoped3A = tpu.sem_alloc : memref<!tpu.dma_semaphore, #tpu.memory_space<semaphore_mem>>
      %dma_start3A = arith.constant 0 : i32
      %dma_start3A_15 = tpu.memref_slice %arg5[%arg0, %mul3A_14, %dma_start3A] : memref<2x10240x128xf32, #tpu.memory_space<hbm>> -> memref<1x640x128xf32, #tpu.memory_space<hbm>>
      %dma_start3A_16 = tpu.memref_squeeze %dma_start3A_15 : memref<1x640x128xf32, #tpu.memory_space<hbm>> -> memref<640x128xf32, #tpu.memory_space<hbm>>
      %dma_start3A_17 = arith.constant 0 : i32
      %dma_start3A_18 = tpu.memref_slice %arg10[%mul3A_12, %dma_start3A_17] : memref<10256x128xf32, #tpu.memory_space<vmem_shared>> -> memref<640x128xf32, #tpu.memory_space<vmem_shared>>
      tpu.enqueue_dma source(%dma_start3A_18 : memref<640x128xf32, #tpu.memory_space<vmem_shared>>) target(%dma_start3A_16 : memref<640x128xf32, #tpu.memory_space<hbm>>) target_semaphore(%run_scoped3A : memref<!tpu.dma_semaphore, #tpu.memory_space<semaphore_mem>>)
      %dma_wait3A = arith.constant 0 : i32
      %dma_wait3A_19 = tpu.memref_slice %arg5[%arg0, %mul3A_14, %dma_wait3A] : memref<2x10240x128xf32, #tpu.memory_space<hbm>> -> memref<1x640x128xf32, #tpu.memory_space<hbm>>
      %dma_wait3A_20 = tpu.memref_squeeze %dma_wait3A_19 : memref<1x640x128xf32, #tpu.memory_space<hbm>> -> memref<640x128xf32, #tpu.memory_space<hbm>>
      %dma_wait3A_21 = arith.constant 0 : i32
      %dma_wait3A_22 = tpu.memref_slice %arg10[%mul3A_12, %dma_wait3A_21] : memref<10256x128xf32, #tpu.memory_space<vmem_shared>> -> memref<640x128xf32, #tpu.memory_space<vmem_shared>>
      tpu.wait_dma2 semaphore(%run_scoped3A : memref<!tpu.dma_semaphore, #tpu.memory_space<semaphore_mem>>) src(%dma_wait3A_22 : memref<640x128xf32, #tpu.memory_space<vmem_shared>>) dst(%dma_wait3A_20 : memref<640x128xf32, #tpu.memory_space<hbm>>)
      tpu.yield
    }) : () -> ()
    return
  }
}

#map = affine_map<(d0, d1) -> (0, 0, 0, 0)>
#map1 = affine_map<(d0, d1) -> (0, 0, 0)>
#map2 = affine_map<(d0, d1) -> (0, 0)>
module attributes {stable_mosaic.version = 14 : i64} {
  func.func @_sc_edge_sum(%arg0: i32, %arg1: i32, %arg2: memref<2x16x80x128xi32, #tpu.memory_space<hbm>>, %arg3: memref<16x80x128xi32, #tpu.memory_space<hbm>>, %arg4: memref<20480x128xf32, #tpu.memory_space<hbm>>, %arg5: memref<2x10240x128xf32, #tpu.memory_space<hbm>>, %arg6: memref<40x128xi32, #tpu.memory_space<vmem>>, %arg7: memref<40x128xi32, #tpu.memory_space<vmem>>, %arg8: memref<128x128xf32, #tpu.memory_space<vmem>>, %arg9: memref<128x128xf32, #tpu.memory_space<vmem>>, %arg10: memref<10256x128xf32, #tpu.memory_space<vmem_shared>>, %arg11: memref<!tpu.dma_semaphore, #tpu.memory_space<semaphore_mem>>, %arg12: memref<!tpu.dma_semaphore, #tpu.memory_space<semaphore_mem>>) attributes {dimension_semantics = [#tpu.dimension_semantics<core_parallel>, #tpu.dimension_semantics<subcore_parallel>], iteration_bounds = array<i64: 2, 16>, scalar_prefetch = 0 : i64, scratch_operands = 7 : i64, tpu.core_type = #tpu.core_type<sc_vector_subcore>, window_params = [{transform_indices = #map}, {transform_indices = #map1}, {transform_indices = #map2}, {transform_indices = #map1}]} {
    %mul3A = arith.constant 10240 : i32
    %mul3A_0 = arith.muli %arg0, %mul3A : i32
    %mul3A_1 = arith.constant 640 : i32
    %mul3A_2 = arith.muli %arg1, %mul3A_1 : i32
    %add3A = arith.addi %mul3A_0, %mul3A_2 : i32
    %mul3A_3 = arith.constant 640 : i32
    %mul3A_4 = arith.muli %arg1, %mul3A_3 : i32
    "tpu.region"() ({
      %run_scoped3A = tpu.sem_alloc : memref<!tpu.dma_semaphore, #tpu.memory_space<semaphore_mem>>
      %dma_start3A = arith.constant 0 : i32
      %dma_start3A_15 = tpu.memref_slice %arg10[%mul3A_4, %dma_start3A] : memref<10256x128xf32, #tpu.memory_space<vmem_shared>> -> memref<640x128xf32, #tpu.memory_space<vmem_shared>>
      %dma_start3A_16 = arith.constant 0 : i32
      %dma_start3A_17 = tpu.memref_slice %arg4[%add3A, %dma_start3A_16] : memref<20480x128xf32, #tpu.memory_space<hbm>> -> memref<640x128xf32, #tpu.memory_space<hbm>>
      tpu.enqueue_dma source(%dma_start3A_17 : memref<640x128xf32, #tpu.memory_space<hbm>>) target(%dma_start3A_15 : memref<640x128xf32, #tpu.memory_space<vmem_shared>>) target_semaphore(%run_scoped3A : memref<!tpu.dma_semaphore, #tpu.memory_space<semaphore_mem>>)
      %dma_wait3A = arith.constant 0 : i32
      %dma_wait3A_18 = tpu.memref_slice %arg10[%mul3A_4, %dma_wait3A] : memref<10256x128xf32, #tpu.memory_space<vmem_shared>> -> memref<640x128xf32, #tpu.memory_space<vmem_shared>>
      %dma_wait3A_19 = arith.constant 0 : i32
      %dma_wait3A_20 = tpu.memref_slice %arg4[%add3A, %dma_wait3A_19] : memref<20480x128xf32, #tpu.memory_space<hbm>> -> memref<640x128xf32, #tpu.memory_space<hbm>>
      tpu.wait_dma2 semaphore(%run_scoped3A : memref<!tpu.dma_semaphore, #tpu.memory_space<semaphore_mem>>) src(%dma_wait3A_20 : memref<640x128xf32, #tpu.memory_space<hbm>>) dst(%dma_wait3A_18 : memref<640x128xf32, #tpu.memory_space<vmem_shared>>)
      tpu.yield
    }) : () -> ()
    %barrier3A = arith.constant 0 : index
    tpu.barrier barrier_id(%barrier3A)
    %scan3A = arith.constant 0 : i32
    %scan3A_5 = arith.constant 0 : i32
    %scan3A_6 = arith.constant 2 : i32
    %scan3A_7 = arith.addi %scan3A_5, %scan3A_6 : i32
    %scan3A_8 = arith.constant 1 : i32
    scf.for %scan3A_15 = %scan3A_5 to %scan3A_7 step %scan3A_8  : i32 {
      %mul3A_16 = arith.constant 40 : i32
      %mul3A_17 = arith.muli %scan3A_15, %mul3A_16 : i32
      "tpu.region"() ({
        %run_scoped3A = tpu.sem_alloc : memref<!tpu.dma_semaphore, #tpu.memory_space<semaphore_mem>>
        %dma_start3A_32 = arith.constant 0 : i32
        %dma_start3A_33 = tpu.memref_slice %arg2[%arg0, %arg1, %mul3A_17, %dma_start3A_32] : memref<2x16x80x128xi32, #tpu.memory_space<hbm>> -> memref<1x1x40x128xi32, #tpu.memory_space<hbm>>
        %dma_start3A_34 = tpu.memref_squeeze %dma_start3A_33 : memref<1x1x40x128xi32, #tpu.memory_space<hbm>> -> memref<40x128xi32, #tpu.memory_space<hbm>>
        %dma_start3A_35 = arith.constant 0 : i32
        %dma_start3A_36 = tpu.memref_slice %arg2[%arg0, %arg1, %mul3A_17, %dma_start3A_35] : memref<2x16x80x128xi32, #tpu.memory_space<hbm>> -> memref<1x1x40x128xi32, #tpu.memory_space<hbm>>
        %dma_start3A_37 = tpu.memref_squeeze %dma_start3A_36 : memref<1x1x40x128xi32, #tpu.memory_space<hbm>> -> memref<40x128xi32, #tpu.memory_space<hbm>>
        tpu.enqueue_dma source(%dma_start3A_37 : memref<40x128xi32, #tpu.memory_space<hbm>>) target(%arg6 : memref<40x128xi32, #tpu.memory_space<vmem>>) target_semaphore(%run_scoped3A : memref<!tpu.dma_semaphore, #tpu.memory_space<semaphore_mem>>)
        %dma_wait3A = arith.constant 0 : i32
        %dma_wait3A_38 = tpu.memref_slice %arg2[%arg0, %arg1, %mul3A_17, %dma_wait3A] : memref<2x16x80x128xi32, #tpu.memory_space<hbm>> -> memref<1x1x40x128xi32, #tpu.memory_space<hbm>>
        %dma_wait3A_39 = tpu.memref_squeeze %dma_wait3A_38 : memref<1x1x40x128xi32, #tpu.memory_space<hbm>> -> memref<40x128xi32, #tpu.memory_space<hbm>>
        %dma_wait3A_40 = arith.constant 0 : i32
        %dma_wait3A_41 = tpu.memref_slice %arg2[%arg0, %arg1, %mul3A_17, %dma_wait3A_40] : memref<2x16x80x128xi32, #tpu.memory_space<hbm>> -> memref<1x1x40x128xi32, #tpu.memory_space<hbm>>
        %dma_wait3A_42 = tpu.memref_squeeze %dma_wait3A_41 : memref<1x1x40x128xi32, #tpu.memory_space<hbm>> -> memref<40x128xi32, #tpu.memory_space<hbm>>
        tpu.wait_dma2 semaphore(%run_scoped3A : memref<!tpu.dma_semaphore, #tpu.memory_space<semaphore_mem>>) src(%dma_wait3A_42 : memref<40x128xi32, #tpu.memory_space<hbm>>) dst(%arg6 : memref<40x128xi32, #tpu.memory_space<vmem>>)
        tpu.yield
      }) : () -> ()
      %mul3A_18 = arith.constant 40 : i32
      %mul3A_19 = arith.muli %scan3A_15, %mul3A_18 : i32
      "tpu.region"() ({
        %run_scoped3A = tpu.sem_alloc : memref<!tpu.dma_semaphore, #tpu.memory_space<semaphore_mem>>
        %dma_start3A_32 = arith.constant 0 : i32
        %dma_start3A_33 = tpu.memref_slice %arg3[%arg1, %mul3A_19, %dma_start3A_32] : memref<16x80x128xi32, #tpu.memory_space<hbm>> -> memref<1x40x128xi32, #tpu.memory_space<hbm>>
        %dma_start3A_34 = tpu.memref_squeeze %dma_start3A_33 : memref<1x40x128xi32, #tpu.memory_space<hbm>> -> memref<40x128xi32, #tpu.memory_space<hbm>>
        %dma_start3A_35 = arith.constant 0 : i32
        %dma_start3A_36 = tpu.memref_slice %arg3[%arg1, %mul3A_19, %dma_start3A_35] : memref<16x80x128xi32, #tpu.memory_space<hbm>> -> memref<1x40x128xi32, #tpu.memory_space<hbm>>
        %dma_start3A_37 = tpu.memref_squeeze %dma_start3A_36 : memref<1x40x128xi32, #tpu.memory_space<hbm>> -> memref<40x128xi32, #tpu.memory_space<hbm>>
        tpu.enqueue_dma source(%dma_start3A_37 : memref<40x128xi32, #tpu.memory_space<hbm>>) target(%arg7 : memref<40x128xi32, #tpu.memory_space<vmem>>) target_semaphore(%run_scoped3A : memref<!tpu.dma_semaphore, #tpu.memory_space<semaphore_mem>>)
        %dma_wait3A = arith.constant 0 : i32
        %dma_wait3A_38 = tpu.memref_slice %arg3[%arg1, %mul3A_19, %dma_wait3A] : memref<16x80x128xi32, #tpu.memory_space<hbm>> -> memref<1x40x128xi32, #tpu.memory_space<hbm>>
        %dma_wait3A_39 = tpu.memref_squeeze %dma_wait3A_38 : memref<1x40x128xi32, #tpu.memory_space<hbm>> -> memref<40x128xi32, #tpu.memory_space<hbm>>
        %dma_wait3A_40 = arith.constant 0 : i32
        %dma_wait3A_41 = tpu.memref_slice %arg3[%arg1, %mul3A_19, %dma_wait3A_40] : memref<16x80x128xi32, #tpu.memory_space<hbm>> -> memref<1x40x128xi32, #tpu.memory_space<hbm>>
        %dma_wait3A_42 = tpu.memref_squeeze %dma_wait3A_41 : memref<1x40x128xi32, #tpu.memory_space<hbm>> -> memref<40x128xi32, #tpu.memory_space<hbm>>
        tpu.wait_dma2 semaphore(%run_scoped3A : memref<!tpu.dma_semaphore, #tpu.memory_space<semaphore_mem>>) src(%dma_wait3A_42 : memref<40x128xi32, #tpu.memory_space<hbm>>) dst(%arg7 : memref<40x128xi32, #tpu.memory_space<vmem>>)
        tpu.yield
      }) : () -> ()
      %dma_start3A = arith.constant 0 : i32
      %dma_start3A_20 = arith.constant 0 : i32
      %dma_start3A_21 = tpu.memref_slice %arg6[%dma_start3A, %dma_start3A_20] : memref<40x128xi32, #tpu.memory_space<vmem>> -> memref<1x128xi32, #tpu.memory_space<vmem>>
      %dma_start3A_22 = tpu.memref_squeeze %dma_start3A_21 : memref<1x128xi32, #tpu.memory_space<vmem>> -> memref<128xi32, #tpu.memory_space<vmem>>
      %dma_start3A_23 = arith.constant 0 : i32
      %dma_start3A_24 = arith.constant 0 : i32
      %dma_start3A_25 = tpu.memref_slice %arg4[%dma_start3A_23, %dma_start3A_24] : memref<20480x128xf32, #tpu.memory_space<hbm>> -> memref<20480x128xf32, #tpu.memory_space<hbm>>
      tpu.enqueue_indirect_dma source(%dma_start3A_25 : memref<20480x128xf32, #tpu.memory_space<hbm>>) target(%arg8 : memref<128x128xf32, #tpu.memory_space<vmem>>) offsets(%dma_start3A_22 : memref<128xi32, #tpu.memory_space<vmem>>) semaphore(%arg11 : memref<!tpu.dma_semaphore, #tpu.memory_space<semaphore_mem>>)
      %scan3A_26 = arith.constant 0 : i32
      %scan3A_27 = arith.constant 0 : i32
      %scan3A_28 = arith.constant 20 : i32
      %scan3A_29 = arith.addi %scan3A_27, %scan3A_28 : i32
      %scan3A_30 = arith.constant 1 : i32
      scf.for %scan3A_32 = %scan3A_27 to %scan3A_29 step %scan3A_30  : i32 {
        %mul3A_33 = arith.constant 2 : i32
        %mul3A_34 = arith.muli %mul3A_33, %scan3A_32 : i32
        %add3A_35 = arith.constant 1 : i32
        %add3A_36 = arith.addi %mul3A_34, %add3A_35 : i32
        %dma_start3A_37 = arith.constant 0 : i32
        %dma_start3A_38 = tpu.memref_slice %arg6[%add3A_36, %dma_start3A_37] : memref<40x128xi32, #tpu.memory_space<vmem>> -> memref<1x128xi32, #tpu.memory_space<vmem>>
        %dma_start3A_39 = tpu.memref_squeeze %dma_start3A_38 : memref<1x128xi32, #tpu.memory_space<vmem>> -> memref<128xi32, #tpu.memory_space<vmem>>
        %dma_start3A_40 = arith.constant 0 : i32
        %dma_start3A_41 = arith.constant 0 : i32
        %dma_start3A_42 = tpu.memref_slice %arg4[%dma_start3A_40, %dma_start3A_41] : memref<20480x128xf32, #tpu.memory_space<hbm>> -> memref<20480x128xf32, #tpu.memory_space<hbm>>
        tpu.enqueue_indirect_dma source(%dma_start3A_42 : memref<20480x128xf32, #tpu.memory_space<hbm>>) target(%arg9 : memref<128x128xf32, #tpu.memory_space<vmem>>) offsets(%dma_start3A_39 : memref<128xi32, #tpu.memory_space<vmem>>) semaphore(%arg12 : memref<!tpu.dma_semaphore, #tpu.memory_space<semaphore_mem>>)
        %dma_wait3A = arith.constant 0 : i32
        %dma_wait3A_43 = tpu.memref_slice %arg6[%mul3A_34, %dma_wait3A] : memref<40x128xi32, #tpu.memory_space<vmem>> -> memref<1x128xi32, #tpu.memory_space<vmem>>
        %dma_wait3A_44 = tpu.memref_squeeze %dma_wait3A_43 : memref<1x128xi32, #tpu.memory_space<vmem>> -> memref<128xi32, #tpu.memory_space<vmem>>
        %dma_wait3A_45 = arith.constant 0 : i32
        %dma_wait3A_46 = arith.constant 0 : i32
        %dma_wait3A_47 = tpu.memref_slice %arg4[%dma_wait3A_45, %dma_wait3A_46] : memref<20480x128xf32, #tpu.memory_space<hbm>> -> memref<20480x128xf32, #tpu.memory_space<hbm>>
        tpu.wait_indirect_dma semaphore(%arg11 : memref<!tpu.dma_semaphore, #tpu.memory_space<semaphore_mem>>) src(%dma_wait3A_47 : memref<20480x128xf32, #tpu.memory_space<hbm>>) dst(%arg8 : memref<128x128xf32, #tpu.memory_space<vmem>>)
        "tpu.region"() ({
          %run_scoped3A = tpu.sem_alloc : memref<!tpu.dma_semaphore, #tpu.memory_space<semaphore_mem>>
          %dma_start3A_62 = arith.constant 0 : i32
          %dma_start3A_63 = tpu.memref_slice %arg7[%mul3A_34, %dma_start3A_62] : memref<40x128xi32, #tpu.memory_space<vmem>> -> memref<1x128xi32, #tpu.memory_space<vmem>>
          %dma_start3A_64 = tpu.memref_squeeze %dma_start3A_63 : memref<1x128xi32, #tpu.memory_space<vmem>> -> memref<128xi32, #tpu.memory_space<vmem>>
          %dma_start3A_65 = arith.constant 0 : i32
          %dma_start3A_66 = arith.constant 0 : i32
          %dma_start3A_67 = tpu.memref_slice %arg10[%dma_start3A_65, %dma_start3A_66] : memref<10256x128xf32, #tpu.memory_space<vmem_shared>> -> memref<10256x128xf32, #tpu.memory_space<vmem_shared>>
          tpu.enqueue_indirect_dma source(%arg8 : memref<128x128xf32, #tpu.memory_space<vmem>>) target(%dma_start3A_67 : memref<10256x128xf32, #tpu.memory_space<vmem_shared>>) offsets(%dma_start3A_64 : memref<128xi32, #tpu.memory_space<vmem>>) semaphore(%run_scoped3A : memref<!tpu.dma_semaphore, #tpu.memory_space<semaphore_mem>>) {add = true}
          %dma_wait3A_68 = arith.constant 0 : i32
          %dma_wait3A_69 = tpu.memref_slice %arg7[%mul3A_34, %dma_wait3A_68] : memref<40x128xi32, #tpu.memory_space<vmem>> -> memref<1x128xi32, #tpu.memory_space<vmem>>
          %dma_wait3A_70 = tpu.memref_squeeze %dma_wait3A_69 : memref<1x128xi32, #tpu.memory_space<vmem>> -> memref<128xi32, #tpu.memory_space<vmem>>
          %dma_wait3A_71 = arith.constant 0 : i32
          %dma_wait3A_72 = arith.constant 0 : i32
          %dma_wait3A_73 = tpu.memref_slice %arg10[%dma_wait3A_71, %dma_wait3A_72] : memref<10256x128xf32, #tpu.memory_space<vmem_shared>> -> memref<10256x128xf32, #tpu.memory_space<vmem_shared>>
          tpu.wait_indirect_dma semaphore(%run_scoped3A : memref<!tpu.dma_semaphore, #tpu.memory_space<semaphore_mem>>) src(%arg8 : memref<128x128xf32, #tpu.memory_space<vmem>>) dst(%dma_wait3A_73 : memref<10256x128xf32, #tpu.memory_space<vmem_shared>>)
          tpu.yield
        }) : () -> ()
        %add3A_48 = arith.constant 2 : i32
        %add3A_49 = arith.addi %mul3A_34, %add3A_48 : i32
        %lt3A = arith.constant 40 : i32
        %lt3A_50 = arith.cmpi slt, %add3A_49, %lt3A : i32
        %convert_element_type3A = arith.extui %lt3A_50 : i1 to i32
        %cond3A = arith.constant 0 : i32
        %cond3A_51 = arith.cmpi ne, %convert_element_type3A, %cond3A : i32
        scf.if %cond3A_51 {
          %add3A_62 = arith.constant 2 : i32
          %add3A_63 = arith.addi %mul3A_34, %add3A_62 : i32
          %dma_start3A_64 = arith.constant 0 : i32
          %dma_start3A_65 = tpu.memref_slice %arg6[%add3A_63, %dma_start3A_64] : memref<40x128xi32, #tpu.memory_space<vmem>> -> memref<1x128xi32, #tpu.memory_space<vmem>>
          %dma_start3A_66 = tpu.memref_squeeze %dma_start3A_65 : memref<1x128xi32, #tpu.memory_space<vmem>> -> memref<128xi32, #tpu.memory_space<vmem>>
          %dma_start3A_67 = arith.constant 0 : i32
          %dma_start3A_68 = arith.constant 0 : i32
          %dma_start3A_69 = tpu.memref_slice %arg4[%dma_start3A_67, %dma_start3A_68] : memref<20480x128xf32, #tpu.memory_space<hbm>> -> memref<20480x128xf32, #tpu.memory_space<hbm>>
          tpu.enqueue_indirect_dma source(%dma_start3A_69 : memref<20480x128xf32, #tpu.memory_space<hbm>>) target(%arg8 : memref<128x128xf32, #tpu.memory_space<vmem>>) offsets(%dma_start3A_66 : memref<128xi32, #tpu.memory_space<vmem>>) semaphore(%arg11 : memref<!tpu.dma_semaphore, #tpu.memory_space<semaphore_mem>>)
        } else {
        }
        %add3A_52 = arith.constant 1 : i32
        %add3A_53 = arith.addi %mul3A_34, %add3A_52 : i32
        %dma_wait3A_54 = arith.constant 0 : i32
        %dma_wait3A_55 = tpu.memref_slice %arg6[%add3A_53, %dma_wait3A_54] : memref<40x128xi32, #tpu.memory_space<vmem>> -> memref<1x128xi32, #tpu.memory_space<vmem>>
        %dma_wait3A_56 = tpu.memref_squeeze %dma_wait3A_55 : memref<1x128xi32, #tpu.memory_space<vmem>> -> memref<128xi32, #tpu.memory_space<vmem>>
        %dma_wait3A_57 = arith.constant 0 : i32
        %dma_wait3A_58 = arith.constant 0 : i32
        %dma_wait3A_59 = tpu.memref_slice %arg4[%dma_wait3A_57, %dma_wait3A_58] : memref<20480x128xf32, #tpu.memory_space<hbm>> -> memref<20480x128xf32, #tpu.memory_space<hbm>>
        tpu.wait_indirect_dma semaphore(%arg12 : memref<!tpu.dma_semaphore, #tpu.memory_space<semaphore_mem>>) src(%dma_wait3A_59 : memref<20480x128xf32, #tpu.memory_space<hbm>>) dst(%arg9 : memref<128x128xf32, #tpu.memory_space<vmem>>)
        %add3A_60 = arith.constant 1 : i32
        %add3A_61 = arith.addi %mul3A_34, %add3A_60 : i32
        "tpu.region"() ({
          %run_scoped3A = tpu.sem_alloc : memref<!tpu.dma_semaphore, #tpu.memory_space<semaphore_mem>>
          %dma_start3A_62 = arith.constant 0 : i32
          %dma_start3A_63 = tpu.memref_slice %arg7[%add3A_61, %dma_start3A_62] : memref<40x128xi32, #tpu.memory_space<vmem>> -> memref<1x128xi32, #tpu.memory_space<vmem>>
          %dma_start3A_64 = tpu.memref_squeeze %dma_start3A_63 : memref<1x128xi32, #tpu.memory_space<vmem>> -> memref<128xi32, #tpu.memory_space<vmem>>
          %dma_start3A_65 = arith.constant 0 : i32
          %dma_start3A_66 = arith.constant 0 : i32
          %dma_start3A_67 = tpu.memref_slice %arg10[%dma_start3A_65, %dma_start3A_66] : memref<10256x128xf32, #tpu.memory_space<vmem_shared>> -> memref<10256x128xf32, #tpu.memory_space<vmem_shared>>
          tpu.enqueue_indirect_dma source(%arg9 : memref<128x128xf32, #tpu.memory_space<vmem>>) target(%dma_start3A_67 : memref<10256x128xf32, #tpu.memory_space<vmem_shared>>) offsets(%dma_start3A_64 : memref<128xi32, #tpu.memory_space<vmem>>) semaphore(%run_scoped3A : memref<!tpu.dma_semaphore, #tpu.memory_space<semaphore_mem>>) {add = true}
          %dma_wait3A_68 = arith.constant 0 : i32
          %dma_wait3A_69 = tpu.memref_slice %arg7[%add3A_61, %dma_wait3A_68] : memref<40x128xi32, #tpu.memory_space<vmem>> -> memref<1x128xi32, #tpu.memory_space<vmem>>
          %dma_wait3A_70 = tpu.memref_squeeze %dma_wait3A_69 : memref<1x128xi32, #tpu.memory_space<vmem>> -> memref<128xi32, #tpu.memory_space<vmem>>
          %dma_wait3A_71 = arith.constant 0 : i32
          %dma_wait3A_72 = arith.constant 0 : i32
          %dma_wait3A_73 = tpu.memref_slice %arg10[%dma_wait3A_71, %dma_wait3A_72] : memref<10256x128xf32, #tpu.memory_space<vmem_shared>> -> memref<10256x128xf32, #tpu.memory_space<vmem_shared>>
          tpu.wait_indirect_dma semaphore(%run_scoped3A : memref<!tpu.dma_semaphore, #tpu.memory_space<semaphore_mem>>) src(%arg9 : memref<128x128xf32, #tpu.memory_space<vmem>>) dst(%dma_wait3A_73 : memref<10256x128xf32, #tpu.memory_space<vmem_shared>>)
          tpu.yield
        }) : () -> ()
      }
      %scan3A_31 = arith.constant 20 : i32
    }
    %scan3A_9 = arith.constant 2 : i32
    %barrier3A_10 = arith.constant 0 : index
    tpu.barrier barrier_id(%barrier3A_10)
    %mul3A_11 = arith.constant 640 : i32
    %mul3A_12 = arith.muli %arg1, %mul3A_11 : i32
    %mul3A_13 = arith.constant 640 : i32
    %mul3A_14 = arith.muli %arg1, %mul3A_13 : i32
    "tpu.region"() ({
      %run_scoped3A = tpu.sem_alloc : memref<!tpu.dma_semaphore, #tpu.memory_space<semaphore_mem>>
      %dma_start3A = arith.constant 0 : i32
      %dma_start3A_15 = tpu.memref_slice %arg5[%arg0, %mul3A_14, %dma_start3A] : memref<2x10240x128xf32, #tpu.memory_space<hbm>> -> memref<1x640x128xf32, #tpu.memory_space<hbm>>
      %dma_start3A_16 = tpu.memref_squeeze %dma_start3A_15 : memref<1x640x128xf32, #tpu.memory_space<hbm>> -> memref<640x128xf32, #tpu.memory_space<hbm>>
      %dma_start3A_17 = arith.constant 0 : i32
      %dma_start3A_18 = tpu.memref_slice %arg10[%mul3A_12, %dma_start3A_17] : memref<10256x128xf32, #tpu.memory_space<vmem_shared>> -> memref<640x128xf32, #tpu.memory_space<vmem_shared>>
      tpu.enqueue_dma source(%dma_start3A_18 : memref<640x128xf32, #tpu.memory_space<vmem_shared>>) target(%dma_start3A_16 : memref<640x128xf32, #tpu.memory_space<hbm>>) target_semaphore(%run_scoped3A : memref<!tpu.dma_semaphore, #tpu.memory_space<semaphore_mem>>)
      %dma_wait3A = arith.constant 0 : i32
      %dma_wait3A_19 = tpu.memref_slice %arg5[%arg0, %mul3A_14, %dma_wait3A] : memref<2x10240x128xf32, #tpu.memory_space<hbm>> -> memref<1x640x128xf32, #tpu.memory_space<hbm>>
      %dma_wait3A_20 = tpu.memref_squeeze %dma_wait3A_19 : memref<1x640x128xf32, #tpu.memory_space<hbm>> -> memref<640x128xf32, #tpu.memory_space<hbm>>
      %dma_wait3A_21 = arith.constant 0 : i32
      %dma_wait3A_22 = tpu.memref_slice %arg10[%mul3A_12, %dma_wait3A_21] : memref<10256x128xf32, #tpu.memory_space<vmem_shared>> -> memref<640x128xf32, #tpu.memory_space<vmem_shared>>
      tpu.wait_dma2 semaphore(%run_scoped3A : memref<!tpu.dma_semaphore, #tpu.memory_space<semaphore_mem>>) src(%dma_wait3A_22 : memref<640x128xf32, #tpu.memory_space<vmem_shared>>) dst(%dma_wait3A_20 : memref<640x128xf32, #tpu.memory_space<hbm>>)
      tpu.yield
    }) : () -> ()
    return
  }
}

#map = affine_map<(d0, d1) -> (0, 0, 0, 0)>
#map1 = affine_map<(d0, d1) -> (0, 0, 0)>
#map2 = affine_map<(d0, d1) -> (0, 0)>
module attributes {stable_mosaic.version = 14 : i64} {
  func.func @_sc_edge_sum(%arg0: i32, %arg1: i32, %arg2: memref<2x16x80x128xi32, #tpu.memory_space<hbm>>, %arg3: memref<16x80x128xi32, #tpu.memory_space<hbm>>, %arg4: memref<20480x128xf32, #tpu.memory_space<hbm>>, %arg5: memref<2x10240x128xf32, #tpu.memory_space<hbm>>, %arg6: memref<40x128xi32, #tpu.memory_space<vmem>>, %arg7: memref<40x128xi32, #tpu.memory_space<vmem>>, %arg8: memref<128x128xf32, #tpu.memory_space<vmem>>, %arg9: memref<128x128xf32, #tpu.memory_space<vmem>>, %arg10: memref<10256x128xf32, #tpu.memory_space<vmem_shared>>, %arg11: memref<!tpu.dma_semaphore, #tpu.memory_space<semaphore_mem>>, %arg12: memref<!tpu.dma_semaphore, #tpu.memory_space<semaphore_mem>>) attributes {dimension_semantics = [#tpu.dimension_semantics<core_parallel>, #tpu.dimension_semantics<subcore_parallel>], iteration_bounds = array<i64: 2, 16>, scalar_prefetch = 0 : i64, scratch_operands = 7 : i64, tpu.core_type = #tpu.core_type<sc_vector_subcore>, window_params = [{transform_indices = #map}, {transform_indices = #map1}, {transform_indices = #map2}, {transform_indices = #map1}]} {
    %mul3A = arith.constant 10240 : i32
    %mul3A_0 = arith.muli %arg0, %mul3A : i32
    %mul3A_1 = arith.constant 640 : i32
    %mul3A_2 = arith.muli %arg1, %mul3A_1 : i32
    %add3A = arith.addi %mul3A_0, %mul3A_2 : i32
    %mul3A_3 = arith.constant 640 : i32
    %mul3A_4 = arith.muli %arg1, %mul3A_3 : i32
    "tpu.region"() ({
      %run_scoped3A = tpu.sem_alloc : memref<!tpu.dma_semaphore, #tpu.memory_space<semaphore_mem>>
      %dma_start3A = arith.constant 0 : i32
      %dma_start3A_15 = tpu.memref_slice %arg10[%mul3A_4, %dma_start3A] : memref<10256x128xf32, #tpu.memory_space<vmem_shared>> -> memref<640x128xf32, #tpu.memory_space<vmem_shared>>
      %dma_start3A_16 = arith.constant 0 : i32
      %dma_start3A_17 = tpu.memref_slice %arg4[%add3A, %dma_start3A_16] : memref<20480x128xf32, #tpu.memory_space<hbm>> -> memref<640x128xf32, #tpu.memory_space<hbm>>
      tpu.enqueue_dma source(%dma_start3A_17 : memref<640x128xf32, #tpu.memory_space<hbm>>) target(%dma_start3A_15 : memref<640x128xf32, #tpu.memory_space<vmem_shared>>) target_semaphore(%run_scoped3A : memref<!tpu.dma_semaphore, #tpu.memory_space<semaphore_mem>>)
      %dma_wait3A = arith.constant 0 : i32
      %dma_wait3A_18 = tpu.memref_slice %arg10[%mul3A_4, %dma_wait3A] : memref<10256x128xf32, #tpu.memory_space<vmem_shared>> -> memref<640x128xf32, #tpu.memory_space<vmem_shared>>
      %dma_wait3A_19 = arith.constant 0 : i32
      %dma_wait3A_20 = tpu.memref_slice %arg4[%add3A, %dma_wait3A_19] : memref<20480x128xf32, #tpu.memory_space<hbm>> -> memref<640x128xf32, #tpu.memory_space<hbm>>
      tpu.wait_dma2 semaphore(%run_scoped3A : memref<!tpu.dma_semaphore, #tpu.memory_space<semaphore_mem>>) src(%dma_wait3A_20 : memref<640x128xf32, #tpu.memory_space<hbm>>) dst(%dma_wait3A_18 : memref<640x128xf32, #tpu.memory_space<vmem_shared>>)
      tpu.yield
    }) : () -> ()
    %barrier3A = arith.constant 0 : index
    tpu.barrier barrier_id(%barrier3A)
    %scan3A = arith.constant 0 : i32
    %scan3A_5 = arith.constant 0 : i32
    %scan3A_6 = arith.constant 2 : i32
    %scan3A_7 = arith.addi %scan3A_5, %scan3A_6 : i32
    %scan3A_8 = arith.constant 1 : i32
    scf.for %scan3A_15 = %scan3A_5 to %scan3A_7 step %scan3A_8  : i32 {
      %mul3A_16 = arith.constant 40 : i32
      %mul3A_17 = arith.muli %scan3A_15, %mul3A_16 : i32
      "tpu.region"() ({
        %run_scoped3A = tpu.sem_alloc : memref<!tpu.dma_semaphore, #tpu.memory_space<semaphore_mem>>
        %dma_start3A_32 = arith.constant 0 : i32
        %dma_start3A_33 = tpu.memref_slice %arg2[%arg0, %arg1, %mul3A_17, %dma_start3A_32] : memref<2x16x80x128xi32, #tpu.memory_space<hbm>> -> memref<1x1x40x128xi32, #tpu.memory_space<hbm>>
        %dma_start3A_34 = tpu.memref_squeeze %dma_start3A_33 : memref<1x1x40x128xi32, #tpu.memory_space<hbm>> -> memref<40x128xi32, #tpu.memory_space<hbm>>
        %dma_start3A_35 = arith.constant 0 : i32
        %dma_start3A_36 = tpu.memref_slice %arg2[%arg0, %arg1, %mul3A_17, %dma_start3A_35] : memref<2x16x80x128xi32, #tpu.memory_space<hbm>> -> memref<1x1x40x128xi32, #tpu.memory_space<hbm>>
        %dma_start3A_37 = tpu.memref_squeeze %dma_start3A_36 : memref<1x1x40x128xi32, #tpu.memory_space<hbm>> -> memref<40x128xi32, #tpu.memory_space<hbm>>
        tpu.enqueue_dma source(%dma_start3A_37 : memref<40x128xi32, #tpu.memory_space<hbm>>) target(%arg6 : memref<40x128xi32, #tpu.memory_space<vmem>>) target_semaphore(%run_scoped3A : memref<!tpu.dma_semaphore, #tpu.memory_space<semaphore_mem>>)
        %dma_wait3A = arith.constant 0 : i32
        %dma_wait3A_38 = tpu.memref_slice %arg2[%arg0, %arg1, %mul3A_17, %dma_wait3A] : memref<2x16x80x128xi32, #tpu.memory_space<hbm>> -> memref<1x1x40x128xi32, #tpu.memory_space<hbm>>
        %dma_wait3A_39 = tpu.memref_squeeze %dma_wait3A_38 : memref<1x1x40x128xi32, #tpu.memory_space<hbm>> -> memref<40x128xi32, #tpu.memory_space<hbm>>
        %dma_wait3A_40 = arith.constant 0 : i32
        %dma_wait3A_41 = tpu.memref_slice %arg2[%arg0, %arg1, %mul3A_17, %dma_wait3A_40] : memref<2x16x80x128xi32, #tpu.memory_space<hbm>> -> memref<1x1x40x128xi32, #tpu.memory_space<hbm>>
        %dma_wait3A_42 = tpu.memref_squeeze %dma_wait3A_41 : memref<1x1x40x128xi32, #tpu.memory_space<hbm>> -> memref<40x128xi32, #tpu.memory_space<hbm>>
        tpu.wait_dma2 semaphore(%run_scoped3A : memref<!tpu.dma_semaphore, #tpu.memory_space<semaphore_mem>>) src(%dma_wait3A_42 : memref<40x128xi32, #tpu.memory_space<hbm>>) dst(%arg6 : memref<40x128xi32, #tpu.memory_space<vmem>>)
        tpu.yield
      }) : () -> ()
      %mul3A_18 = arith.constant 40 : i32
      %mul3A_19 = arith.muli %scan3A_15, %mul3A_18 : i32
      "tpu.region"() ({
        %run_scoped3A = tpu.sem_alloc : memref<!tpu.dma_semaphore, #tpu.memory_space<semaphore_mem>>
        %dma_start3A_32 = arith.constant 0 : i32
        %dma_start3A_33 = tpu.memref_slice %arg3[%arg1, %mul3A_19, %dma_start3A_32] : memref<16x80x128xi32, #tpu.memory_space<hbm>> -> memref<1x40x128xi32, #tpu.memory_space<hbm>>
        %dma_start3A_34 = tpu.memref_squeeze %dma_start3A_33 : memref<1x40x128xi32, #tpu.memory_space<hbm>> -> memref<40x128xi32, #tpu.memory_space<hbm>>
        %dma_start3A_35 = arith.constant 0 : i32
        %dma_start3A_36 = tpu.memref_slice %arg3[%arg1, %mul3A_19, %dma_start3A_35] : memref<16x80x128xi32, #tpu.memory_space<hbm>> -> memref<1x40x128xi32, #tpu.memory_space<hbm>>
        %dma_start3A_37 = tpu.memref_squeeze %dma_start3A_36 : memref<1x40x128xi32, #tpu.memory_space<hbm>> -> memref<40x128xi32, #tpu.memory_space<hbm>>
        tpu.enqueue_dma source(%dma_start3A_37 : memref<40x128xi32, #tpu.memory_space<hbm>>) target(%arg7 : memref<40x128xi32, #tpu.memory_space<vmem>>) target_semaphore(%run_scoped3A : memref<!tpu.dma_semaphore, #tpu.memory_space<semaphore_mem>>)
        %dma_wait3A = arith.constant 0 : i32
        %dma_wait3A_38 = tpu.memref_slice %arg3[%arg1, %mul3A_19, %dma_wait3A] : memref<16x80x128xi32, #tpu.memory_space<hbm>> -> memref<1x40x128xi32, #tpu.memory_space<hbm>>
        %dma_wait3A_39 = tpu.memref_squeeze %dma_wait3A_38 : memref<1x40x128xi32, #tpu.memory_space<hbm>> -> memref<40x128xi32, #tpu.memory_space<hbm>>
        %dma_wait3A_40 = arith.constant 0 : i32
        %dma_wait3A_41 = tpu.memref_slice %arg3[%arg1, %mul3A_19, %dma_wait3A_40] : memref<16x80x128xi32, #tpu.memory_space<hbm>> -> memref<1x40x128xi32, #tpu.memory_space<hbm>>
        %dma_wait3A_42 = tpu.memref_squeeze %dma_wait3A_41 : memref<1x40x128xi32, #tpu.memory_space<hbm>> -> memref<40x128xi32, #tpu.memory_space<hbm>>
        tpu.wait_dma2 semaphore(%run_scoped3A : memref<!tpu.dma_semaphore, #tpu.memory_space<semaphore_mem>>) src(%dma_wait3A_42 : memref<40x128xi32, #tpu.memory_space<hbm>>) dst(%arg7 : memref<40x128xi32, #tpu.memory_space<vmem>>)
        tpu.yield
      }) : () -> ()
      %dma_start3A = arith.constant 0 : i32
      %dma_start3A_20 = arith.constant 0 : i32
      %dma_start3A_21 = tpu.memref_slice %arg6[%dma_start3A, %dma_start3A_20] : memref<40x128xi32, #tpu.memory_space<vmem>> -> memref<1x128xi32, #tpu.memory_space<vmem>>
      %dma_start3A_22 = tpu.memref_squeeze %dma_start3A_21 : memref<1x128xi32, #tpu.memory_space<vmem>> -> memref<128xi32, #tpu.memory_space<vmem>>
      %dma_start3A_23 = arith.constant 0 : i32
      %dma_start3A_24 = arith.constant 0 : i32
      %dma_start3A_25 = tpu.memref_slice %arg4[%dma_start3A_23, %dma_start3A_24] : memref<20480x128xf32, #tpu.memory_space<hbm>> -> memref<20480x128xf32, #tpu.memory_space<hbm>>
      tpu.enqueue_indirect_dma source(%dma_start3A_25 : memref<20480x128xf32, #tpu.memory_space<hbm>>) target(%arg8 : memref<128x128xf32, #tpu.memory_space<vmem>>) offsets(%dma_start3A_22 : memref<128xi32, #tpu.memory_space<vmem>>) semaphore(%arg11 : memref<!tpu.dma_semaphore, #tpu.memory_space<semaphore_mem>>)
      %scan3A_26 = arith.constant 0 : i32
      %scan3A_27 = arith.constant 0 : i32
      %scan3A_28 = arith.constant 20 : i32
      %scan3A_29 = arith.addi %scan3A_27, %scan3A_28 : i32
      %scan3A_30 = arith.constant 1 : i32
      scf.for %scan3A_32 = %scan3A_27 to %scan3A_29 step %scan3A_30  : i32 {
        %mul3A_33 = arith.constant 2 : i32
        %mul3A_34 = arith.muli %mul3A_33, %scan3A_32 : i32
        %add3A_35 = arith.constant 1 : i32
        %add3A_36 = arith.addi %mul3A_34, %add3A_35 : i32
        %dma_start3A_37 = arith.constant 0 : i32
        %dma_start3A_38 = tpu.memref_slice %arg6[%add3A_36, %dma_start3A_37] : memref<40x128xi32, #tpu.memory_space<vmem>> -> memref<1x128xi32, #tpu.memory_space<vmem>>
        %dma_start3A_39 = tpu.memref_squeeze %dma_start3A_38 : memref<1x128xi32, #tpu.memory_space<vmem>> -> memref<128xi32, #tpu.memory_space<vmem>>
        %dma_start3A_40 = arith.constant 0 : i32
        %dma_start3A_41 = arith.constant 0 : i32
        %dma_start3A_42 = tpu.memref_slice %arg4[%dma_start3A_40, %dma_start3A_41] : memref<20480x128xf32, #tpu.memory_space<hbm>> -> memref<20480x128xf32, #tpu.memory_space<hbm>>
        tpu.enqueue_indirect_dma source(%dma_start3A_42 : memref<20480x128xf32, #tpu.memory_space<hbm>>) target(%arg9 : memref<128x128xf32, #tpu.memory_space<vmem>>) offsets(%dma_start3A_39 : memref<128xi32, #tpu.memory_space<vmem>>) semaphore(%arg12 : memref<!tpu.dma_semaphore, #tpu.memory_space<semaphore_mem>>)
        %dma_wait3A = arith.constant 0 : i32
        %dma_wait3A_43 = tpu.memref_slice %arg6[%mul3A_34, %dma_wait3A] : memref<40x128xi32, #tpu.memory_space<vmem>> -> memref<1x128xi32, #tpu.memory_space<vmem>>
        %dma_wait3A_44 = tpu.memref_squeeze %dma_wait3A_43 : memref<1x128xi32, #tpu.memory_space<vmem>> -> memref<128xi32, #tpu.memory_space<vmem>>
        %dma_wait3A_45 = arith.constant 0 : i32
        %dma_wait3A_46 = arith.constant 0 : i32
        %dma_wait3A_47 = tpu.memref_slice %arg4[%dma_wait3A_45, %dma_wait3A_46] : memref<20480x128xf32, #tpu.memory_space<hbm>> -> memref<20480x128xf32, #tpu.memory_space<hbm>>
        tpu.wait_indirect_dma semaphore(%arg11 : memref<!tpu.dma_semaphore, #tpu.memory_space<semaphore_mem>>) src(%dma_wait3A_47 : memref<20480x128xf32, #tpu.memory_space<hbm>>) dst(%arg8 : memref<128x128xf32, #tpu.memory_space<vmem>>)
        "tpu.region"() ({
          %run_scoped3A = tpu.sem_alloc : memref<!tpu.dma_semaphore, #tpu.memory_space<semaphore_mem>>
          %dma_start3A_62 = arith.constant 0 : i32
          %dma_start3A_63 = tpu.memref_slice %arg7[%mul3A_34, %dma_start3A_62] : memref<40x128xi32, #tpu.memory_space<vmem>> -> memref<1x128xi32, #tpu.memory_space<vmem>>
          %dma_start3A_64 = tpu.memref_squeeze %dma_start3A_63 : memref<1x128xi32, #tpu.memory_space<vmem>> -> memref<128xi32, #tpu.memory_space<vmem>>
          %dma_start3A_65 = arith.constant 0 : i32
          %dma_start3A_66 = arith.constant 0 : i32
          %dma_start3A_67 = tpu.memref_slice %arg10[%dma_start3A_65, %dma_start3A_66] : memref<10256x128xf32, #tpu.memory_space<vmem_shared>> -> memref<10256x128xf32, #tpu.memory_space<vmem_shared>>
          tpu.enqueue_indirect_dma source(%arg8 : memref<128x128xf32, #tpu.memory_space<vmem>>) target(%dma_start3A_67 : memref<10256x128xf32, #tpu.memory_space<vmem_shared>>) offsets(%dma_start3A_64 : memref<128xi32, #tpu.memory_space<vmem>>) semaphore(%run_scoped3A : memref<!tpu.dma_semaphore, #tpu.memory_space<semaphore_mem>>) {add = true}
          %dma_wait3A_68 = arith.constant 0 : i32
          %dma_wait3A_69 = tpu.memref_slice %arg7[%mul3A_34, %dma_wait3A_68] : memref<40x128xi32, #tpu.memory_space<vmem>> -> memref<1x128xi32, #tpu.memory_space<vmem>>
          %dma_wait3A_70 = tpu.memref_squeeze %dma_wait3A_69 : memref<1x128xi32, #tpu.memory_space<vmem>> -> memref<128xi32, #tpu.memory_space<vmem>>
          %dma_wait3A_71 = arith.constant 0 : i32
          %dma_wait3A_72 = arith.constant 0 : i32
          %dma_wait3A_73 = tpu.memref_slice %arg10[%dma_wait3A_71, %dma_wait3A_72] : memref<10256x128xf32, #tpu.memory_space<vmem_shared>> -> memref<10256x128xf32, #tpu.memory_space<vmem_shared>>
          tpu.wait_indirect_dma semaphore(%run_scoped3A : memref<!tpu.dma_semaphore, #tpu.memory_space<semaphore_mem>>) src(%arg8 : memref<128x128xf32, #tpu.memory_space<vmem>>) dst(%dma_wait3A_73 : memref<10256x128xf32, #tpu.memory_space<vmem_shared>>)
          tpu.yield
        }) : () -> ()
        %add3A_48 = arith.constant 2 : i32
        %add3A_49 = arith.addi %mul3A_34, %add3A_48 : i32
        %lt3A = arith.constant 40 : i32
        %lt3A_50 = arith.cmpi slt, %add3A_49, %lt3A : i32
        %convert_element_type3A = arith.extui %lt3A_50 : i1 to i32
        %cond3A = arith.constant 0 : i32
        %cond3A_51 = arith.cmpi ne, %convert_element_type3A, %cond3A : i32
        scf.if %cond3A_51 {
          %add3A_62 = arith.constant 2 : i32
          %add3A_63 = arith.addi %mul3A_34, %add3A_62 : i32
          %dma_start3A_64 = arith.constant 0 : i32
          %dma_start3A_65 = tpu.memref_slice %arg6[%add3A_63, %dma_start3A_64] : memref<40x128xi32, #tpu.memory_space<vmem>> -> memref<1x128xi32, #tpu.memory_space<vmem>>
          %dma_start3A_66 = tpu.memref_squeeze %dma_start3A_65 : memref<1x128xi32, #tpu.memory_space<vmem>> -> memref<128xi32, #tpu.memory_space<vmem>>
          %dma_start3A_67 = arith.constant 0 : i32
          %dma_start3A_68 = arith.constant 0 : i32
          %dma_start3A_69 = tpu.memref_slice %arg4[%dma_start3A_67, %dma_start3A_68] : memref<20480x128xf32, #tpu.memory_space<hbm>> -> memref<20480x128xf32, #tpu.memory_space<hbm>>
          tpu.enqueue_indirect_dma source(%dma_start3A_69 : memref<20480x128xf32, #tpu.memory_space<hbm>>) target(%arg8 : memref<128x128xf32, #tpu.memory_space<vmem>>) offsets(%dma_start3A_66 : memref<128xi32, #tpu.memory_space<vmem>>) semaphore(%arg11 : memref<!tpu.dma_semaphore, #tpu.memory_space<semaphore_mem>>)
        } else {
        }
        %add3A_52 = arith.constant 1 : i32
        %add3A_53 = arith.addi %mul3A_34, %add3A_52 : i32
        %dma_wait3A_54 = arith.constant 0 : i32
        %dma_wait3A_55 = tpu.memref_slice %arg6[%add3A_53, %dma_wait3A_54] : memref<40x128xi32, #tpu.memory_space<vmem>> -> memref<1x128xi32, #tpu.memory_space<vmem>>
        %dma_wait3A_56 = tpu.memref_squeeze %dma_wait3A_55 : memref<1x128xi32, #tpu.memory_space<vmem>> -> memref<128xi32, #tpu.memory_space<vmem>>
        %dma_wait3A_57 = arith.constant 0 : i32
        %dma_wait3A_58 = arith.constant 0 : i32
        %dma_wait3A_59 = tpu.memref_slice %arg4[%dma_wait3A_57, %dma_wait3A_58] : memref<20480x128xf32, #tpu.memory_space<hbm>> -> memref<20480x128xf32, #tpu.memory_space<hbm>>
        tpu.wait_indirect_dma semaphore(%arg12 : memref<!tpu.dma_semaphore, #tpu.memory_space<semaphore_mem>>) src(%dma_wait3A_59 : memref<20480x128xf32, #tpu.memory_space<hbm>>) dst(%arg9 : memref<128x128xf32, #tpu.memory_space<vmem>>)
        %add3A_60 = arith.constant 1 : i32
        %add3A_61 = arith.addi %mul3A_34, %add3A_60 : i32
        "tpu.region"() ({
          %run_scoped3A = tpu.sem_alloc : memref<!tpu.dma_semaphore, #tpu.memory_space<semaphore_mem>>
          %dma_start3A_62 = arith.constant 0 : i32
          %dma_start3A_63 = tpu.memref_slice %arg7[%add3A_61, %dma_start3A_62] : memref<40x128xi32, #tpu.memory_space<vmem>> -> memref<1x128xi32, #tpu.memory_space<vmem>>
          %dma_start3A_64 = tpu.memref_squeeze %dma_start3A_63 : memref<1x128xi32, #tpu.memory_space<vmem>> -> memref<128xi32, #tpu.memory_space<vmem>>
          %dma_start3A_65 = arith.constant 0 : i32
          %dma_start3A_66 = arith.constant 0 : i32
          %dma_start3A_67 = tpu.memref_slice %arg10[%dma_start3A_65, %dma_start3A_66] : memref<10256x128xf32, #tpu.memory_space<vmem_shared>> -> memref<10256x128xf32, #tpu.memory_space<vmem_shared>>
          tpu.enqueue_indirect_dma source(%arg9 : memref<128x128xf32, #tpu.memory_space<vmem>>) target(%dma_start3A_67 : memref<10256x128xf32, #tpu.memory_space<vmem_shared>>) offsets(%dma_start3A_64 : memref<128xi32, #tpu.memory_space<vmem>>) semaphore(%run_scoped3A : memref<!tpu.dma_semaphore, #tpu.memory_space<semaphore_mem>>) {add = true}
          %dma_wait3A_68 = arith.constant 0 : i32
          %dma_wait3A_69 = tpu.memref_slice %arg7[%add3A_61, %dma_wait3A_68] : memref<40x128xi32, #tpu.memory_space<vmem>> -> memref<1x128xi32, #tpu.memory_space<vmem>>
          %dma_wait3A_70 = tpu.memref_squeeze %dma_wait3A_69 : memref<1x128xi32, #tpu.memory_space<vmem>> -> memref<128xi32, #tpu.memory_space<vmem>>
          %dma_wait3A_71 = arith.constant 0 : i32
          %dma_wait3A_72 = arith.constant 0 : i32
          %dma_wait3A_73 = tpu.memref_slice %arg10[%dma_wait3A_71, %dma_wait3A_72] : memref<10256x128xf32, #tpu.memory_space<vmem_shared>> -> memref<10256x128xf32, #tpu.memory_space<vmem_shared>>
          tpu.wait_indirect_dma semaphore(%run_scoped3A : memref<!tpu.dma_semaphore, #tpu.memory_space<semaphore_mem>>) src(%arg9 : memref<128x128xf32, #tpu.memory_space<vmem>>) dst(%dma_wait3A_73 : memref<10256x128xf32, #tpu.memory_space<vmem_shared>>)
          tpu.yield
        }) : () -> ()
      }
      %scan3A_31 = arith.constant 20 : i32
    }
    %scan3A_9 = arith.constant 2 : i32
    %barrier3A_10 = arith.constant 0 : index
    tpu.barrier barrier_id(%barrier3A_10)
    %mul3A_11 = arith.constant 640 : i32
    %mul3A_12 = arith.muli %arg1, %mul3A_11 : i32
    %mul3A_13 = arith.constant 640 : i32
    %mul3A_14 = arith.muli %arg1, %mul3A_13 : i32
    "tpu.region"() ({
      %run_scoped3A = tpu.sem_alloc : memref<!tpu.dma_semaphore, #tpu.memory_space<semaphore_mem>>
      %dma_start3A = arith.constant 0 : i32
      %dma_start3A_15 = tpu.memref_slice %arg5[%arg0, %mul3A_14, %dma_start3A] : memref<2x10240x128xf32, #tpu.memory_space<hbm>> -> memref<1x640x128xf32, #tpu.memory_space<hbm>>
      %dma_start3A_16 = tpu.memref_squeeze %dma_start3A_15 : memref<1x640x128xf32, #tpu.memory_space<hbm>> -> memref<640x128xf32, #tpu.memory_space<hbm>>
      %dma_start3A_17 = arith.constant 0 : i32
      %dma_start3A_18 = tpu.memref_slice %arg10[%mul3A_12, %dma_start3A_17] : memref<10256x128xf32, #tpu.memory_space<vmem_shared>> -> memref<640x128xf32, #tpu.memory_space<vmem_shared>>
      tpu.enqueue_dma source(%dma_start3A_18 : memref<640x128xf32, #tpu.memory_space<vmem_shared>>) target(%dma_start3A_16 : memref<640x128xf32, #tpu.memory_space<hbm>>) target_semaphore(%run_scoped3A : memref<!tpu.dma_semaphore, #tpu.memory_space<semaphore_mem>>)
      %dma_wait3A = arith.constant 0 : i32
      %dma_wait3A_19 = tpu.memref_slice %arg5[%arg0, %mul3A_14, %dma_wait3A] : memref<2x10240x128xf32, #tpu.memory_space<hbm>> -> memref<1x640x128xf32, #tpu.memory_space<hbm>>
      %dma_wait3A_20 = tpu.memref_squeeze %dma_wait3A_19 : memref<1x640x128xf32, #tpu.memory_space<hbm>> -> memref<640x128xf32, #tpu.memory_space<hbm>>
      %dma_wait3A_21 = arith.constant 0 : i32
      %dma_wait3A_22 = tpu.memref_slice %arg10[%mul3A_12, %dma_wait3A_21] : memref<10256x128xf32, #tpu.memory_space<vmem_shared>> -> memref<640x128xf32, #tpu.memory_space<vmem_shared>>
      tpu.wait_dma2 semaphore(%run_scoped3A : memref<!tpu.dma_semaphore, #tpu.memory_space<semaphore_mem>>) src(%dma_wait3A_22 : memref<640x128xf32, #tpu.memory_space<vmem_shared>>) dst(%dma_wait3A_20 : memref<640x128xf32, #tpu.memory_space<hbm>>)
      tpu.yield
    }) : () -> ()
    return
  }
}

module attributes {stable_mosaic.version = 14 : i64} {
  func.func @_tc_mm_body(%arg0: i32, %arg1: memref<512x256xf32, #tpu.memory_space<vmem>>, %arg2: memref<256x256xf32, #tpu.memory_space<vmem>>, %arg3: memref<512x256xf32, #tpu.memory_space<vmem>>) attributes {dimension_semantics = [#tpu.dimension_semantics<arbitrary>], iteration_bounds = array<i64: 20>, scalar_prefetch = 0 : i64, scratch_operands = 0 : i64, tpu.core_type = #tpu.core_type<tc>, window_params = [{transform_indices = @transform_0, window_bounds = array<i64: 512, 256>}, {pipeline_mode = #tpu.pipeline_mode<synchronous>, transform_indices = @transform_1, window_bounds = array<i64: 256, 256>}, {transform_indices = @transform_2, window_bounds = array<i64: 512, 256>}]} {
    %get3A = arith.constant 0 : index
    %get3A_0 = arith.constant 0 : index
    %get3A_1 = vector.load %arg1[%get3A, %get3A_0] : memref<512x256xf32, #tpu.memory_space<vmem>>, vector<512x256xf32>
    %get3A_2 = arith.constant 0 : index
    %get3A_3 = arith.constant 0 : index
    %get3A_4 = vector.load %arg2[%get3A_2, %get3A_3] : memref<256x256xf32, #tpu.memory_space<vmem>>, vector<256x256xf32>
    %dot_general3A = arith.constant dense<0.000000e+00> : vector<512x256xf32>
    %dot_general3A_5 = tpu.matmul %get3A_1, %get3A_4, %dot_general3A {dimension_numbers = #tpu.dot_dimension_numbers<[1], [0], [0], [1], [0, 0, 1, 1], [], []>, transpose_lhs_hint = false} : vector<512x256xf32>, vector<256x256xf32>, vector<512x256xf32> -> vector<512x256xf32>
    %swap3A = arith.constant 0 : index
    %swap3A_6 = arith.constant 0 : index
    %swap3A_7 = vector.load %arg3[%swap3A, %swap3A_6] : memref<512x256xf32, #tpu.memory_space<vmem>>, vector<512x256xf32>
    tpu.vector_store %arg3[%swap3A, %swap3A_6], %dot_general3A_5 {strides = array<i32>} : memref<512x256xf32, #tpu.memory_space<vmem>>, vector<512x256xf32>,
    return
  }
  func.func @transform_0(%arg0: i32) -> (i32, i32) {
    %c0_i32 = arith.constant 0 : i32
    %c0_i32_0 = arith.constant 0 : i32
    return %arg0, %c0_i32 : i32, i32
  }
  func.func @transform_1(%arg0: i32) -> (i32, i32) {
    %c0_i32 = arith.constant 0 : i32
    %c0_i32_0 = arith.constant 0 : i32
    %c0_i32_1 = arith.constant 0 : i32
    return %c0_i32, %c0_i32_0 : i32, i32
  }
  func.func @transform_2(%arg0: i32) -> (i32, i32) {
    %c0_i32 = arith.constant 0 : i32
    %c0_i32_0 = arith.constant 0 : i32
    return %arg0, %c0_i32 : i32, i32
  }
}

module attributes {stable_mosaic.version = 14 : i64} {
  func.func @_tc_first_body(%arg0: i32, %arg1: memref<512x256xf32, #tpu.memory_space<vmem>>, %arg2: memref<2x512x128xf32, #tpu.memory_space<vmem>>, %arg3: memref<2x512x128xf32, #tpu.memory_space<vmem>>, %arg4: memref<512x1xf32, #tpu.memory_space<vmem>>) attributes {dimension_semantics = [#tpu.dimension_semantics<arbitrary>], iteration_bounds = array<i64: 20>, scalar_prefetch = 0 : i64, scratch_operands = 0 : i64, tpu.core_type = #tpu.core_type<tc>, window_params = [{transform_indices = @transform_0, window_bounds = array<i64: 512, 256>}, {transform_indices = @transform_1, window_bounds = array<i64: 2, 512, 128>}, {transform_indices = @transform_2, window_bounds = array<i64: 2, 512, 128>}, {transform_indices = @transform_3, window_bounds = array<i64: 512, 1>}]} {
    %get3A = arith.constant 0 : index
    %get3A_0 = arith.constant 0 : index
    %get3A_1 = arith.constant 0 : index
    %get3A_2 = vector.load %arg2[%get3A, %get3A_0, %get3A_1] : memref<2x512x128xf32, #tpu.memory_space<vmem>>, vector<2x512x128xf32>
    %reduce_sum3A = arith.constant dense<0.000000e+00> : vector<512xf32>
    %reduce_sum3A_3 = vector.multi_reduction <add>, %get3A_2, %reduce_sum3A [0, 2] : vector<2x512x128xf32> to vector<512xf32>
    %mul3A = arith.constant 7.812500e-03 : f32
    %mul3A_4 = vector.broadcast %mul3A : f32 to vector<512xf32>
    %mul3A_5 = arith.mulf %reduce_sum3A_3, %mul3A_4 : vector<512xf32>
    %add3A = arith.constant 1.000000e+00 : f32
    %add3A_6 = vector.broadcast %add3A : f32 to vector<512xf32>
    %add3A_7 = arith.addf %mul3A_5, %add3A_6 : vector<512xf32>
    %sqrt3A = math.sqrt %add3A_7 : vector<512xf32>
    %div3A = arith.constant 1.000000e+00 : f32
    %div3A_8 = vector.broadcast %div3A : f32 to vector<512xf32>
    %div3A_9 = arith.divf %div3A_8, %sqrt3A : vector<512xf32>
    %broadcast_in_dim3A = vector.shape_cast %div3A_9 : vector<512xf32> to vector<512x1xf32>
    %get3A_10 = arith.constant 0 : index
    %get3A_11 = arith.constant 0 : index
    %get3A_12 = vector.load %arg1[%get3A_10, %get3A_11] : memref<512x256xf32, #tpu.memory_space<vmem>>, vector<512x256xf32>
    %mul3A_13 = vector.broadcast %broadcast_in_dim3A : vector<512x1xf32> to vector<512x256xf32>
    %mul3A_14 = arith.mulf %get3A_12, %mul3A_13 : vector<512x256xf32>
    %slice3A = vector.extract_strided_slice %mul3A_14 {offsets = [0, 0], sizes = [512, 128], strides = [1, 1]} : vector<512x256xf32> to vector<512x128xf32>
    %swap3A = arith.constant 0 : index
    %swap3A_15 = arith.constant 0 : index
    %swap3A_16 = arith.constant 0 : index
    %swap3A_17 = vector.load %arg3[%swap3A, %swap3A_15, %swap3A_16] : memref<2x512x128xf32, #tpu.memory_space<vmem>>, vector<1x512x128xf32>
    %swap3A_18 = vector.shape_cast %swap3A_17 : vector<1x512x128xf32> to vector<512x128xf32>
    %swap3A_19 = vector.shape_cast %slice3A : vector<512x128xf32> to vector<1x512x128xf32>
    tpu.vector_store %arg3[%swap3A, %swap3A_15, %swap3A_16], %swap3A_19 {strides = array<i32>} : memref<2x512x128xf32, #tpu.memory_space<vmem>>, vector<1x512x128xf32>,
    %slice3A_20 = vector.extract_strided_slice %mul3A_14 {offsets = [0, 128], sizes = [512, 128], strides = [1, 1]} : vector<512x256xf32> to vector<512x128xf32>
    %swap3A_21 = arith.constant 1 : index
    %swap3A_22 = arith.constant 0 : index
    %swap3A_23 = arith.constant 0 : index
    %swap3A_24 = vector.load %arg3[%swap3A_21, %swap3A_22, %swap3A_23] : memref<2x512x128xf32, #tpu.memory_space<vmem>>, vector<1x512x128xf32>
    %swap3A_25 = vector.shape_cast %swap3A_24 : vector<1x512x128xf32> to vector<512x128xf32>
    %swap3A_26 = vector.shape_cast %slice3A_20 : vector<512x128xf32> to vector<1x512x128xf32>
    tpu.vector_store %arg3[%swap3A_21, %swap3A_22, %swap3A_23], %swap3A_26 {strides = array<i32>} : memref<2x512x128xf32, #tpu.memory_space<vmem>>, vector<1x512x128xf32>,
    %swap3A_27 = arith.constant 0 : index
    %swap3A_28 = arith.constant 0 : index
    %swap3A_29 = vector.load %arg4[%swap3A_27, %swap3A_28] : memref<512x1xf32, #tpu.memory_space<vmem>>, vector<512x1xf32>
    tpu.vector_store %arg4[%swap3A_27, %swap3A_28], %broadcast_in_dim3A {strides = array<i32>} : memref<512x1xf32, #tpu.memory_space<vmem>>, vector<512x1xf32>,
    return
  }
  func.func @transform_0(%arg0: i32) -> (i32, i32) {
    %c0_i32 = arith.constant 0 : i32
    %c0_i32_0 = arith.constant 0 : i32
    return %arg0, %c0_i32 : i32, i32
  }
  func.func @transform_1(%arg0: i32) -> (i32, i32, i32) {
    %c0_i32 = arith.constant 0 : i32
    %c0_i32_0 = arith.constant 0 : i32
    %c0_i32_1 = arith.constant 0 : i32
    return %c0_i32, %arg0, %c0_i32_0 : i32, i32, i32
  }
  func.func @transform_2(%arg0: i32) -> (i32, i32, i32) {
    %c0_i32 = arith.constant 0 : i32
    %c0_i32_0 = arith.constant 0 : i32
    %c0_i32_1 = arith.constant 0 : i32
    return %c0_i32, %arg0, %c0_i32_0 : i32, i32, i32
  }
  func.func @transform_3(%arg0: i32) -> (i32, i32) {
    %c0_i32 = arith.constant 0 : i32
    %c0_i32_0 = arith.constant 0 : i32
    return %arg0, %c0_i32 : i32, i32
  }
}

module attributes {stable_mosaic.version = 14 : i64} {
  func.func @_tc_mid_body(%arg0: i32, %arg1: memref<2x512x128xf32, #tpu.memory_space<vmem>>, %arg2: memref<512x1xf32, #tpu.memory_space<vmem>>, %arg3: memref<1x256xf32, #tpu.memory_space<vmem>>, %arg4: memref<1x256xf32, #tpu.memory_space<vmem>>, %arg5: memref<1x256xf32, #tpu.memory_space<vmem>>, %arg6: memref<256x256xf32, #tpu.memory_space<vmem>>, %arg7: memref<2x512x128xf32, #tpu.memory_space<vmem>>) attributes {dimension_semantics = [#tpu.dimension_semantics<arbitrary>], iteration_bounds = array<i64: 20>, scalar_prefetch = 0 : i64, scratch_operands = 0 : i64, tpu.core_type = #tpu.core_type<tc>, window_params = [{transform_indices = @transform_0, window_bounds = array<i64: 2, 512, 128>}, {transform_indices = @transform_1, window_bounds = array<i64: 512, 1>}, {pipeline_mode = #tpu.pipeline_mode<synchronous>, transform_indices = @transform_2, window_bounds = array<i64: 1, 256>}, {pipeline_mode = #tpu.pipeline_mode<synchronous>, transform_indices = @transform_3, window_bounds = array<i64: 1, 256>}, {pipeline_mode = #tpu.pipeline_mode<synchronous>, transform_indices = @transform_4, window_bounds = array<i64: 1, 256>}, {pipeline_mode = #tpu.pipeline_mode<synchronous>, transform_indices = @transform_5, window_bounds = array<i64: 256, 256>}, {transform_indices = @transform_6, window_bounds = array<i64: 2, 512, 128>}]} {
    %get3A = arith.constant 0 : index
    %get3A_0 = arith.constant 0 : index
    %get3A_1 = vector.load %arg2[%get3A, %get3A_0] : memref<512x1xf32, #tpu.memory_space<vmem>>, vector<512x1xf32>
    %get3A_2 = arith.constant 0 : index
    %get3A_3 = arith.constant 0 : index
    %get3A_4 = arith.constant 0 : index
    %get3A_5 = vector.load %arg1[%get3A_2, %get3A_3, %get3A_4] : memref<2x512x128xf32, #tpu.memory_space<vmem>>, vector<1x512x128xf32>
    %get3A_6 = vector.shape_cast %get3A_5 : vector<1x512x128xf32> to vector<512x128xf32>
    %get3A_7 = arith.constant 1 : index
    %get3A_8 = arith.constant 0 : index
    %get3A_9 = arith.constant 0 : index
    %get3A_10 = vector.load %arg1[%get3A_7, %get3A_8, %get3A_9] : memref<2x512x128xf32, #tpu.memory_space<vmem>>, vector<1x512x128xf32>
    %get3A_11 = vector.shape_cast %get3A_10 : vector<1x512x128xf32> to vector<512x128xf32>
    %concatenate3A = tpu.concatenate %get3A_6, %get3A_11 in 1 : vector<512x128xf32>, vector<512x128xf32> -> vector<512x256xf32>
    %mul3A = vector.broadcast %get3A_1 : vector<512x1xf32> to vector<512x256xf32>
    %mul3A_12 = arith.mulf %concatenate3A, %mul3A : vector<512x256xf32>
    %get3A_13 = arith.constant 0 : index
    %get3A_14 = arith.constant 0 : index
    %get3A_15 = vector.load %arg3[%get3A_13, %get3A_14] : memref<1x256xf32, #tpu.memory_space<vmem>>, vector<1x256xf32>
    %add3A = vector.broadcast %get3A_15 : vector<1x256xf32> to vector<512x256xf32>
    %add3A_16 = arith.addf %mul3A_12, %add3A : vector<512x256xf32>
    %reduce_sum3A = arith.constant dense<0.000000e+00> : vector<512xf32>
    %reduce_sum3A_17 = vector.multi_reduction <add>, %add3A_16, %reduce_sum3A [1] : vector<512x256xf32> to vector<512xf32>
    %broadcast_in_dim3A = vector.shape_cast %reduce_sum3A_17 : vector<512xf32> to vector<512x1xf32>
    %div3A = arith.constant 2.560000e+02 : f32
    %div3A_18 = vector.broadcast %div3A : f32 to vector<512x1xf32>
    %div3A_19 = arith.divf %broadcast_in_dim3A, %div3A_18 : vector<512x1xf32>
    %sub3A = vector.broadcast %div3A_19 : vector<512x1xf32> to vector<512x256xf32>
    %sub3A_20 = arith.subf %add3A_16, %sub3A : vector<512x256xf32>
    %integer_pow3A = arith.mulf %sub3A_20, %sub3A_20 : vector<512x256xf32>
    %reduce_sum3A_21 = arith.constant dense<0.000000e+00> : vector<512xf32>
    %reduce_sum3A_22 = vector.multi_reduction <add>, %integer_pow3A, %reduce_sum3A_21 [1] : vector<512x256xf32> to vector<512xf32>
    %broadcast_in_dim3A_23 = vector.shape_cast %reduce_sum3A_22 : vector<512xf32> to vector<512x1xf32>
    %div3A_24 = arith.constant 2.560000e+02 : f32
    %div3A_25 = vector.broadcast %div3A_24 : f32 to vector<512x1xf32>
    %div3A_26 = arith.divf %broadcast_in_dim3A_23, %div3A_25 : vector<512x1xf32>
    %get3A_27 = arith.constant 0 : index
    %get3A_28 = arith.constant 0 : index
    %get3A_29 = vector.load %arg4[%get3A_27, %get3A_28] : memref<1x256xf32, #tpu.memory_space<vmem>>, vector<1x256xf32>
    %sub3A_30 = vector.broadcast %div3A_19 : vector<512x1xf32> to vector<512x256xf32>
    %sub3A_31 = arith.subf %add3A_16, %sub3A_30 : vector<512x256xf32>
    %mul3A_32 = vector.broadcast %get3A_29 : vector<1x256xf32> to vector<512x256xf32>
    %mul3A_33 = arith.mulf %mul3A_32, %sub3A_31 : vector<512x256xf32>
    %add3A_34 = arith.constant 9.99999974E-6 : f32
    %add3A_35 = vector.broadcast %add3A_34 : f32 to vector<512x1xf32>
    %add3A_36 = arith.addf %div3A_26, %add3A_35 : vector<512x1xf32>
    %sqrt3A = math.sqrt %add3A_36 : vector<512x1xf32>
    %div3A_37 = vector.broadcast %sqrt3A : vector<512x1xf32> to vector<512x256xf32>
    %div3A_38 = arith.divf %mul3A_33, %div3A_37 : vector<512x256xf32>
    %get3A_39 = arith.constant 0 : index
    %get3A_40 = arith.constant 0 : index
    %get3A_41 = vector.load %arg5[%get3A_39, %get3A_40] : memref<1x256xf32, #tpu.memory_space<vmem>>, vector<1x256xf32>
    %add3A_42 = vector.broadcast %get3A_41 : vector<1x256xf32> to vector<512x256xf32>
    %add3A_43 = arith.addf %div3A_38, %add3A_42 : vector<512x256xf32>
    %max3A = arith.constant 0.000000e+00 : f32
    %max3A_44 = vector.broadcast %max3A : f32 to vector<512x256xf32>
    %max3A_45 = arith.maximumf %add3A_43, %max3A_44 : vector<512x256xf32>
    %get3A_46 = arith.constant 0 : index
    %get3A_47 = arith.constant 0 : index
    %get3A_48 = vector.load %arg6[%get3A_46, %get3A_47] : memref<256x256xf32, #tpu.memory_space<vmem>>, vector<256x256xf32>
    %dot_general3A = arith.constant dense<0.000000e+00> : vector<512x256xf32>
    %dot_general3A_49 = tpu.matmul %max3A_45, %get3A_48, %dot_general3A {dimension_numbers = #tpu.dot_dimension_numbers<[1], [0], [0], [1], [0, 0, 1, 1], [], []>, transpose_lhs_hint = false} : vector<512x256xf32>, vector<256x256xf32>, vector<512x256xf32> -> vector<512x256xf32>
    %mul3A_50 = vector.broadcast %get3A_1 : vector<512x1xf32> to vector<512x256xf32>
    %mul3A_51 = arith.mulf %dot_general3A_49, %mul3A_50 : vector<512x256xf32>
    %slice3A = vector.extract_strided_slice %mul3A_51 {offsets = [0, 0], sizes = [512, 128], strides = [1, 1]} : vector<512x256xf32> to vector<512x128xf32>
    %swap3A = arith.constant 0 : index
    %swap3A_52 = arith.constant 0 : index
    %swap3A_53 = arith.constant 0 : index
    %swap3A_54 = vector.load %arg7[%swap3A, %swap3A_52, %swap3A_53] : memref<2x512x128xf32, #tpu.memory_space<vmem>>, vector<1x512x128xf32>
    %swap3A_55 = vector.shape_cast %swap3A_54 : vector<1x512x128xf32> to vector<512x128xf32>
    %swap3A_56 = vector.shape_cast %slice3A : vector<512x128xf32> to vector<1x512x128xf32>
    tpu.vector_store %arg7[%swap3A, %swap3A_52, %swap3A_53], %swap3A_56 {strides = array<i32>} : memref<2x512x128xf32, #tpu.memory_space<vmem>>, vector<1x512x128xf32>,
    %slice3A_57 = vector.extract_strided_slice %mul3A_51 {offsets = [0, 128], sizes = [512, 128], strides = [1, 1]} : vector<512x256xf32> to vector<512x128xf32>
    %swap3A_58 = arith.constant 1 : index
    %swap3A_59 = arith.constant 0 : index
    %swap3A_60 = arith.constant 0 : index
    %swap3A_61 = vector.load %arg7[%swap3A_58, %swap3A_59, %swap3A_60] : memref<2x512x128xf32, #tpu.memory_space<vmem>>, vector<1x512x128xf32>
    %swap3A_62 = vector.shape_cast %swap3A_61 : vector<1x512x128xf32> to vector<512x128xf32>
    %swap3A_63 = vector.shape_cast %slice3A_57 : vector<512x128xf32> to vector<1x512x128xf32>
    tpu.vector_store %arg7[%swap3A_58, %swap3A_59, %swap3A_60], %swap3A_63 {strides = array<i32>} : memref<2x512x128xf32, #tpu.memory_space<vmem>>, vector<1x512x128xf32>,
    return
  }
  func.func @transform_0(%arg0: i32) -> (i32, i32, i32) {
    %c0_i32 = arith.constant 0 : i32
    %c0_i32_0 = arith.constant 0 : i32
    %c0_i32_1 = arith.constant 0 : i32
    return %c0_i32, %arg0, %c0_i32_0 : i32, i32, i32
  }
  func.func @transform_1(%arg0: i32) -> (i32, i32) {
    %c0_i32 = arith.constant 0 : i32
    %c0_i32_0 = arith.constant 0 : i32
    return %arg0, %c0_i32 : i32, i32
  }
  func.func @transform_2(%arg0: i32) -> (i32, i32) {
    %c0_i32 = arith.constant 0 : i32
    %c0_i32_0 = arith.constant 0 : i32
    %c0_i32_1 = arith.constant 0 : i32
    return %c0_i32, %c0_i32_0 : i32, i32
  }
  func.func @transform_3(%arg0: i32) -> (i32, i32) {
    %c0_i32 = arith.constant 0 : i32
    %c0_i32_0 = arith.constant 0 : i32
    %c0_i32_1 = arith.constant 0 : i32
    return %c0_i32, %c0_i32_0 : i32, i32
  }
  func.func @transform_4(%arg0: i32) -> (i32, i32) {
    %c0_i32 = arith.constant 0 : i32
    %c0_i32_0 = arith.constant 0 : i32
    %c0_i32_1 = arith.constant 0 : i32
    return %c0_i32, %c0_i32_0 : i32, i32
  }
  func.func @transform_5(%arg0: i32) -> (i32, i32) {
    %c0_i32 = arith.constant 0 : i32
    %c0_i32_0 = arith.constant 0 : i32
    %c0_i32_1 = arith.constant 0 : i32
    return %c0_i32, %c0_i32_0 : i32, i32
  }
  func.func @transform_6(%arg0: i32) -> (i32, i32, i32) {
    %c0_i32 = arith.constant 0 : i32
    %c0_i32_0 = arith.constant 0 : i32
    %c0_i32_1 = arith.constant 0 : i32
    return %c0_i32, %arg0, %c0_i32_0 : i32, i32, i32
  }
}

module attributes {stable_mosaic.version = 14 : i64} {
  func.func @_tc_final_body(%arg0: i32, %arg1: memref<2x512x128xf32, #tpu.memory_space<vmem>>, %arg2: memref<512x1xf32, #tpu.memory_space<vmem>>, %arg3: memref<1x256xf32, #tpu.memory_space<vmem>>, %arg4: memref<1x256xf32, #tpu.memory_space<vmem>>, %arg5: memref<1x256xf32, #tpu.memory_space<vmem>>, %arg6: memref<512x256xf32, #tpu.memory_space<vmem>>) attributes {dimension_semantics = [#tpu.dimension_semantics<arbitrary>], iteration_bounds = array<i64: 20>, scalar_prefetch = 0 : i64, scratch_operands = 0 : i64, tpu.core_type = #tpu.core_type<tc>, window_params = [{transform_indices = @transform_0, window_bounds = array<i64: 2, 512, 128>}, {transform_indices = @transform_1, window_bounds = array<i64: 512, 1>}, {pipeline_mode = #tpu.pipeline_mode<synchronous>, transform_indices = @transform_2, window_bounds = array<i64: 1, 256>}, {pipeline_mode = #tpu.pipeline_mode<synchronous>, transform_indices = @transform_3, window_bounds = array<i64: 1, 256>}, {pipeline_mode = #tpu.pipeline_mode<synchronous>, transform_indices = @transform_4, window_bounds = array<i64: 1, 256>}, {transform_indices = @transform_5, window_bounds = array<i64: 512, 256>}]} {
    %get3A = arith.constant 0 : index
    %get3A_0 = arith.constant 0 : index
    %get3A_1 = vector.load %arg2[%get3A, %get3A_0] : memref<512x1xf32, #tpu.memory_space<vmem>>, vector<512x1xf32>
    %get3A_2 = arith.constant 0 : index
    %get3A_3 = arith.constant 0 : index
    %get3A_4 = arith.constant 0 : index
    %get3A_5 = vector.load %arg1[%get3A_2, %get3A_3, %get3A_4] : memref<2x512x128xf32, #tpu.memory_space<vmem>>, vector<1x512x128xf32>
    %get3A_6 = vector.shape_cast %get3A_5 : vector<1x512x128xf32> to vector<512x128xf32>
    %get3A_7 = arith.constant 1 : index
    %get3A_8 = arith.constant 0 : index
    %get3A_9 = arith.constant 0 : index
    %get3A_10 = vector.load %arg1[%get3A_7, %get3A_8, %get3A_9] : memref<2x512x128xf32, #tpu.memory_space<vmem>>, vector<1x512x128xf32>
    %get3A_11 = vector.shape_cast %get3A_10 : vector<1x512x128xf32> to vector<512x128xf32>
    %concatenate3A = tpu.concatenate %get3A_6, %get3A_11 in 1 : vector<512x128xf32>, vector<512x128xf32> -> vector<512x256xf32>
    %mul3A = vector.broadcast %get3A_1 : vector<512x1xf32> to vector<512x256xf32>
    %mul3A_12 = arith.mulf %concatenate3A, %mul3A : vector<512x256xf32>
    %get3A_13 = arith.constant 0 : index
    %get3A_14 = arith.constant 0 : index
    %get3A_15 = vector.load %arg3[%get3A_13, %get3A_14] : memref<1x256xf32, #tpu.memory_space<vmem>>, vector<1x256xf32>
    %add3A = vector.broadcast %get3A_15 : vector<1x256xf32> to vector<512x256xf32>
    %add3A_16 = arith.addf %mul3A_12, %add3A : vector<512x256xf32>
    %reduce_sum3A = arith.constant dense<0.000000e+00> : vector<512xf32>
    %reduce_sum3A_17 = vector.multi_reduction <add>, %add3A_16, %reduce_sum3A [1] : vector<512x256xf32> to vector<512xf32>
    %broadcast_in_dim3A = vector.shape_cast %reduce_sum3A_17 : vector<512xf32> to vector<512x1xf32>
    %div3A = arith.constant 2.560000e+02 : f32
    %div3A_18 = vector.broadcast %div3A : f32 to vector<512x1xf32>
    %div3A_19 = arith.divf %broadcast_in_dim3A, %div3A_18 : vector<512x1xf32>
    %sub3A = vector.broadcast %div3A_19 : vector<512x1xf32> to vector<512x256xf32>
    %sub3A_20 = arith.subf %add3A_16, %sub3A : vector<512x256xf32>
    %integer_pow3A = arith.mulf %sub3A_20, %sub3A_20 : vector<512x256xf32>
    %reduce_sum3A_21 = arith.constant dense<0.000000e+00> : vector<512xf32>
    %reduce_sum3A_22 = vector.multi_reduction <add>, %integer_pow3A, %reduce_sum3A_21 [1] : vector<512x256xf32> to vector<512xf32>
    %broadcast_in_dim3A_23 = vector.shape_cast %reduce_sum3A_22 : vector<512xf32> to vector<512x1xf32>
    %div3A_24 = arith.constant 2.560000e+02 : f32
    %div3A_25 = vector.broadcast %div3A_24 : f32 to vector<512x1xf32>
    %div3A_26 = arith.divf %broadcast_in_dim3A_23, %div3A_25 : vector<512x1xf32>
    %get3A_27 = arith.constant 0 : index
    %get3A_28 = arith.constant 0 : index
    %get3A_29 = vector.load %arg4[%get3A_27, %get3A_28] : memref<1x256xf32, #tpu.memory_space<vmem>>, vector<1x256xf32>
    %sub3A_30 = vector.broadcast %div3A_19 : vector<512x1xf32> to vector<512x256xf32>
    %sub3A_31 = arith.subf %add3A_16, %sub3A_30 : vector<512x256xf32>
    %mul3A_32 = vector.broadcast %get3A_29 : vector<1x256xf32> to vector<512x256xf32>
    %mul3A_33 = arith.mulf %mul3A_32, %sub3A_31 : vector<512x256xf32>
    %add3A_34 = arith.constant 9.99999974E-6 : f32
    %add3A_35 = vector.broadcast %add3A_34 : f32 to vector<512x1xf32>
    %add3A_36 = arith.addf %div3A_26, %add3A_35 : vector<512x1xf32>
    %sqrt3A = math.sqrt %add3A_36 : vector<512x1xf32>
    %div3A_37 = vector.broadcast %sqrt3A : vector<512x1xf32> to vector<512x256xf32>
    %div3A_38 = arith.divf %mul3A_33, %div3A_37 : vector<512x256xf32>
    %get3A_39 = arith.constant 0 : index
    %get3A_40 = arith.constant 0 : index
    %get3A_41 = vector.load %arg5[%get3A_39, %get3A_40] : memref<1x256xf32, #tpu.memory_space<vmem>>, vector<1x256xf32>
    %add3A_42 = vector.broadcast %get3A_41 : vector<1x256xf32> to vector<512x256xf32>
    %add3A_43 = arith.addf %div3A_38, %add3A_42 : vector<512x256xf32>
    %max3A = arith.constant 0.000000e+00 : f32
    %max3A_44 = vector.broadcast %max3A : f32 to vector<512x256xf32>
    %max3A_45 = arith.maximumf %add3A_43, %max3A_44 : vector<512x256xf32>
    %swap3A = arith.constant 0 : index
    %swap3A_46 = arith.constant 0 : index
    %swap3A_47 = vector.load %arg6[%swap3A, %swap3A_46] : memref<512x256xf32, #tpu.memory_space<vmem>>, vector<512x256xf32>
    tpu.vector_store %arg6[%swap3A, %swap3A_46], %max3A_45 {strides = array<i32>} : memref<512x256xf32, #tpu.memory_space<vmem>>, vector<512x256xf32>,
    return
  }
  func.func @transform_0(%arg0: i32) -> (i32, i32, i32) {
    %c0_i32 = arith.constant 0 : i32
    %c0_i32_0 = arith.constant 0 : i32
    %c0_i32_1 = arith.constant 0 : i32
    return %c0_i32, %arg0, %c0_i32_0 : i32, i32, i32
  }
  func.func @transform_1(%arg0: i32) -> (i32, i32) {
    %c0_i32 = arith.constant 0 : i32
    %c0_i32_0 = arith.constant 0 : i32
    return %arg0, %c0_i32 : i32, i32
  }
  func.func @transform_2(%arg0: i32) -> (i32, i32) {
    %c0_i32 = arith.constant 0 : i32
    %c0_i32_0 = arith.constant 0 : i32
    %c0_i32_1 = arith.constant 0 : i32
    return %c0_i32, %c0_i32_0 : i32, i32
  }
  func.func @transform_3(%arg0: i32) -> (i32, i32) {
    %c0_i32 = arith.constant 0 : i32
    %c0_i32_0 = arith.constant 0 : i32
    %c0_i32_1 = arith.constant 0 : i32
    return %c0_i32, %c0_i32_0 : i32, i32
  }
  func.func @transform_4(%arg0: i32) -> (i32, i32) {
    %c0_i32 = arith.constant 0 : i32
    %c0_i32_0 = arith.constant 0 : i32
    %c0_i32_1 = arith.constant 0 : i32
    return %c0_i32, %c0_i32_0 : i32, i32
  }
  func.func @transform_5(%arg0: i32) -> (i32, i32) {
    %c0_i32 = arith.constant 0 : i32
    %c0_i32_0 = arith.constant 0 : i32
    return %arg0, %c0_i32 : i32, i32
  }
}

</mosaic_0001>

<sc_bundles>
// kernel: kernel.13.cloned.1.call-start
scs
__scs_entry_jumppad:
0x0: {  	(pc) =	sbr.rel $0x88, $3  }
0x1: {  	(tag) =	ssettag $0x0;
	lr =	simm.s32 $0x1  }
0x2: {  	[smem:$0x3F8F] =	sst lr;
	_ =	strace $0xD0000000  }
0x3: {  	_ = 	snop  }
0x4: {  	_ = 	snop  }
0x5: {  	_ = 	snop  }
0x6: {  	_ = 	snop  }
0x7: {  	_ = 	snop  }
__scs_overlays_trampoline_lowered:
0x8: {  	[smem:$0x3F9E] =	sst s0  }
0x9: {  	[smem:$0x3F9F] =	sst s1  }
0xa: {  	[smem:$0x3FA0] =	sst s2  }
0xb: {  	[smem:$0x3FA1] =	sst s3  }
0xc: {  	[smem:$0x3FA2] =	sst s4  }
0xd: {  	[smem:$0x3FA3] =	sst s5  }
0xe: {  	[smem:$0x3FA4] =	sst s6  }
0xf: {  	[smem:$0x3FA5] =	sst s7  }
0x10: {  	[smem:$0x3FA6] =	sst s8  }
0x11: {  	[smem:$0x3FA7] =	sst s9;
	s0 =	simm.s32 @!p0 $0x0  }
0x12: {  	s1 =	sld [smem:$0x3F8D];
	s0 =	simm.s32 @p0 $0x1  }
0x13: {  	[smem:$0x3FA8] =	sst s0;
	s0 =	simm.s32 @!p1 $0x0  }
0x14: {  	s2 =	sld [smem:$0x3F8C];
	s0 =	simm.s32 @p1 $0x1  }
0x15: {  	[smem:$0x3FA9] =	sst s0;
	s0 =	simm.s32 @!p2 $0x0  }
0x16: {  	s3 =	sld [smem:$0x3FDB];
	s0 =	simm.s32 @p2 $0x1  }
0x17: {  	s4 =	simm.s32 $0x1BF5;
	[smem:$0x3FAB] =	sst s0  }
0x18: {  	s0 =	sld [smem:$0x3F8E];
	_ =	swait.ge [sflag:s4], $0x0  }
0x19: {  	s7 =	sld [smem:$0x3F8F]  }
0x1a: {  	s8 =	sadd.s32 $0xFFFFE003, lr  }
0x1b: {  	s9 =	sadd.s32 $0xFFFFFEF7, lr;
	s5 =	simm.s32 $0xFFFFFFFF;
	p2 =	slt.u32 s8, $0xFFFFF086  }
0x1c: {  	p1 =	slt.u32 s9, $0xF7A;
	s5 =	simm.s32 @!p2 $0x0  }
0x1d: {  	s5 =	simm.s32 @p1 $0x1;
	p0 =	seq.s32 s7, s2  }
0x1e: {  	s7 =	smul.u32 @!p0 $0xF7A, s2;
	p2 =	seq.s32 @!p0 s5, $0x0  }
0x1f: {  	s9 =	smul.u32 $0xF7A, s1;
	s8 =	simm.s32 @!p0 $0x1BF5;
	p2 =	por !p2, p0  }
0x20: {  	[sflag:s8] =	ssyncset.s32 @!p0 $0xFFFFF086;
	s6 =	sadd.s32 @!p0 s3, s7;
	s7 =	simm.s32 @!p0 $0x108  }
0x21: {  	s3 =	sadd.s32 s3, s9;
	s6 =	sadd.s32 @!p0 $0x88, s6;
	s7 =	simm.s32 @p2 $0x1082  }
0x22: {  	[simem:s7], [sflag:s8] =	dma.local @!p0 [hbm:s6], $0xF7A  }
0x23: {  	s9 =	sor.u32 $0xD0000000, s2;
	s6 =	simm.s32 $0x108;
	_ =	swait.ge @!p0 [sflag:s8], $0x0  }
0x24: {  	s3 =	sadd.s32 $0x88, s3;
	s6 =	simm.s32 @!p1 $0x1082;
	[sflag:s4] =	ssyncset.s32 $0xFFFFF086  }
0x25: {  	[simem:s6], [sflag:s4] =	dma.local [hbm:s3], $0xF7A  }
0x26: {  	[smem:$0x3F8F] =	sst s1;
	(tag) =	ssettag s2;
	_ =	strace s9  }
0x27: {  	s1 =	sld [smem:$0x3F9F]  }
0x28: {  	s2 =	sld [smem:$0x3FA0]  }
0x29: {  	s4 =	sld [smem:$0x3FA2]  }
0x2a: {  	p0 =	seq.s32 s5, $0x0;
	s5 =	sld [smem:$0x3FA3]  }
0x2b: {  	s6 =	sld [smem:$0x3FA4]  }
0x2c: {  	s7 =	sld [smem:$0x3FA5]  }
0x2d: {  	s3 =	simm.s32 $0x108;
	s8 =	sld [smem:$0x3FA6]  }
0x2e: {  	s3 =	simm.s32 @!p0 $0x1082;
	s9 =	sld [smem:$0x3FA7]  }
0x2f: {  	lr =	sadd.s32 s0, s3;
	s0 =	sld [smem:$0x3F9E]  }
0x30: {  	s3 =	sld [smem:$0x3FA1]  }
0x31: {  	[smem:$0x3FAA] =	sst s10  }
0x32: {  	s10 =	sld [smem:$0x3FA8];
	_ =	sdelay $0x3  }
0x33: {  	p0 =	seq.s32 s10, $0x1;
	s10 =	sld [smem:$0x3FAA];
	_ =	sdelay $0x3  }
0x34: {  	[smem:$0x3FAA] =	sst s10  }
0x35: {  	s10 =	sld [smem:$0x3FA9];
	_ =	sdelay $0x3  }
0x36: {  	p1 =	seq.s32 s10, $0x1;
	s10 =	sld [smem:$0x3FAA];
	_ =	sdelay $0x3  }
0x37: {  	[smem:$0x3FAA] =	sst s10  }
0x38: {  	s10 =	sld [smem:$0x3FAB]  }
0x39: {  	_ = 	snop;
	(pc) =	sbr.ind lr, $3  }
0x3a: {  	_ = 	snop  }
0x3b: {  	_ = 	snop  }
0x3c: {  	p2 =	seq.s32 s10, $0x1;
	s10 =	sld [smem:$0x3FAA]  }
0x3d: {  	_ =	shalt  }
0x3e: {  	_ =	shalt  }
0x3f: {  	_ =	shalt  }
0x40: {  	_ =	shalt  }
0x41: {  	_ =	shalt  }
0x42: {  	_ =	shalt  }
0x43: {  	_ =	shalt  }
0x44: {  	_ =	shalt  }
0x45: {  	_ =	shalt  }
0x46: {  	_ =	shalt  }
0x47: {  	_ =	shalt  }
0x48: {  	_ =	shalt  }
0x49: {  	_ =	shalt  }
0x4a: {  	_ =	shalt  }
0x4b: {  	_ =	shalt  }
0x4c: {  	_ =	shalt  }
0x4d: {  	_ =	shalt  }
0x4e: {  	_ =	shalt  }
0x4f: {  	_ =	shalt  }
0x50: {  	_ =	shalt  }
0x51: {  	_ =	shalt  }
0x52: {  	_ =	shalt  }
0x53: {  	_ =	shalt  }
0x54: {  	_ =	shalt  }
0x55: {  	_ =	shalt  }
0x56: {  	_ =	shalt  }
0x57: {  	_ =	shalt  }
0x58: {  	_ =	shalt  }
0x59: {  	_ =	shalt  }
0x5a: {  	_ =	shalt  }
0x5b: {  	_ =	shalt  }
0x5c: {  	_ =	shalt  }
0x5d: {  	_ =	shalt  }
0x5e: {  	_ =	shalt  }
0x5f: {  	_ =	shalt  }
0x60: {  	_ =	shalt  }
0x61: {  	_ =	shalt  }
0x62: {  	_ =	shalt  }
0x63: {  	_ =	shalt  }
0x64: {  	_ =	shalt  }
0x65: {  	_ =	shalt  }
0x66: {  	_ =	shalt  }
0x67: {  	_ =	shalt  }
0x68: {  	_ =	shalt  }
0x69: {  	_ =	shalt  }
0x6a: {  	_ =	shalt  }
0x6b: {  	_ =	shalt  }
0x6c: {  	_ =	shalt  }
0x6d: {  	_ =	shalt  }
0x6e: {  	_ =	shalt  }
0x6f: {  	_ =	shalt  }
0x70: {  	_ =	shalt  }
0x71: {  	_ =	shalt  }
0x72: {  	_ =	shalt  }
0x73: {  	_ =	shalt  }
0x74: {  	_ =	shalt  }
0x75: {  	_ =	shalt  }
0x76: {  	_ =	shalt  }
0x77: {  	_ =	shalt  }
0x78: {  	_ =	shalt  }
0x79: {  	_ =	shalt  }
0x7a: {  	_ =	shalt  }
0x7b: {  	_ =	shalt  }
0x7c: {  	_ =	shalt  }
0x7d: {  	_ =	shalt  }
0x7e: {  	_ =	shalt  }
0x7f: {  	_ =	shalt  }
0x80: {  	_ =	shalt  }
0x81: {  	_ =	shalt  }
0x82: {  	_ =	shalt  }
0x83: {  	_ =	shalt  }
0x84: {  	_ =	shalt  }
0x85: {  	_ =	shalt  }
0x86: {  	_ =	shalt  }
0x87: {  	_ =	shalt  }
.Lfunc_end0:
.L_simem_size_0:
called_computation_lowered:
.L_overlay_start_0:
0x88: {  	s2 =	sld [smem:$0x3FD9]  }
0x89: {  	s3 =	sld [smem:$0x3FFE];
	_ =	sdelay $0x1  }
0x8a: {  	s1 =	srdreg.scid  }
0x8b: {  	s0 =	sand.u32 $0x1, s1  }
0x8c: {  	s17 =	sshll.u32 s0, $0xA;
	s2 =	sadd.s32 s3, s2  }
0x8d: {  	s2 =	sadd.s32 s2, s17  }
0x8e: {  	[smem:$0x3FB6] =	sst s2  }
0x8f: {  	_ = 	snop  }
0x90: {  	s2 =	sld [smem:$0x3FD0];
	(tm) =	ssettm $0x1  }
0x91: {  	s18 =	sld [smem:$0x3FFB];
	_ =	sdelay $0x3  }
0x92: {  	_ =	strace s18  }
0x93: {  	s3 =	sld [smem:$0x3FFC];
	_ =	sdelay $0x3  }
0x94: {  	_ =	strace s3  }
0x95: {  	s3 =	sld [smem:$0x3FFD];
	_ =	sdelay $0x3  }
0x96: {  	_ =	strace s3  }
0x97: {  	_ =	strace $0x8FFFFFFF  }
0x98: {  	s19 =	sld [smem:$0x3FDB];
	_ =	sdelay $0x1  }
0x99: {  	s4 =	simm.s32 $_scs_section_size  }
0x9a: {  	s5 =	simm.s32 $_size__tile_overlayer_lowered;
	s6 =	simm.s32 $_tile_overlayer_lowered  }
0x9b: {  	s22 =	simm.s32 $0x1BFF;
	s21 =	sshll.u32 s6, $0x1;
	s3 =	sadd.s32 s4, s19  }
0x9c: {  	s7 =	simm.s32 $0x0;
	s20 =	sshll.u32 s5, $0x1;
	s5 =	sadd.s32 s21, s3  }
0x9d: {  	[timem:s7], [sflag:s22] =	dma.local [hbm:s5], s20  }
0x9e: {  	_ =	swait.ge [sflag:s22], s20  }
0x9f: {  	s4 =	ssub.s32 $0x0, s20;
	[sflag:s22] =	ssyncset.done $0x0  }
0xa0: {  	[sflag:s22] =	ssyncadd.s32 s4;
	_ =	sdelay $0x1  }
0xa1: {  	s23 =	simm.s32 $0x1B8B  }
0xa2: {  	_ =	swait.ge [sflag:s23], $0x1  }
0xa3: {  	[sflag:s23] =	ssyncset.done $0x0  }
0xa4: {  	s25 =	simm.s32 $0x1B8E;
	s24 =	sld [smem:$0x3FFE];
	[sflag:s23] =	ssyncadd.s32 $0xFFFFFFFF  }
0xa5: {  	s26 =	simm.s32 $execute0_lowered;
	[smem:$0x3FD2] =	sst s25  }
0xa6: {  	s5 =	sshll.u32 s26, $0x1;
	_ =	strace $0x80000046;
	[dreg:$0x1] =	wrdreg $0xFFFFFFFF  }
0xa7: {  	s28 =	simm.s32 $_size_execute0_lowered;
	s3 =	sadd.s32 s3, s5;
	[dreg:$0x0] =	wrdreg $0x0  }
0xa8: {  	s5 =	sshll.u32 s28, $0x1;
	[dreg:$0x2] =	wrdreg s3  }
0xa9: {  	[dreg:$0x3] =	wrdreg s5  }
0xaa: {  	[dreg:$0x4] =	wrdreg $0xC0  }
0xab: {  	_ =	task [dreg:s7], $0x5FFFF  }
0xac: {  	[dreg:$0x1] =	wrdreg $0xFFFFFFFF  }
0xad: {  	[dreg:$0x0] =	wrdreg $0x60  }
0xae: {  	[dreg:$0x2] =	wrdreg s24  }
0xaf: {  	[dreg:$0x3] =	wrdreg s2  }
0xb0: {  	[dreg:$0x4] =	wrdreg $0x54000  }
0xb1: {  	[dreg:$0x5] =	wrdreg $0x9  }
0xb2: {  	_ =	task.clear_ibuf [dreg:s7], $0x6FFFF;
	_ =	strace $0x90000046  }
0xb3: {  	s29 =	simm.s32 $0x9;
	_ =	strace $0x80000048  }
0xb4: {  	_ =	swait.ge [sflag:s29], $0x1  }
0xb5: {  	[sflag:s29] =	ssyncadd.s32 $0xFFFFFFFF  }
0xb6: {  	_ =	strace $0x90000048  }
0xb7: {  	_ =	sfence  }
0xb8: {  	s30 =	sld [smem:$0x0];
	_ =	sdelay $0x2  }
0xb9: {  	s31 =	sshll.u32 s1, $0xD;
	s1 =	sshrl.u32 s1, $0x2  }
0xba: {  	s3 =	sand.u32 $0x4000, s31;
	s1 =	sadd.s32 s1, s30  }
0xbb: {  	s0 =	sor.u32 s3, s0;
	s1 =	sshll.u32 s1, $0x11  }
0xbc: {  	s0 =	sor.u32 s1, s0  }
0xbd: {  	s0 =	sadd.s32 $0x8F2B, s0  }
0xbe: {  	[sflag:s0] =	ssyncadd.remote.s32 $0x1  }
0xbf: {  	_ =	sfence.sel $0xFFFF  }
0xc0: {  	[dreg:$0x0] =	wrdreg $0xFFFFFFFF;
	(pc) =	sbr.abs _section_cstart, $3  }
0xc1: {  	[dreg:$0x1] =	wrdreg $0xFFFFFFFF  }
0xc2: {  	_ =	task.clear_ibuf [dreg:s7], $0x2FFFF;
	_ =	strace $0x9FFFFFFF  }
0xc3: {  	(tm) =	ssettm $0x7FFFFFFF  }
tec
execute0_lowered:
.L_overlay_start_1:
0x0: {  	(tag) =	ssettag $0x1  }
0x1: {  	s5 =	rddreg [dreg:$0x0]  }
0x2: {  	s6 =	rddreg [dreg:$0x1]  }
0x3: {  	s0 =	srdreg.scid;
	s2 =	rddreg [dreg:$0x2];
	s3 =	simm.s32 $0x0  }
0x4: {  	s12 =	simm.s32 $0x1400;
	s4 =	sand.u32 $0x1, s0;
	s0 =	stileid.u32  }
0x5: {  	s13 =	simm.s32 $0x80;
	s14 =	simm.s32 $0x0;
	s8 =	smul.u32 $0x14000, s0  }
0x6: {  	[smem:$0x7FF] =	sst s3;
	s1 =	sshll.u32 s4, $0x4;
	s9 =	smul.u32 $0x140000, s4  }
0x7: {  	s10 =	ssub.s32 $0x2, s4;
	s11 =	smul.u32 $0x50000, s0;
	s4 =	sadd.s32 $0x9600, s5  }
0x8: {  	s31 =	sshll.u32 s0, $0x6;
	s1 =	sor.u32 s0, s1;
	s29 =	sshrl.u32 s10, $0x1  }
0x9: {  	s7 =	smul.u32 $0x280, s1;
	s1 =	rddreg [dreg:$0x3];
	_ =	strace $0x80000047  }
0xa: {  	s9 =	sadd.s32 s8, s9;
	s10 =	ssub.s32 s10, s29;
	s30 =	sshrl.u32 s11, $0x2  }
0xb: {  	s8 =	sshrl.u32 s8, $0x3;
	s9 =	sshrl.u32 s9, $0x3;
	s11 =	sadd.s32 s30, s2  }
0xc: {  	s7 =	sadd.s32 s7, s5;
	s9 =	sadd.s32 s9, s5;
	s5 =	sadd.s32 s6, s8  }
0xd: {  	s6 =	sor.u32 $0x1C01, s31;
	s7 =	sadd.s32 $0x4600, s7;
	s8 =	sadd.s32 $0x9E00, s9  }
0xe: {  	s9 =	smax.u32 s10, $0x1;
	s10 =	sshrl.u32 s11, $0x3;
	s11 =	simm.s32 $0x1  }
.LBB2_1:
0xf: {  	[spmem:s10], [sflag:s6] =	dma.local [hbm:s5], $0x2800  }
0x10: {  	_ =	swait.ge [sflag:s11], $0x2800  }
0x11: {  	[sflag:s11] =	ssyncset.done $0x0  }
0x12: {  	[sflag:s11] =	ssyncadd.s32 $0xFFFFD800  }
0x13: {  	[tilespmem:s12], [sflag:$0x1] =	stream.linear.gather [hbm4b:s4+s3], $0x4000, $0x38;
	[tilespmem:$0x19480] =	vst v63  }
0x14: {  	_ =	swait.ge [sflag:s11], $0x4000  }
0x15: {  	[sflag:s11] =	ssyncset.done $0x0  }
0x16: {  	[sflag:s11] =	ssyncadd.s32 $0xFFFFC000  }
0x17: {  	[tilespmem:s3], [sflag:$0x1] =	stream.linear.gather [hbm4b:s7+s3], $0x1400, $0x38;
	[tilespmem:$0x19480] =	vst v63  }
0x18: {  	_ =	swait.ge [sflag:s11], $0x1400  }
0x19: {  	[sflag:s11] =	ssyncset.done $0x0  }
0x1a: {  	[sflag:s11] =	ssyncadd.s32 $0xFFFFEC00  }
0x1b: {  	s15 =	simm.s32 $0x0;
	[bflag:$0x0] =	sbarrier.arrive $0xFFFF  }
0x1c: {  	[spmem:s2] =	stream.indirect.scatter.add.f32 [tilespmem:s12], [sflag:$0x1], $0x80, s15, s13, $0xb8;
	[tilespmem:$0x19480] =	vst v63  }
0x1d: {  	_ =	swait.ge [sflag:s11], $0x4000  }
0x1e: {  	s15 =	simm.s32 $0x200;
	[sflag:s11] =	ssyncset.done $0x0  }
.LBB2_2:
0x1f: {  	s16 =	sshra.s32 s15, $0x2;
	[sflag:s11] =	ssyncadd.s32 $0xFFFFC000;
	p0 =	sne.s32 s15, $0x4E00  }
0x20: {  	[spmem:s2] =	stream.indirect.scatter.add.f32 [tilespmem:s12], [sflag:$0x1], $0x80, s16, s13, $0xb8;
	[tilespmem:$0x19480] =	vst v63  }
.Ltmp0:
0x21: {  	_ = 	snop;
	(pc) =	sbr.rel @p0 .LBB2_2-.Ltmp0, $4  }
0x22: {  	_ = 	snop  }
0x23: {  	s15 =	sadd.s32 $0x200, s15  }
0x24: {  	_ =	swait.ge [sflag:s11], $0x4000  }
0x25: {  	[sflag:s11] =	ssyncset.done $0x0  }
0x26: {  	s14 =	sadd.s32 $0x1, s14  }
0x27: {  	[sflag:s11] =	ssyncadd.s32 $0xFFFFC000;
	p0 =	sne.s32 s14, s9  }
.Ltmp1:
0x28: {  	[bflag:$0x0] =	sbarrier.arrive $0xFFFF;
	(pc) =	sbr.rel @p0 .LBB2_1-.Ltmp1, $4  }
0x29: {  	[hbm:s8], [sflag:s6] =	dma.local [spmem:s10], $0x2800  }
0x2a: {  	_ =	swait.ge [sflag:s11], $0x2800  }
0x2b: {  	[sflag:s11] =	ssyncset.done $0x0  }
0x2c: {  	[sflag:s11] =	ssyncadd.s32 $0xFFFFD800  }
0x2d: {  	_ =	sfence.sel $0x180000  }
0x2e: {  	[bflag:$0x0] =	sbarrier.arrive $0xFFFF  }
0x2f: {  	p0 =	sne.s32 s0, $0x0;
	_ =	strace $0x90000047  }
0x30: {  	s0 =	sadd.s32 @!p0 $0x100000, s1;
	[bflag:$0x2] =	sbarrier.arrive $0xFFFF  }
0x31: {  	[sflag:s0] =	ssyncadd.tile.s32 @!p0 $0x1;
	_ =	shalt  }
.Lfunc_end2:
_tile_overlayer_lowered:
.L_overlay_start_2:
0x32: {  	(tag) =	ssettag $0x2  }
0x33: {  	s0 =	rddreg [dreg:$0x0];
	s2 =	stileid.u32  }
0x34: {  	s1 =	rddreg [dreg:$0x1];
	p0 =	sne.s32 s2, $0x0  }
0x35: {  	s3 =	rddreg [dreg:$0x2];
	[bflag:$0x3] =	sbarrier.arrive $0xFFFF;
	s2 =	simm.s32 @!p0 $0x1C01  }
0x36: {  	[timem:s3], [sflag:s2] =	dma.local @!p0 [hbm:s0], s1  }
0x37: {  	s0 =	simm.s32 @!p0 $0x1  }
0x38: {  	_ =	swait.ge @!p0 [sflag:s0], s1  }
0x39: {  	s1 =	ssub.s32 @!p0 $0x0, s1;
	[sflag:s0] =	ssyncset.done @!p0 $0x0  }
0x3a: {  	[sflag:s0] =	ssyncadd.s32 @!p0 s1  }
0x3b: {  	[bflag:$0x3] =	sbarrier.arrive $0xFFFF  }
0x3c: {  	_ =	shalt  }

// kernel: kernel.16.cloned.1.call-start
scs
__scs_entry_jumppad:
0x0: {  	(pc) =	sbr.rel $0x88, $3  }
0x1: {  	(tag) =	ssettag $0x0;
	lr =	simm.s32 $0x1  }
0x2: {  	[smem:$0x3F8F] =	sst lr;
	_ =	strace $0xD0000000  }
0x3: {  	_ = 	snop  }
0x4: {  	_ = 	snop  }
0x5: {  	_ = 	snop  }
0x6: {  	_ = 	snop  }
0x7: {  	_ = 	snop  }
__scs_overlays_trampoline_lowered:
0x8: {  	[smem:$0x3F9E] =	sst s0  }
0x9: {  	[smem:$0x3F9F] =	sst s1  }
0xa: {  	[smem:$0x3FA0] =	sst s2  }
0xb: {  	[smem:$0x3FA1] =	sst s3  }
0xc: {  	[smem:$0x3FA2] =	sst s4  }
0xd: {  	[smem:$0x3FA3] =	sst s5  }
0xe: {  	[smem:$0x3FA4] =	sst s6  }
0xf: {  	[smem:$0x3FA5] =	sst s7  }
0x10: {  	[smem:$0x3FA6] =	sst s8  }
0x11: {  	[smem:$0x3FA7] =	sst s9;
	s0 =	simm.s32 @!p0 $0x0  }
0x12: {  	s1 =	sld [smem:$0x3F8D];
	s0 =	simm.s32 @p0 $0x1  }
0x13: {  	[smem:$0x3FA8] =	sst s0;
	s0 =	simm.s32 @!p1 $0x0  }
0x14: {  	s2 =	sld [smem:$0x3F8C];
	s0 =	simm.s32 @p1 $0x1  }
0x15: {  	[smem:$0x3FA9] =	sst s0;
	s0 =	simm.s32 @!p2 $0x0  }
0x16: {  	s3 =	sld [smem:$0x3FDB];
	s0 =	simm.s32 @p2 $0x1  }
0x17: {  	s4 =	simm.s32 $0x1BF5;
	[smem:$0x3FAB] =	sst s0  }
0x18: {  	s0 =	sld [smem:$0x3F8E];
	_ =	swait.ge [sflag:s4], $0x0  }
0x19: {  	s7 =	sld [smem:$0x3F8F]  }
0x1a: {  	s8 =	sadd.s32 $0xFFFFE003, lr  }
0x1b: {  	s9 =	sadd.s32 $0xFFFFFEF7, lr;
	s5 =	simm.s32 $0xFFFFFFFF;
	p2 =	slt.u32 s8, $0xFFFFF086  }
0x1c: {  	p1 =	slt.u32 s9, $0xF7A;
	s5 =	simm.s32 @!p2 $0x0  }
0x1d: {  	s5 =	simm.s32 @p1 $0x1;
	p0 =	seq.s32 s7, s2  }
0x1e: {  	s7 =	smul.u32 @!p0 $0xF7A, s2;
	p2 =	seq.s32 @!p0 s5, $0x0  }
0x1f: {  	s9 =	smul.u32 $0xF7A, s1;
	s8 =	simm.s32 @!p0 $0x1BF5;
	p2 =	por !p2, p0  }
0x20: {  	[sflag:s8] =	ssyncset.s32 @!p0 $0xFFFFF086;
	s6 =	sadd.s32 @!p0 s3, s7;
	s7 =	simm.s32 @!p0 $0x108  }
0x21: {  	s3 =	sadd.s32 s3, s9;
	s6 =	sadd.s32 @!p0 $0x88, s6;
	s7 =	simm.s32 @p2 $0x1082  }
0x22: {  	[simem:s7], [sflag:s8] =	dma.local @!p0 [hbm:s6], $0xF7A  }
0x23: {  	s9 =	sor.u32 $0xD0000000, s2;
	s6 =	simm.s32 $0x108;
	_ =	swait.ge @!p0 [sflag:s8], $0x0  }
0x24: {  	s3 =	sadd.s32 $0x88, s3;
	s6 =	simm.s32 @!p1 $0x1082;
	[sflag:s4] =	ssyncset.s32 $0xFFFFF086  }
0x25: {  	[simem:s6], [sflag:s4] =	dma.local [hbm:s3], $0xF7A  }
0x26: {  	[smem:$0x3F8F] =	sst s1;
	(tag) =	ssettag s2;
	_ =	strace s9  }
0x27: {  	s1 =	sld [smem:$0x3F9F]  }
0x28: {  	s2 =	sld [smem:$0x3FA0]  }
0x29: {  	s4 =	sld [smem:$0x3FA2]  }
0x2a: {  	p0 =	seq.s32 s5, $0x0;
	s5 =	sld [smem:$0x3FA3]  }
0x2b: {  	s6 =	sld [smem:$0x3FA4]  }
0x2c: {  	s7 =	sld [smem:$0x3FA5]  }
0x2d: {  	s3 =	simm.s32 $0x108;
	s8 =	sld [smem:$0x3FA6]  }
0x2e: {  	s3 =	simm.s32 @!p0 $0x1082;
	s9 =	sld [smem:$0x3FA7]  }
0x2f: {  	lr =	sadd.s32 s0, s3;
	s0 =	sld [smem:$0x3F9E]  }
0x30: {  	s3 =	sld [smem:$0x3FA1]  }
0x31: {  	[smem:$0x3FAA] =	sst s10  }
0x32: {  	s10 =	sld [smem:$0x3FA8];
	_ =	sdelay $0x3  }
0x33: {  	p0 =	seq.s32 s10, $0x1;
	s10 =	sld [smem:$0x3FAA];
	_ =	sdelay $0x3  }
0x34: {  	[smem:$0x3FAA] =	sst s10  }
0x35: {  	s10 =	sld [smem:$0x3FA9];
	_ =	sdelay $0x3  }
0x36: {  	p1 =	seq.s32 s10, $0x1;
	s10 =	sld [smem:$0x3FAA];
	_ =	sdelay $0x3  }
0x37: {  	[smem:$0x3FAA] =	sst s10  }
0x38: {  	s10 =	sld [smem:$0x3FAB]  }
0x39: {  	_ = 	snop;
	(pc) =	sbr.ind lr, $3  }
0x3a: {  	_ = 	snop  }
0x3b: {  	_ = 	snop  }
0x3c: {  	p2 =	seq.s32 s10, $0x1;
	s10 =	sld [smem:$0x3FAA]  }
0x3d: {  	_ =	shalt  }
0x3e: {  	_ =	shalt  }
0x3f: {  	_ =	shalt  }
0x40: {  	_ =	shalt  }
0x41: {  	_ =	shalt  }
0x42: {  	_ =	shalt  }
0x43: {  	_ =	shalt  }
0x44: {  	_ =	shalt  }
0x45: {  	_ =	shalt  }
0x46: {  	_ =	shalt  }
0x47: {  	_ =	shalt  }
0x48: {  	_ =	shalt  }
0x49: {  	_ =	shalt  }
0x4a: {  	_ =	shalt  }
0x4b: {  	_ =	shalt  }
0x4c: {  	_ =	shalt  }
0x4d: {  	_ =	shalt  }
0x4e: {  	_ =	shalt  }
0x4f: {  	_ =	shalt  }
0x50: {  	_ =	shalt  }
0x51: {  	_ =	shalt  }
0x52: {  	_ =	shalt  }
0x53: {  	_ =	shalt  }
0x54: {  	_ =	shalt  }
0x55: {  	_ =	shalt  }
0x56: {  	_ =	shalt  }
0x57: {  	_ =	shalt  }
0x58: {  	_ =	shalt  }
0x59: {  	_ =	shalt  }
0x5a: {  	_ =	shalt  }
0x5b: {  	_ =	shalt  }
0x5c: {  	_ =	shalt  }
0x5d: {  	_ =	shalt  }
0x5e: {  	_ =	shalt  }
0x5f: {  	_ =	shalt  }
0x60: {  	_ =	shalt  }
0x61: {  	_ =	shalt  }
0x62: {  	_ =	shalt  }
0x63: {  	_ =	shalt  }
0x64: {  	_ =	shalt  }
0x65: {  	_ =	shalt  }
0x66: {  	_ =	shalt  }
0x67: {  	_ =	shalt  }
0x68: {  	_ =	shalt  }
0x69: {  	_ =	shalt  }
0x6a: {  	_ =	shalt  }
0x6b: {  	_ =	shalt  }
0x6c: {  	_ =	shalt  }
0x6d: {  	_ =	shalt  }
0x6e: {  	_ =	shalt  }
0x6f: {  	_ =	shalt  }
0x70: {  	_ =	shalt  }
0x71: {  	_ =	shalt  }
0x72: {  	_ =	shalt  }
0x73: {  	_ =	shalt  }
0x74: {  	_ =	shalt  }
0x75: {  	_ =	shalt  }
0x76: {  	_ =	shalt  }
0x77: {  	_ =	shalt  }
0x78: {  	_ =	shalt  }
0x79: {  	_ =	shalt  }
0x7a: {  	_ =	shalt  }
0x7b: {  	_ =	shalt  }
0x7c: {  	_ =	shalt  }
0x7d: {  	_ =	shalt  }
0x7e: {  	_ =	shalt  }
0x7f: {  	_ =	shalt  }
0x80: {  	_ =	shalt  }
0x81: {  	_ =	shalt  }
0x82: {  	_ =	shalt  }
0x83: {  	_ =	shalt  }
0x84: {  	_ =	shalt  }
0x85: {  	_ =	shalt  }
0x86: {  	_ =	shalt  }
0x87: {  	_ =	shalt  }
.Lfunc_end0:
.L_simem_size_0:
called_computation.1_lowered:
.L_overlay_start_0:
0x88: {  	s2 =	sld [smem:$0x3FD9]  }
0x89: {  	s3 =	sld [smem:$0x3FFE];
	_ =	sdelay $0x1  }
0x8a: {  	s1 =	srdreg.scid  }
0x8b: {  	s0 =	sand.u32 $0x1, s1  }
0x8c: {  	s16 =	sshll.u32 s0, $0xA;
	s2 =	sadd.s32 s3, s2  }
0x8d: {  	s2 =	sadd.s32 s2, s16  }
0x8e: {  	[smem:$0x3FB6] =	sst s2  }
0x8f: {  	_ = 	snop  }
0x90: {  	(tm) =	ssettm $0x1  }
0x91: {  	s17 =	sld [smem:$0x3FFB];
	_ =	sdelay $0x3  }
0x92: {  	_ =	strace s17  }
0x93: {  	s2 =	sld [smem:$0x3FFC];
	_ =	sdelay $0x3  }
0x94: {  	_ =	strace s2  }
0x95: {  	s2 =	sld [smem:$0x3FFD];
	_ =	sdelay $0x3  }
0x96: {  	_ =	strace s2  }
0x97: {  	_ =	strace $0x8FFFFFFF  }
0x98: {  	s18 =	sld [smem:$0x3FDB];
	_ =	sdelay $0x1  }
0x99: {  	s19 =	simm.s32 $_scs_section_size  }
0x9a: {  	s4 =	simm.s32 $_size__tile_overlayer_lowered;
	s5 =	simm.s32 $_tile_overlayer_lowered  }
0x9b: {  	s22 =	simm.s32 $0x1BFF;
	s21 =	sshll.u32 s5, $0x1;
	s2 =	sadd.s32 s19, s18  }
0x9c: {  	s6 =	simm.s32 $0x0;
	s20 =	sshll.u32 s4, $0x1;
	s4 =	sadd.s32 s21, s2  }
0x9d: {  	[timem:s6], [sflag:s22] =	dma.local [hbm:s4], s20  }
0x9e: {  	_ =	swait.ge [sflag:s22], s20  }
0x9f: {  	s3 =	ssub.s32 $0x0, s20;
	[sflag:s22] =	ssyncset.done $0x0  }
0xa0: {  	[sflag:s22] =	ssyncadd.s32 s3;
	_ =	sdelay $0x1  }
0xa1: {  	s23 =	simm.s32 $0x1B8B  }
0xa2: {  	_ =	swait.ge [sflag:s23], $0x1  }
0xa3: {  	[sflag:s23] =	ssyncset.done $0x0  }
0xa4: {  	s25 =	simm.s32 $0x1B8E;
	s24 =	sld [smem:$0x3FFE];
	[sflag:s23] =	ssyncadd.s32 $0xFFFFFFFF  }
0xa5: {  	s26 =	simm.s32 $execute0_lowered;
	[smem:$0x3FD2] =	sst s25  }
0xa6: {  	s4 =	sshll.u32 s26, $0x1;
	_ =	strace $0x80000049;
	[dreg:$0x1] =	wrdreg $0xFFFFFFFF  }
0xa7: {  	s28 =	simm.s32 $_size_execute0_lowered;
	s2 =	sadd.s32 s2, s4;
	[dreg:$0x0] =	wrdreg $0x0  }
0xa8: {  	s4 =	sshll.u32 s28, $0x1;
	[dreg:$0x2] =	wrdreg s2  }
0xa9: {  	[dreg:$0x3] =	wrdreg s4  }
0xaa: {  	[dreg:$0x4] =	wrdreg $0xC0  }
0xab: {  	_ =	task [dreg:s6], $0x5FFFF  }
0xac: {  	[dreg:$0x1] =	wrdreg $0xFFFFFFFF  }
0xad: {  	[dreg:$0x0] =	wrdreg $0x60  }
0xae: {  	[dreg:$0x2] =	wrdreg s24  }
0xaf: {  	[dreg:$0x3] =	wrdreg $0xA8000  }
0xb0: {  	[dreg:$0x4] =	wrdreg $0x9  }
0xb1: {  	_ =	task.clear_ibuf [dreg:s6], $0x5FFFF;
	_ =	strace $0x90000049  }
0xb2: {  	s29 =	simm.s32 $0x9;
	_ =	strace $0x8000004B  }
0xb3: {  	_ =	swait.ge [sflag:s29], $0x1  }
0xb4: {  	[sflag:s29] =	ssyncadd.s32 $0xFFFFFFFF  }
0xb5: {  	_ =	strace $0x9000004B  }
0xb6: {  	_ =	sfence  }
0xb7: {  	s30 =	sld [smem:$0x0];
	_ =	sdelay $0x2  }
0xb8: {  	s31 =	sshll.u32 s1, $0xD;
	s1 =	sshrl.u32 s1, $0x2  }
0xb9: {  	s3 =	sand.u32 $0x4000, s31;
	s1 =	sadd.s32 s1, s30  }
0xba: {  	s0 =	sor.u32 s3, s0;
	s1 =	sshll.u32 s1, $0x11  }
0xbb: {  	s0 =	sor.u32 s1, s0  }
0xbc: {  	s0 =	sadd.s32 $0x8F2B, s0  }
0xbd: {  	[sflag:s0] =	ssyncadd.remote.s32 $0x1  }
0xbe: {  	_ =	sfence.sel $0xFFFF  }
0xbf: {  	[dreg:$0x0] =	wrdreg $0xFFFFFFFF;
	(pc) =	sbr.abs _section_cstart, $3  }
0xc0: {  	[dreg:$0x1] =	wrdreg $0xFFFFFFFF  }
0xc1: {  	_ =	task.clear_ibuf [dreg:s6], $0x2FFFF;
	_ =	strace $0x9FFFFFFF  }
0xc2: {  	(tm) =	ssettm $0x7FFFFFFF  }
0xc3: {  	_ =	shalt  }
tec
execute0_lowered:
.L_overlay_start_1:
0x0: {  	(tag) =	ssettag $0x1  }
0x1: {  	s5 =	rddreg [dreg:$0x0]  }
0x2: {  	s2 =	rddreg [dreg:$0x1]  }
0x3: {  	s0 =	srdreg.scid;
	s1 =	rddreg [dreg:$0x2]  }
0x4: {  	s3 =	simm.s32 $0x0;
	s14 =	simm.s32 $0x3;
	s15 =	simm.s32 $0x1400  }
0x5: {  	s16 =	simm.s32 $0x80;
	s17 =	simm.s32 $0x2800;
	s18 =	simm.s32 $0x6800  }
0x6: {  	s19 =	simm.s32 $0x1;
	s20 =	simm.s32 $0x2;
	s4 =	sand.u32 $0x1, s0  }
0x7: {  	s21 =	simm.s32 $0x1380;
	s0 =	stileid.u32;
	s6 =	smul.u32 $0x28000, s4  }
0x8: {  	s22 =	simm.s32 $0x2700;
	s23 =	simm.s32 $0x2780;
	s7 =	smul.u32 $0x2800, s0  }
0x9: {  	s24 =	simm.s32 $0x0;
	[smem:$0x7FF] =	sst s3;
	s8 =	smul.u32 $0x140000, s4  }
0xa: {  	s9 =	smul.u32 $0x14000, s0;
	_ =	strace $0x8000004A;
	s26 =	ssub.s32 $0x2, s4  }
0xb: {  	s28 =	smul.u32 $0x50000, s0;
	s4 =	sadd.s32 $0x9600, s5;
	s31 =	sshll.u32 s0, $0x6  }
0xc: {  	s29 =	sshrl.u32 s26, $0x1;
	s6 =	sadd.s32 s7, s6;
	s7 =	sshrl.u32 s7, $0x3  }
0xd: {  	s25 =	sadd.s32 s9, s8;
	s8 =	ssub.s32 s26, s29;
	s30 =	sshrl.u32 s28, $0x2  }
0xe: {  	s10 =	sshrl.u32 s6, $0x3;
	s12 =	sadd.s32 s7, s5;
	s7 =	sshrl.u32 s25, $0x3  }
0xf: {  	s13 =	sadd.s32 s30, s2;
	s8 =	smax.u32 s8, $0x1;
	s11 =	sadd.s32 s10, s5  }
0x10: {  	s7 =	sadd.s32 s7, s5;
	s5 =	sadd.s32 s4, s6;
	s6 =	sor.u32 $0x1C03, s31  }
0x11: {  	s10 =	sadd.s32 $0x4600, s12;
	s12 =	sadd.s32 $0x4880, s12;
	s13 =	sshrl.u32 s13, $0x3  }
0x12: {  	s7 =	sadd.s32 $0x59600, s7;
	s9 =	sadd.s32 $0xA9E00, s11;
	s11 =	sadd.s32 $0xAA080, s11  }
.LBB2_1:
0x13: {  	[spmem:s13], [sflag:s6] =	dma.local [hbm:s5], $0x2800  }
0x14: {  	_ =	swait.ge [sflag:s14], $0x2800  }
0x15: {  	[sflag:s14] =	ssyncset.done $0x0  }
0x16: {  	[sflag:s14] =	ssyncadd.s32 $0xFFFFD800  }
0x17: {  	[bflag:$0x0] =	sbarrier.arrive $0xFFFF  }
0x18: {  	[tilespmem:s3], [sflag:$0x3] =	stream.linear.gather [hbm4b:s9+s3], $0x1400, $0x38;
	[tilespmem:$0x1E880] =	vst v63  }
0x19: {  	_ =	swait.ge [sflag:s14], $0x1400  }
0x1a: {  	[sflag:s14] =	ssyncset.done $0x0  }
0x1b: {  	[sflag:s14] =	ssyncadd.s32 $0xFFFFEC00  }
0x1c: {  	[tilespmem:s15], [sflag:$0x3] =	stream.linear.gather [hbm4b:s10+s3], $0x1400, $0x38;
	[tilespmem:$0x1E880] =	vst v63  }
0x1d: {  	_ =	swait.ge [sflag:s14], $0x1400  }
0x1e: {  	[sflag:s14] =	ssyncset.done $0x0  }
0x1f: {  	[sflag:s14] =	ssyncadd.s32 $0xFFFFEC00  }
0x20: {  	[tilespmem:s17], [sflag:$0x1] =	stream.indirect.gather [hbm4b:s4+s16], $0x80, s3, s16, $0xb8;
	[tilespmem:$0x1E880] =	vst v63  }
0x21: {  	s25 =	simm.s32 $0x80  }
0x22: {  	[tilespmem:s18], [sflag:$0x2] =	stream.indirect.gather [hbm4b:s4+s16], $0x80, s25, s16, $0xb8;
	[tilespmem:$0x1E880] =	vst v63  }
0x23: {  	_ =	swait.ge [sflag:s19], $0x4000  }
0x24: {  	[sflag:s19] =	ssyncset.done $0x0  }
0x25: {  	s29 =	simm.s32 $0x1400;
	[sflag:s19] =	ssyncadd.s32 $0xFFFFC000  }
0x26: {  	[spmem:s2] =	stream.indirect.scatter.add.f32 [tilespmem:s17], [sflag:$0x3], $0x80, s29, s16, $0xb8;
	[tilespmem:$0x1E880] =	vst v63  }
0x27: {  	_ =	swait.ge [sflag:s14], $0x4000  }
0x28: {  	[sflag:s14] =	ssyncset.done $0x0  }
0x29: {  	s30 =	simm.s32 $0x100;
	[sflag:s14] =	ssyncadd.s32 $0xFFFFC000  }
0x2a: {  	[tilespmem:s17], [sflag:$0x1] =	stream.indirect.gather [hbm4b:s4+s16], $0x80, s30, s16, $0xb8;
	[tilespmem:$0x1E880] =	vst v63  }
0x2b: {  	_ =	swait.ge [sflag:s20], $0x4000  }
0x2c: {  	[sflag:s20] =	ssyncset.done $0x0  }
0x2d: {  	s31 =	simm.s32 $0x1480;
	[sflag:s20] =	ssyncadd.s32 $0xFFFFC000  }
0x2e: {  	[spmem:s2] =	stream.indirect.scatter.add.f32 [tilespmem:s18], [sflag:$0x3], $0x80, s31, s16, $0xb8;
	[tilespmem:$0x1E880] =	vst v63  }
0x2f: {  	_ =	swait.ge [sflag:s14], $0x4000  }
0x30: {  	s26 =	simm.s32 $0x800;
	s25 =	simm.s32 $0x100;
	[sflag:s14] =	ssyncset.done $0x0  }
.LBB2_2:
0x31: {  	s28 =	sadd.s32 $0x80, s25  }
0x32: {  	[sflag:s14] =	ssyncadd.s32 $0xFFFFC000;
	s29 =	smov.u32 s26;
	s30 =	sadd.s32 $0x400, s26  }
0x33: {  	[tilespmem:s18], [sflag:$0x2] =	stream.indirect.gather [hbm4b:s4+s16], $0x80, s28, s16, $0xb8;
	[tilespmem:$0x1E880] =	vst v63  }
0x34: {  	p0 =	sne.s32 s26, $0x4800;
	_ =	swait.ge [sflag:s19], $0x4000  }
0x35: {  	[sflag:s19] =	ssyncset.done $0x0  }
0x36: {  	s26 =	sadd.s32 $0x1400, s25;
	[sflag:s19] =	ssyncadd.s32 $0xFFFFC000  }
0x37: {  	[spmem:s2] =	stream.indirect.scatter.add.f32 [tilespmem:s17], [sflag:$0x3], $0x80, s26, s16, $0xb8;
	[tilespmem:$0x1E880] =	vst v63  }
0x38: {  	_ =	swait.ge [sflag:s14], $0x4000  }
0x39: {  	[sflag:s14] =	ssyncset.done $0x0  }
0x3a: {  	s26 =	sadd.s32 $0x100, s25;
	[sflag:s14] =	ssyncadd.s32 $0xFFFFC000  }
0x3b: {  	[tilespmem:s17], [sflag:$0x1] =	stream.indirect.gather [hbm4b:s4+s16], $0x80, s26, s16, $0xb8;
	[tilespmem:$0x1E880] =	vst v63  }
0x3c: {  	_ =	swait.ge [sflag:s20], $0x4000  }
.Ltmp0:
0x3d: {  	[sflag:s20] =	ssyncset.done $0x0;
	(pc) =	sbr.rel @p0 .LBB2_2-.Ltmp0, $4  }
0x3e: {  	s25 =	sadd.s32 $0x1480, s25;
	[sflag:s20] =	ssyncadd.s32 $0xFFFFC000  }
0x3f: {  	[spmem:s2] =	stream.indirect.scatter.add.f32 [tilespmem:s18], [sflag:$0x3], $0x80, s25, s16, $0xb8;
	[tilespmem:$0x1E880] =	vst v63  }
0x40: {  	_ =	swait.ge [sflag:s14], $0x4000  }
0x41: {  	s26 =	smov.u32 s30;
	s25 =	sshra.s32 s29, $0x2;
	[sflag:s14] =	ssyncset.done $0x0  }
0x42: {  	s26 =	sadd.s32 $0x80, s25;
	[sflag:s14] =	ssyncadd.s32 $0xFFFFC000  }
0x43: {  	[tilespmem:s18], [sflag:$0x2] =	stream.indirect.gather [hbm4b:s4+s16], $0x80, s26, s16, $0xb8;
	[tilespmem:$0x1E880] =	vst v63  }
0x44: {  	_ =	swait.ge [sflag:s19], $0x4000  }
0x45: {  	[sflag:s19] =	ssyncset.done $0x0  }
0x46: {  	s29 =	sadd.s32 $0x1400, s25;
	[sflag:s19] =	ssyncadd.s32 $0xFFFFC000  }
0x47: {  	[spmem:s2] =	stream.indirect.scatter.add.f32 [tilespmem:s17], [sflag:$0x3], $0x80, s29, s16, $0xb8;
	[tilespmem:$0x1E880] =	vst v63  }
0x48: {  	_ =	swait.ge [sflag:s14], $0x4000  }
0x49: {  	[sflag:s14] =	ssyncset.done $0x0  }
0x4a: {  	s30 =	sadd.s32 $0x100, s25;
	[sflag:s14] =	ssyncadd.s32 $0xFFFFC000  }
0x4b: {  	[tilespmem:s17], [sflag:$0x1] =	stream.indirect.gather [hbm4b:s4+s16], $0x80, s30, s16, $0xb8;
	[tilespmem:$0x1E880] =	vst v63  }
0x4c: {  	_ =	swait.ge [sflag:s20], $0x4000  }
0x4d: {  	[sflag:s20] =	ssyncset.done $0x0  }
0x4e: {  	s31 =	sadd.s32 $0x1480, s25;
	[sflag:s20] =	ssyncadd.s32 $0xFFFFC000  }
0x4f: {  	[spmem:s2] =	stream.indirect.scatter.add.f32 [tilespmem:s18], [sflag:$0x3], $0x80, s31, s16, $0xb8;
	[tilespmem:$0x1E880] =	vst v63  }
0x50: {  	_ =	swait.ge [sflag:s14], $0x4000  }
0x51: {  	[sflag:s14] =	ssyncset.done $0x0  }
0x52: {  	[sflag:s14] =	ssyncadd.s32 $0xFFFFC000  }
0x53: {  	[tilespmem:s18], [sflag:$0x2] =	stream.indirect.gather [hbm4b:s4+s16], $0x80, s21, s16, $0xb8;
	[tilespmem:$0x1E880] =	vst v63  }
0x54: {  	_ =	swait.ge [sflag:s19], $0x4000  }
0x55: {  	[sflag:s19] =	ssyncset.done $0x0  }
0x56: {  	[sflag:s19] =	ssyncadd.s32 $0xFFFFC000  }
0x57: {  	[spmem:s2] =	stream.indirect.scatter.add.f32 [tilespmem:s17], [sflag:$0x3], $0x80, s22, s16, $0xb8;
	[tilespmem:$0x1E880] =	vst v63  }
0x58: {  	_ =	swait.ge [sflag:s14], $0x4000  }
0x59: {  	[sflag:s14] =	ssyncset.done $0x0  }
0x5a: {  	[sflag:s14] =	ssyncadd.s32 $0xFFFFC000  }
0x5b: {  	_ =	swait.ge [sflag:s20], $0x4000  }
0x5c: {  	[sflag:s20] =	ssyncset.done $0x0  }
0x5d: {  	[sflag:s20] =	ssyncadd.s32 $0xFFFFC000  }
0x5e: {  	[spmem:s2] =	stream.indirect.scatter.add.f32 [tilespmem:s18], [sflag:$0x3], $0x80, s23, s16, $0xb8;
	[tilespmem:$0x1E880] =	vst v63  }
0x5f: {  	_ =	swait.ge [sflag:s14], $0x4000  }
0x60: {  	[sflag:s14] =	ssyncset.done $0x0  }
0x61: {  	s26 =	simm.s32 $0x0;
	[sflag:s14] =	ssyncadd.s32 $0xFFFFC000  }
0x62: {  	[tilespmem:s26], [sflag:$0x3] =	stream.linear.gather [hbm4b:s11+s26], $0x1400, $0x38;
	[tilespmem:$0x1E880] =	vst v63  }
0x63: {  	_ =	swait.ge [sflag:s14], $0x1400  }
0x64: {  	[sflag:s14] =	ssyncset.done $0x0  }
0x65: {  	[sflag:s14] =	ssyncadd.s32 $0xFFFFEC00  }
0x66: {  	[tilespmem:s15], [sflag:$0x3] =	stream.linear.gather [hbm4b:s12+s26], $0x1400, $0x38;
	[tilespmem:$0x1E880] =	vst v63  }
0x67: {  	_ =	swait.ge [sflag:s14], $0x1400  }
0x68: {  	[sflag:s14] =	ssyncset.done $0x0  }
0x69: {  	[sflag:s14] =	ssyncadd.s32 $0xFFFFEC00  }
0x6a: {  	[tilespmem:s17], [sflag:$0x1] =	stream.indirect.gather [hbm4b:s4+s16], $0x80, s26, s16, $0xb8;
	[tilespmem:$0x1E880] =	vst v63  }
0x6b: {  	s28 =	simm.s32 $0x80  }
0x6c: {  	[tilespmem:s18], [sflag:$0x2] =	stream.indirect.gather [hbm4b:s4+s16], $0x80, s28, s16, $0xb8;
	[tilespmem:$0x1E880] =	vst v63  }
0x6d: {  	_ =	swait.ge [sflag:s19], $0x4000  }
0x6e: {  	[sflag:s19] =	ssyncset.done $0x0  }
0x6f: {  	s29 =	simm.s32 $0x1400;
	[sflag:s19] =	ssyncadd.s32 $0xFFFFC000  }
0x70: {  	[spmem:s2] =	stream.indirect.scatter.add.f32 [tilespmem:s17], [sflag:$0x3], $0x80, s29, s16, $0xb8;
	[tilespmem:$0x1E880] =	vst v63  }
0x71: {  	_ =	swait.ge [sflag:s14], $0x4000  }
0x72: {  	[sflag:s14] =	ssyncset.done $0x0  }
0x73: {  	s30 =	simm.s32 $0x100;
	[sflag:s14] =	ssyncadd.s32 $0xFFFFC000  }
0x74: {  	[tilespmem:s17], [sflag:$0x1] =	stream.indirect.gather [hbm4b:s4+s16], $0x80, s30, s16, $0xb8;
	[tilespmem:$0x1E880] =	vst v63  }
0x75: {  	_ =	swait.ge [sflag:s20], $0x4000  }
0x76: {  	[sflag:s20] =	ssyncset.done $0x0  }
0x77: {  	s31 =	simm.s32 $0x1480;
	[sflag:s20] =	ssyncadd.s32 $0xFFFFC000  }
0x78: {  	[spmem:s2] =	stream.indirect.scatter.add.f32 [tilespmem:s18], [sflag:$0x3], $0x80, s31, s16, $0xb8;
	[tilespmem:$0x1E880] =	vst v63  }
0x79: {  	_ =	swait.ge [sflag:s14], $0x4000  }
0x7a: {  	s25 =	simm.s32 $0x100;
	s26 =	simm.s32 $0x800;
	[sflag:s14] =	ssyncset.done $0x0  }
.LBB2_4:
0x7b: {  	s28 =	sadd.s32 $0x80, s25  }
0x7c: {  	[sflag:s14] =	ssyncadd.s32 $0xFFFFC000;
	s29 =	smov.u32 s26;
	s30 =	sadd.s32 $0x400, s26  }
0x7d: {  	[tilespmem:s18], [sflag:$0x2] =	stream.indirect.gather [hbm4b:s4+s16], $0x80, s28, s16, $0xb8;
	[tilespmem:$0x1E880] =	vst v63  }
0x7e: {  	p0 =	sne.s32 s26, $0x4800;
	_ =	swait.ge [sflag:s19], $0x4000  }
0x7f: {  	[sflag:s19] =	ssyncset.done $0x0  }
0x80: {  	s26 =	sadd.s32 $0x1400, s25;
	[sflag:s19] =	ssyncadd.s32 $0xFFFFC000  }
0x81: {  	[spmem:s2] =	stream.indirect.scatter.add.f32 [tilespmem:s17], [sflag:$0x3], $0x80, s26, s16, $0xb8;
	[tilespmem:$0x1E880] =	vst v63  }
0x82: {  	_ =	swait.ge [sflag:s14], $0x4000  }
0x83: {  	[sflag:s14] =	ssyncset.done $0x0  }
0x84: {  	s26 =	sadd.s32 $0x100, s25;
	[sflag:s14] =	ssyncadd.s32 $0xFFFFC000  }
0x85: {  	[tilespmem:s17], [sflag:$0x1] =	stream.indirect.gather [hbm4b:s4+s16], $0x80, s26, s16, $0xb8;
	[tilespmem:$0x1E880] =	vst v63  }
0x86: {  	_ =	swait.ge [sflag:s20], $0x4000  }
.Ltmp1:
0x87: {  	[sflag:s20] =	ssyncset.done $0x0;
	(pc) =	sbr.rel @p0 .LBB2_4-.Ltmp1, $4  }
0x88: {  	s25 =	sadd.s32 $0x1480, s25;
	[sflag:s20] =	ssyncadd.s32 $0xFFFFC000  }
0x89: {  	[spmem:s2] =	stream.indirect.scatter.add.f32 [tilespmem:s18], [sflag:$0x3], $0x80, s25, s16, $0xb8;
	[tilespmem:$0x1E880] =	vst v63  }
0x8a: {  	_ =	swait.ge [sflag:s14], $0x4000  }
0x8b: {  	s26 =	smov.u32 s30;
	s25 =	sshra.s32 s29, $0x2;
	[sflag:s14] =	ssyncset.done $0x0  }
0x8c: {  	s26 =	sadd.s32 $0x80, s25;
	[sflag:s14] =	ssyncadd.s32 $0xFFFFC000  }
0x8d: {  	[tilespmem:s18], [sflag:$0x2] =	stream.indirect.gather [hbm4b:s4+s16], $0x80, s26, s16, $0xb8;
	[tilespmem:$0x1E880] =	vst v63  }
0x8e: {  	_ =	swait.ge [sflag:s19], $0x4000  }
0x8f: {  	[sflag:s19] =	ssyncset.done $0x0  }
0x90: {  	s29 =	sadd.s32 $0x1400, s25;
	[sflag:s19] =	ssyncadd.s32 $0xFFFFC000  }
0x91: {  	[spmem:s2] =	stream.indirect.scatter.add.f32 [tilespmem:s17], [sflag:$0x3], $0x80, s29, s16, $0xb8;
	[tilespmem:$0x1E880] =	vst v63  }
0x92: {  	_ =	swait.ge [sflag:s14], $0x4000  }
0x93: {  	[sflag:s14] =	ssyncset.done $0x0  }
0x94: {  	s30 =	sadd.s32 $0x100, s25;
	[sflag:s14] =	ssyncadd.s32 $0xFFFFC000  }
0x95: {  	[tilespmem:s17], [sflag:$0x1] =	stream.indirect.gather [hbm4b:s4+s16], $0x80, s30, s16, $0xb8;
	[tilespmem:$0x1E880] =	vst v63  }
0x96: {  	_ =	swait.ge [sflag:s20], $0x4000  }
0x97: {  	[sflag:s20] =	ssyncset.done $0x0  }
0x98: {  	s31 =	sadd.s32 $0x1480, s25;
	[sflag:s20] =	ssyncadd.s32 $0xFFFFC000  }
0x99: {  	[spmem:s2] =	stream.indirect.scatter.add.f32 [tilespmem:s18], [sflag:$0x3], $0x80, s31, s16, $0xb8;
	[tilespmem:$0x1E880] =	vst v63  }
0x9a: {  	_ =	swait.ge [sflag:s14], $0x4000  }
0x9b: {  	[sflag:s14] =	ssyncset.done $0x0  }
0x9c: {  	[sflag:s14] =	ssyncadd.s32 $0xFFFFC000  }
0x9d: {  	[tilespmem:s18], [sflag:$0x2] =	stream.indirect.gather [hbm4b:s4+s16], $0x80, s21, s16, $0xb8;
	[tilespmem:$0x1E880] =	vst v63  }
0x9e: {  	_ =	swait.ge [sflag:s19], $0x4000  }
0x9f: {  	[sflag:s19] =	ssyncset.done $0x0  }
0xa0: {  	[sflag:s19] =	ssyncadd.s32 $0xFFFFC000  }
0xa1: {  	[spmem:s2] =	stream.indirect.scatter.add.f32 [tilespmem:s17], [sflag:$0x3], $0x80, s22, s16, $0xb8;
	[tilespmem:$0x1E880] =	vst v63  }
0xa2: {  	_ =	swait.ge [sflag:s14], $0x4000  }
0xa3: {  	[sflag:s14] =	ssyncset.done $0x0  }
0xa4: {  	[sflag:s14] =	ssyncadd.s32 $0xFFFFC000  }
0xa5: {  	_ =	swait.ge [sflag:s20], $0x4000  }
0xa6: {  	[sflag:s20] =	ssyncset.done $0x0  }
0xa7: {  	[sflag:s20] =	ssyncadd.s32 $0xFFFFC000  }
0xa8: {  	[spmem:s2] =	stream.indirect.scatter.add.f32 [tilespmem:s18], [sflag:$0x3], $0x80, s23, s16, $0xb8;
	[tilespmem:$0x1E880] =	vst v63  }
0xa9: {  	_ =	swait.ge [sflag:s14], $0x4000  }
0xaa: {  	s24 =	sadd.s32 $0x1, s24;
	[sflag:s14] =	ssyncset.done $0x0  }
0xab: {  	p0 =	sne.s32 s24, s8;
	[sflag:s14] =	ssyncadd.s32 $0xFFFFC000  }
.Ltmp2:
0xac: {  	[bflag:$0x0] =	sbarrier.arrive $0xFFFF;
	(pc) =	sbr.rel @p0 .LBB2_1-.Ltmp2, $4  }
0xad: {  	[hbm:s7], [sflag:s6] =	dma.local [spmem:s13], $0x2800  }
0xae: {  	_ =	swait.ge [sflag:s14], $0x2800  }
0xaf: {  	[sflag:s14] =	ssyncset.done $0x0  }
0xb0: {  	[sflag:s14] =	ssyncadd.s32 $0xFFFFD800  }
0xb1: {  	_ =	sfence.sel $0x180000  }
0xb2: {  	[bflag:$0x0] =	sbarrier.arrive $0xFFFF  }
0xb3: {  	p0 =	sne.s32 s0, $0x0;
	_ =	strace $0x9000004A  }
0xb4: {  	s0 =	sadd.s32 @!p0 $0x100000, s1;
	[bflag:$0x2] =	sbarrier.arrive $0xFFFF  }
0xb5: {  	[sflag:s0] =	ssyncadd.tile.s32 @!p0 $0x1;
	_ =	shalt  }
.Lfunc_end2:
_tile_overlayer_lowered:
.L_overlay_start_2:
0xb6: {  	(tag) =	ssettag $0x2  }
0xb7: {  	s0 =	rddreg [dreg:$0x0];
	s2 =	stileid.u32  }
0xb8: {  	s1 =	rddreg [dreg:$0x1];
	p0 =	sne.s32 s2, $0x0  }
0xb9: {  	s3 =	rddreg [dreg:$0x2];
	[bflag:$0x3] =	sbarrier.arrive $0xFFFF;
	s2 =	simm.s32 @!p0 $0x1C03  }
0xba: {  	[timem:s3], [sflag:s2] =	dma.local @!p0 [hbm:s0], s1  }
0xbb: {  	s0 =	simm.s32 @!p0 $0x3  }
0xbc: {  	_ =	swait.ge @!p0 [sflag:s0], s1  }
0xbd: {  	s1 =	ssub.s32 @!p0 $0x0, s1;
	[sflag:s0] =	ssyncset.done @!p0 $0x0  }
0xbe: {  	[sflag:s0] =	ssyncadd.s32 @!p0 s1  }
0xbf: {  	[bflag:$0x3] =	sbarrier.arrive $0xFFFF  }
0xc0: {  	_ =	shalt  }

// kernel: kernel.19.cloned.1.call-start
scs
__scs_entry_jumppad:
0x0: {  	(pc) =	sbr.rel $0x88, $3  }
0x1: {  	(tag) =	ssettag $0x0;
	lr =	simm.s32 $0x1  }
0x2: {  	[smem:$0x3F8F] =	sst lr;
	_ =	strace $0xD0000000  }
0x3: {  	_ = 	snop  }
0x4: {  	_ = 	snop  }
0x5: {  	_ = 	snop  }
0x6: {  	_ = 	snop  }
0x7: {  	_ = 	snop  }
__scs_overlays_trampoline_lowered:
0x8: {  	[smem:$0x3F9E] =	sst s0  }
0x9: {  	[smem:$0x3F9F] =	sst s1  }
0xa: {  	[smem:$0x3FA0] =	sst s2  }
0xb: {  	[smem:$0x3FA1] =	sst s3  }
0xc: {  	[smem:$0x3FA2] =	sst s4  }
0xd: {  	[smem:$0x3FA3] =	sst s5  }
0xe: {  	[smem:$0x3FA4] =	sst s6  }
0xf: {  	[smem:$0x3FA5] =	sst s7  }
0x10: {  	[smem:$0x3FA6] =	sst s8  }
0x11: {  	[smem:$0x3FA7] =	sst s9;
	s0 =	simm.s32 @!p0 $0x0  }
0x12: {  	s1 =	sld [smem:$0x3F8D];
	s0 =	simm.s32 @p0 $0x1  }
0x13: {  	[smem:$0x3FA8] =	sst s0;
	s0 =	simm.s32 @!p1 $0x0  }
0x14: {  	s2 =	sld [smem:$0x3F8C];
	s0 =	simm.s32 @p1 $0x1  }
0x15: {  	[smem:$0x3FA9] =	sst s0;
	s0 =	simm.s32 @!p2 $0x0  }
0x16: {  	s3 =	sld [smem:$0x3FDB];
	s0 =	simm.s32 @p2 $0x1  }
0x17: {  	s4 =	simm.s32 $0x1BF5;
	[smem:$0x3FAB] =	sst s0  }
0x18: {  	s0 =	sld [smem:$0x3F8E];
	_ =	swait.ge [sflag:s4], $0x0  }
0x19: {  	s7 =	sld [smem:$0x3F8F]  }
0x1a: {  	s8 =	sadd.s32 $0xFFFFE003, lr  }
0x1b: {  	s9 =	sadd.s32 $0xFFFFFEF7, lr;
	s5 =	simm.s32 $0xFFFFFFFF;
	p2 =	slt.u32 s8, $0xFFFFF086  }
0x1c: {  	p1 =	slt.u32 s9, $0xF7A;
	s5 =	simm.s32 @!p2 $0x0  }
0x1d: {  	s5 =	simm.s32 @p1 $0x1;
	p0 =	seq.s32 s7, s2  }
0x1e: {  	s7 =	smul.u32 @!p0 $0xF7A, s2;
	p2 =	seq.s32 @!p0 s5, $0x0  }
0x1f: {  	s9 =	smul.u32 $0xF7A, s1;
	s8 =	simm.s32 @!p0 $0x1BF5;
	p2 =	por !p2, p0  }
0x20: {  	[sflag:s8] =	ssyncset.s32 @!p0 $0xFFFFF086;
	s6 =	sadd.s32 @!p0 s3, s7;
	s7 =	simm.s32 @!p0 $0x108  }
0x21: {  	s3 =	sadd.s32 s3, s9;
	s6 =	sadd.s32 @!p0 $0x88, s6;
	s7 =	simm.s32 @p2 $0x1082  }
0x22: {  	[simem:s7], [sflag:s8] =	dma.local @!p0 [hbm:s6], $0xF7A  }
0x23: {  	s9 =	sor.u32 $0xD0000000, s2;
	s6 =	simm.s32 $0x108;
	_ =	swait.ge @!p0 [sflag:s8], $0x0  }
0x24: {  	s3 =	sadd.s32 $0x88, s3;
	s6 =	simm.s32 @!p1 $0x1082;
	[sflag:s4] =	ssyncset.s32 $0xFFFFF086  }
0x25: {  	[simem:s6], [sflag:s4] =	dma.local [hbm:s3], $0xF7A  }
0x26: {  	[smem:$0x3F8F] =	sst s1;
	(tag) =	ssettag s2;
	_ =	strace s9  }
0x27: {  	s1 =	sld [smem:$0x3F9F]  }
0x28: {  	s2 =	sld [smem:$0x3FA0]  }
0x29: {  	s4 =	sld [smem:$0x3FA2]  }
0x2a: {  	p0 =	seq.s32 s5, $0x0;
	s5 =	sld [smem:$0x3FA3]  }
0x2b: {  	s6 =	sld [smem:$0x3FA4]  }
0x2c: {  	s7 =	sld [smem:$0x3FA5]  }
0x2d: {  	s3 =	simm.s32 $0x108;
	s8 =	sld [smem:$0x3FA6]  }
0x2e: {  	s3 =	simm.s32 @!p0 $0x1082;
	s9 =	sld [smem:$0x3FA7]  }
0x2f: {  	lr =	sadd.s32 s0, s3;
	s0 =	sld [smem:$0x3F9E]  }
0x30: {  	s3 =	sld [smem:$0x3FA1]  }
0x31: {  	[smem:$0x3FAA] =	sst s10  }
0x32: {  	s10 =	sld [smem:$0x3FA8];
	_ =	sdelay $0x3  }
0x33: {  	p0 =	seq.s32 s10, $0x1;
	s10 =	sld [smem:$0x3FAA];
	_ =	sdelay $0x3  }
0x34: {  	[smem:$0x3FAA] =	sst s10  }
0x35: {  	s10 =	sld [smem:$0x3FA9];
	_ =	sdelay $0x3  }
0x36: {  	p1 =	seq.s32 s10, $0x1;
	s10 =	sld [smem:$0x3FAA];
	_ =	sdelay $0x3  }
0x37: {  	[smem:$0x3FAA] =	sst s10  }
0x38: {  	s10 =	sld [smem:$0x3FAB]  }
0x39: {  	_ = 	snop;
	(pc) =	sbr.ind lr, $3  }
0x3a: {  	_ = 	snop  }
0x3b: {  	_ = 	snop  }
0x3c: {  	p2 =	seq.s32 s10, $0x1;
	s10 =	sld [smem:$0x3FAA]  }
0x3d: {  	_ =	shalt  }
0x3e: {  	_ =	shalt  }
0x3f: {  	_ =	shalt  }
0x40: {  	_ =	shalt  }
0x41: {  	_ =	shalt  }
0x42: {  	_ =	shalt  }
0x43: {  	_ =	shalt  }
0x44: {  	_ =	shalt  }
0x45: {  	_ =	shalt  }
0x46: {  	_ =	shalt  }
0x47: {  	_ =	shalt  }
0x48: {  	_ =	shalt  }
0x49: {  	_ =	shalt  }
0x4a: {  	_ =	shalt  }
0x4b: {  	_ =	shalt  }
0x4c: {  	_ =	shalt  }
0x4d: {  	_ =	shalt  }
0x4e: {  	_ =	shalt  }
0x4f: {  	_ =	shalt  }
0x50: {  	_ =	shalt  }
0x51: {  	_ =	shalt  }
0x52: {  	_ =	shalt  }
0x53: {  	_ =	shalt  }
0x54: {  	_ =	shalt  }
0x55: {  	_ =	shalt  }
0x56: {  	_ =	shalt  }
0x57: {  	_ =	shalt  }
0x58: {  	_ =	shalt  }
0x59: {  	_ =	shalt  }
0x5a: {  	_ =	shalt  }
0x5b: {  	_ =	shalt  }
0x5c: {  	_ =	shalt  }
0x5d: {  	_ =	shalt  }
0x5e: {  	_ =	shalt  }
0x5f: {  	_ =	shalt  }
0x60: {  	_ =	shalt  }
0x61: {  	_ =	shalt  }
0x62: {  	_ =	shalt  }
0x63: {  	_ =	shalt  }
0x64: {  	_ =	shalt  }
0x65: {  	_ =	shalt  }
0x66: {  	_ =	shalt  }
0x67: {  	_ =	shalt  }
0x68: {  	_ =	shalt  }
0x69: {  	_ =	shalt  }
0x6a: {  	_ =	shalt  }
0x6b: {  	_ =	shalt  }
0x6c: {  	_ =	shalt  }
0x6d: {  	_ =	shalt  }
0x6e: {  	_ =	shalt  }
0x6f: {  	_ =	shalt  }
0x70: {  	_ =	shalt  }
0x71: {  	_ =	shalt  }
0x72: {  	_ =	shalt  }
0x73: {  	_ =	shalt  }
0x74: {  	_ =	shalt  }
0x75: {  	_ =	shalt  }
0x76: {  	_ =	shalt  }
0x77: {  	_ =	shalt  }
0x78: {  	_ =	shalt  }
0x79: {  	_ =	shalt  }
0x7a: {  	_ =	shalt  }
0x7b: {  	_ =	shalt  }
0x7c: {  	_ =	shalt  }
0x7d: {  	_ =	shalt  }
0x7e: {  	_ =	shalt  }
0x7f: {  	_ =	shalt  }
0x80: {  	_ =	shalt  }
0x81: {  	_ =	shalt  }
0x82: {  	_ =	shalt  }
0x83: {  	_ =	shalt  }
0x84: {  	_ =	shalt  }
0x85: {  	_ =	shalt  }
0x86: {  	_ =	shalt  }
0x87: {  	_ =	shalt  }
.Lfunc_end0:
.L_simem_size_0:
called_computation.2_lowered:
.L_overlay_start_0:
0x88: {  	s2 =	sld [smem:$0x3FD9]  }
0x89: {  	s3 =	sld [smem:$0x3FFE];
	_ =	sdelay $0x1  }
0x8a: {  	s1 =	srdreg.scid  }
0x8b: {  	s0 =	sand.u32 $0x1, s1  }
0x8c: {  	s16 =	sshll.u32 s0, $0xA;
	s2 =	sadd.s32 s3, s2  }
0x8d: {  	s2 =	sadd.s32 s2, s16  }
0x8e: {  	[smem:$0x3FB6] =	sst s2  }
0x8f: {  	_ = 	snop  }
0x90: {  	(tm) =	ssettm $0x1  }
0x91: {  	s17 =	sld [smem:$0x3FFB];
	_ =	sdelay $0x3  }
0x92: {  	_ =	strace s17  }
0x93: {  	s2 =	sld [smem:$0x3FFC];
	_ =	sdelay $0x3  }
0x94: {  	_ =	strace s2  }
0x95: {  	s2 =	sld [smem:$0x3FFD];
	_ =	sdelay $0x3  }
0x96: {  	_ =	strace s2  }
0x97: {  	_ =	strace $0x8FFFFFFF  }
0x98: {  	s18 =	sld [smem:$0x3FDB];
	_ =	sdelay $0x1  }
0x99: {  	s19 =	simm.s32 $_scs_section_size  }
0x9a: {  	s4 =	simm.s32 $_size__tile_overlayer_lowered;
	s5 =	simm.s32 $_tile_overlayer_lowered  }
0x9b: {  	s22 =	simm.s32 $0x1BFF;
	s21 =	sshll.u32 s5, $0x1;
	s2 =	sadd.s32 s19, s18  }
0x9c: {  	s6 =	simm.s32 $0x0;
	s20 =	sshll.u32 s4, $0x1;
	s4 =	sadd.s32 s21, s2  }
0x9d: {  	[timem:s6], [sflag:s22] =	dma.local [hbm:s4], s20  }
0x9e: {  	_ =	swait.ge [sflag:s22], s20  }
0x9f: {  	s3 =	ssub.s32 $0x0, s20;
	[sflag:s22] =	ssyncset.done $0x0  }
0xa0: {  	[sflag:s22] =	ssyncadd.s32 s3;
	_ =	sdelay $0x1  }
0xa1: {  	s23 =	simm.s32 $0x1B8B  }
0xa2: {  	_ =	swait.ge [sflag:s23], $0x1  }
0xa3: {  	[sflag:s23] =	ssyncset.done $0x0  }
0xa4: {  	s25 =	simm.s32 $0x1B8E;
	s24 =	sld [smem:$0x3FFE];
	[sflag:s23] =	ssyncadd.s32 $0xFFFFFFFF  }
0xa5: {  	s26 =	simm.s32 $execute0_lowered;
	[smem:$0x3FD2] =	sst s25  }
0xa6: {  	s4 =	sshll.u32 s26, $0x1;
	_ =	strace $0x8000004C;
	[dreg:$0x1] =	wrdreg $0xFFFFFFFF  }
0xa7: {  	s28 =	simm.s32 $_size_execute0_lowered;
	s2 =	sadd.s32 s2, s4;
	[dreg:$0x0] =	wrdreg $0x0  }
0xa8: {  	s4 =	sshll.u32 s28, $0x1;
	[dreg:$0x2] =	wrdreg s2  }
0xa9: {  	[dreg:$0x3] =	wrdreg s4  }
0xaa: {  	[dreg:$0x4] =	wrdreg $0xC0  }
0xab: {  	_ =	task [dreg:s6], $0x5FFFF  }
0xac: {  	[dreg:$0x1] =	wrdreg $0xFFFFFFFF  }
0xad: {  	[dreg:$0x0] =	wrdreg $0x60  }
0xae: {  	[dreg:$0x2] =	wrdreg s24  }
0xaf: {  	[dreg:$0x3] =	wrdreg $0xA8000  }
0xb0: {  	[dreg:$0x4] =	wrdreg $0x9  }
0xb1: {  	_ =	task.clear_ibuf [dreg:s6], $0x5FFFF;
	_ =	strace $0x9000004C  }
0xb2: {  	s29 =	simm.s32 $0x9;
	_ =	strace $0x8000004E  }
0xb3: {  	_ =	swait.ge [sflag:s29], $0x1  }
0xb4: {  	[sflag:s29] =	ssyncadd.s32 $0xFFFFFFFF  }
0xb5: {  	_ =	strace $0x9000004E  }
0xb6: {  	_ =	sfence  }
0xb7: {  	s30 =	sld [smem:$0x0];
	_ =	sdelay $0x2  }
0xb8: {  	s31 =	sshll.u32 s1, $0xD;
	s1 =	sshrl.u32 s1, $0x2  }
0xb9: {  	s3 =	sand.u32 $0x4000, s31;
	s1 =	sadd.s32 s1, s30  }
0xba: {  	s0 =	sor.u32 s3, s0;
	s1 =	sshll.u32 s1, $0x11  }
0xbb: {  	s0 =	sor.u32 s1, s0  }
0xbc: {  	s0 =	sadd.s32 $0x8F2B, s0  }
0xbd: {  	[sflag:s0] =	ssyncadd.remote.s32 $0x1  }
0xbe: {  	_ =	sfence.sel $0xFFFF  }
0xbf: {  	[dreg:$0x0] =	wrdreg $0xFFFFFFFF;
	(pc) =	sbr.abs _section_cstart, $3  }
0xc0: {  	[dreg:$0x1] =	wrdreg $0xFFFFFFFF  }
0xc1: {  	_ =	task.clear_ibuf [dreg:s6], $0x2FFFF;
	_ =	strace $0x9FFFFFFF  }
0xc2: {  	(tm) =	ssettm $0x7FFFFFFF  }
0xc3: {  	_ =	shalt  }
tec
execute0_lowered:
.L_overlay_start_1:
0x0: {  	(tag) =	ssettag $0x1  }
0x1: {  	s5 =	rddreg [dreg:$0x0]  }
0x2: {  	s2 =	rddreg [dreg:$0x1]  }
0x3: {  	s0 =	srdreg.scid;
	s1 =	rddreg [dreg:$0x2]  }
0x4: {  	s3 =	simm.s32 $0x0;
	s14 =	simm.s32 $0x3;
	s15 =	simm.s32 $0x1400  }
0x5: {  	s16 =	simm.s32 $0x80;
	s17 =	simm.s32 $0x2800;
	s18 =	simm.s32 $0x6800  }
0x6: {  	s19 =	simm.s32 $0x1;
	s20 =	simm.s32 $0x2;
	s4 =	sand.u32 $0x1, s0  }
0x7: {  	s21 =	simm.s32 $0x1380;
	s0 =	stileid.u32;
	s6 =	smul.u32 $0x28000, s4  }
0x8: {  	s22 =	simm.s32 $0x2700;
	s23 =	simm.s32 $0x2780;
	s7 =	smul.u32 $0x2800, s0  }
0x9: {  	s24 =	simm.s32 $0x0;
	[smem:$0x7FF] =	sst s3;
	s8 =	smul.u32 $0x140000, s4  }
0xa: {  	s9 =	smul.u32 $0x14000, s0;
	_ =	strace $0x8000004D;
	s26 =	ssub.s32 $0x2, s4  }
0xb: {  	s28 =	smul.u32 $0x50000, s0;
	s4 =	sadd.s32 $0x9600, s5;
	s31 =	sshll.u32 s0, $0x6  }
0xc: {  	s29 =	sshrl.u32 s26, $0x1;
	s6 =	sadd.s32 s7, s6;
	s7 =	sshrl.u32 s7, $0x3  }
0xd: {  	s25 =	sadd.s32 s9, s8;
	s8 =	ssub.s32 s26, s29;
	s30 =	sshrl.u32 s28, $0x2  }
0xe: {  	s10 =	sshrl.u32 s6, $0x3;
	s12 =	sadd.s32 s7, s5;
	s7 =	sshrl.u32 s25, $0x3  }
0xf: {  	s13 =	sadd.s32 s30, s2;
	s8 =	smax.u32 s8, $0x1;
	s11 =	sadd.s32 s10, s5  }
0x10: {  	s7 =	sadd.s32 s7, s5;
	s5 =	sadd.s32 s4, s6;
	s6 =	sor.u32 $0x1C03, s31  }
0x11: {  	s10 =	sadd.s32 $0x4600, s12;
	s12 =	sadd.s32 $0x4880, s12;
	s13 =	sshrl.u32 s13, $0x3  }
0x12: {  	s7 =	sadd.s32 $0x59600, s7;
	s9 =	sadd.s32 $0xA9E00, s11;
	s11 =	sadd.s32 $0xAA080, s11  }
.LBB2_1:
0x13: {  	[spmem:s13], [sflag:s6] =	dma.local [hbm:s5], $0x2800  }
0x14: {  	_ =	swait.ge [sflag:s14], $0x2800  }
0x15: {  	[sflag:s14] =	ssyncset.done $0x0  }
0x16: {  	[sflag:s14] =	ssyncadd.s32 $0xFFFFD800  }
0x17: {  	[bflag:$0x0] =	sbarrier.arrive $0xFFFF  }
0x18: {  	[tilespmem:s3], [sflag:$0x3] =	stream.linear.gather [hbm4b:s9+s3], $0x1400, $0x38;
	[tilespmem:$0x1E880] =	vst v63  }
0x19: {  	_ =	swait.ge [sflag:s14], $0x1400  }
0x1a: {  	[sflag:s14] =	ssyncset.done $0x0  }
0x1b: {  	[sflag:s14] =	ssyncadd.s32 $0xFFFFEC00  }
0x1c: {  	[tilespmem:s15], [sflag:$0x3] =	stream.linear.gather [hbm4b:s10+s3], $0x1400, $0x38;
	[tilespmem:$0x1E880] =	vst v63  }
0x1d: {  	_ =	swait.ge [sflag:s14], $0x1400  }
0x1e: {  	[sflag:s14] =	ssyncset.done $0x0  }
0x1f: {  	[sflag:s14] =	ssyncadd.s32 $0xFFFFEC00  }
0x20: {  	[tilespmem:s17], [sflag:$0x1] =	stream.indirect.gather [hbm4b:s4+s16], $0x80, s3, s16, $0xb8;
	[tilespmem:$0x1E880] =	vst v63  }
0x21: {  	s25 =	simm.s32 $0x80  }
0x22: {  	[tilespmem:s18], [sflag:$0x2] =	stream.indirect.gather [hbm4b:s4+s16], $0x80, s25, s16, $0xb8;
	[tilespmem:$0x1E880] =	vst v63  }
0x23: {  	_ =	swait.ge [sflag:s19], $0x4000  }
0x24: {  	[sflag:s19] =	ssyncset.done $0x0  }
0x25: {  	s29 =	simm.s32 $0x1400;
	[sflag:s19] =	ssyncadd.s32 $0xFFFFC000  }
0x26: {  	[spmem:s2] =	stream.indirect.scatter.add.f32 [tilespmem:s17], [sflag:$0x3], $0x80, s29, s16, $0xb8;
	[tilespmem:$0x1E880] =	vst v63  }
0x27: {  	_ =	swait.ge [sflag:s14], $0x4000  }
0x28: {  	[sflag:s14] =	ssyncset.done $0x0  }
0x29: {  	s30 =	simm.s32 $0x100;
	[sflag:s14] =	ssyncadd.s32 $0xFFFFC000  }
0x2a: {  	[tilespmem:s17], [sflag:$0x1] =	stream.indirect.gather [hbm4b:s4+s16], $0x80, s30, s16, $0xb8;
	[tilespmem:$0x1E880] =	vst v63  }
0x2b: {  	_ =	swait.ge [sflag:s20], $0x4000  }
0x2c: {  	[sflag:s20] =	ssyncset.done $0x0  }
0x2d: {  	s31 =	simm.s32 $0x1480;
	[sflag:s20] =	ssyncadd.s32 $0xFFFFC000  }
0x2e: {  	[spmem:s2] =	stream.indirect.scatter.add.f32 [tilespmem:s18], [sflag:$0x3], $0x80, s31, s16, $0xb8;
	[tilespmem:$0x1E880] =	vst v63  }
0x2f: {  	_ =	swait.ge [sflag:s14], $0x4000  }
0x30: {  	s26 =	simm.s32 $0x800;
	s25 =	simm.s32 $0x100;
	[sflag:s14] =	ssyncset.done $0x0  }
.LBB2_2:
0x31: {  	s28 =	sadd.s32 $0x80, s25  }
0x32: {  	[sflag:s14] =	ssyncadd.s32 $0xFFFFC000;
	s29 =	smov.u32 s26;
	s30 =	sadd.s32 $0x400, s26  }
0x33: {  	[tilespmem:s18], [sflag:$0x2] =	stream.indirect.gather [hbm4b:s4+s16], $0x80, s28, s16, $0xb8;
	[tilespmem:$0x1E880] =	vst v63  }
0x34: {  	p0 =	sne.s32 s26, $0x4800;
	_ =	swait.ge [sflag:s19], $0x4000  }
0x35: {  	[sflag:s19] =	ssyncset.done $0x0  }
0x36: {  	s26 =	sadd.s32 $0x1400, s25;
	[sflag:s19] =	ssyncadd.s32 $0xFFFFC000  }
0x37: {  	[spmem:s2] =	stream.indirect.scatter.add.f32 [tilespmem:s17], [sflag:$0x3], $0x80, s26, s16, $0xb8;
	[tilespmem:$0x1E880] =	vst v63  }
0x38: {  	_ =	swait.ge [sflag:s14], $0x4000  }
0x39: {  	[sflag:s14] =	ssyncset.done $0x0  }
0x3a: {  	s26 =	sadd.s32 $0x100, s25;
	[sflag:s14] =	ssyncadd.s32 $0xFFFFC000  }
0x3b: {  	[tilespmem:s17], [sflag:$0x1] =	stream.indirect.gather [hbm4b:s4+s16], $0x80, s26, s16, $0xb8;
	[tilespmem:$0x1E880] =	vst v63  }
0x3c: {  	_ =	swait.ge [sflag:s20], $0x4000  }
.Ltmp0:
0x3d: {  	[sflag:s20] =	ssyncset.done $0x0;
	(pc) =	sbr.rel @p0 .LBB2_2-.Ltmp0, $4  }
0x3e: {  	s25 =	sadd.s32 $0x1480, s25;
	[sflag:s20] =	ssyncadd.s32 $0xFFFFC000  }
0x3f: {  	[spmem:s2] =	stream.indirect.scatter.add.f32 [tilespmem:s18], [sflag:$0x3], $0x80, s25, s16, $0xb8;
	[tilespmem:$0x1E880] =	vst v63  }
0x40: {  	_ =	swait.ge [sflag:s14], $0x4000  }
0x41: {  	s26 =	smov.u32 s30;
	s25 =	sshra.s32 s29, $0x2;
	[sflag:s14] =	ssyncset.done $0x0  }
0x42: {  	s26 =	sadd.s32 $0x80, s25;
	[sflag:s14] =	ssyncadd.s32 $0xFFFFC000  }
0x43: {  	[tilespmem:s18], [sflag:$0x2] =	stream.indirect.gather [hbm4b:s4+s16], $0x80, s26, s16, $0xb8;
	[tilespmem:$0x1E880] =	vst v63  }
0x44: {  	_ =	swait.ge [sflag:s19], $0x4000  }
0x45: {  	[sflag:s19] =	ssyncset.done $0x0  }
0x46: {  	s29 =	sadd.s32 $0x1400, s25;
	[sflag:s19] =	ssyncadd.s32 $0xFFFFC000  }
0x47: {  	[spmem:s2] =	stream.indirect.scatter.add.f32 [tilespmem:s17], [sflag:$0x3], $0x80, s29, s16, $0xb8;
	[tilespmem:$0x1E880] =	vst v63  }
0x48: {  	_ =	swait.ge [sflag:s14], $0x4000  }
0x49: {  	[sflag:s14] =	ssyncset.done $0x0  }
0x4a: {  	s30 =	sadd.s32 $0x100, s25;
	[sflag:s14] =	ssyncadd.s32 $0xFFFFC000  }
0x4b: {  	[tilespmem:s17], [sflag:$0x1] =	stream.indirect.gather [hbm4b:s4+s16], $0x80, s30, s16, $0xb8;
	[tilespmem:$0x1E880] =	vst v63  }
0x4c: {  	_ =	swait.ge [sflag:s20], $0x4000  }
0x4d: {  	[sflag:s20] =	ssyncset.done $0x0  }
0x4e: {  	s31 =	sadd.s32 $0x1480, s25;
	[sflag:s20] =	ssyncadd.s32 $0xFFFFC000  }
0x4f: {  	[spmem:s2] =	stream.indirect.scatter.add.f32 [tilespmem:s18], [sflag:$0x3], $0x80, s31, s16, $0xb8;
	[tilespmem:$0x1E880] =	vst v63  }
0x50: {  	_ =	swait.ge [sflag:s14], $0x4000  }
0x51: {  	[sflag:s14] =	ssyncset.done $0x0  }
0x52: {  	[sflag:s14] =	ssyncadd.s32 $0xFFFFC000  }
0x53: {  	[tilespmem:s18], [sflag:$0x2] =	stream.indirect.gather [hbm4b:s4+s16], $0x80, s21, s16, $0xb8;
	[tilespmem:$0x1E880] =	vst v63  }
0x54: {  	_ =	swait.ge [sflag:s19], $0x4000  }
0x55: {  	[sflag:s19] =	ssyncset.done $0x0  }
0x56: {  	[sflag:s19] =	ssyncadd.s32 $0xFFFFC000  }
0x57: {  	[spmem:s2] =	stream.indirect.scatter.add.f32 [tilespmem:s17], [sflag:$0x3], $0x80, s22, s16, $0xb8;
	[tilespmem:$0x1E880] =	vst v63  }
0x58: {  	_ =	swait.ge [sflag:s14], $0x4000  }
0x59: {  	[sflag:s14] =	ssyncset.done $0x0  }
0x5a: {  	[sflag:s14] =	ssyncadd.s32 $0xFFFFC000  }
0x5b: {  	_ =	swait.ge [sflag:s20], $0x4000  }
0x5c: {  	[sflag:s20] =	ssyncset.done $0x0  }
0x5d: {  	[sflag:s20] =	ssyncadd.s32 $0xFFFFC000  }
0x5e: {  	[spmem:s2] =	stream.indirect.scatter.add.f32 [tilespmem:s18], [sflag:$0x3], $0x80, s23, s16, $0xb8;
	[tilespmem:$0x1E880] =	vst v63  }
0x5f: {  	_ =	swait.ge [sflag:s14], $0x4000  }
0x60: {  	[sflag:s14] =	ssyncset.done $0x0  }
0x61: {  	s26 =	simm.s32 $0x0;
	[sflag:s14] =	ssyncadd.s32 $0xFFFFC000  }
0x62: {  	[tilespmem:s26], [sflag:$0x3] =	stream.linear.gather [hbm4b:s11+s26], $0x1400, $0x38;
	[tilespmem:$0x1E880] =	vst v63  }
0x63: {  	_ =	swait.ge [sflag:s14], $0x1400  }
0x64: {  	[sflag:s14] =	ssyncset.done $0x0  }
0x65: {  	[sflag:s14] =	ssyncadd.s32 $0xFFFFEC00  }
0x66: {  	[tilespmem:s15], [sflag:$0x3] =	stream.linear.gather [hbm4b:s12+s26], $0x1400, $0x38;
	[tilespmem:$0x1E880] =	vst v63  }
0x67: {  	_ =	swait.ge [sflag:s14], $0x1400  }
0x68: {  	[sflag:s14] =	ssyncset.done $0x0  }
0x69: {  	[sflag:s14] =	ssyncadd.s32 $0xFFFFEC00  }
0x6a: {  	[tilespmem:s17], [sflag:$0x1] =	stream.indirect.gather [hbm4b:s4+s16], $0x80, s26, s16, $0xb8;
	[tilespmem:$0x1E880] =	vst v63  }
0x6b: {  	s28 =	simm.s32 $0x80  }
0x6c: {  	[tilespmem:s18], [sflag:$0x2] =	stream.indirect.gather [hbm4b:s4+s16], $0x80, s28, s16, $0xb8;
	[tilespmem:$0x1E880] =	vst v63  }
0x6d: {  	_ =	swait.ge [sflag:s19], $0x4000  }
0x6e: {  	[sflag:s19] =	ssyncset.done $0x0  }
0x6f: {  	s29 =	simm.s32 $0x1400;
	[sflag:s19] =	ssyncadd.s32 $0xFFFFC000  }
0x70: {  	[spmem:s2] =	stream.indirect.scatter.add.f32 [tilespmem:s17], [sflag:$0x3], $0x80, s29, s16, $0xb8;
	[tilespmem:$0x1E880] =	vst v63  }
0x71: {  	_ =	swait.ge [sflag:s14], $0x4000  }
0x72: {  	[sflag:s14] =	ssyncset.done $0x0  }
0x73: {  	s30 =	simm.s32 $0x100;
	[sflag:s14] =	ssyncadd.s32 $0xFFFFC000  }
0x74: {  	[tilespmem:s17], [sflag:$0x1] =	stream.indirect.gather [hbm4b:s4+s16], $0x80, s30, s16, $0xb8;
	[tilespmem:$0x1E880] =	vst v63  }
0x75: {  	_ =	swait.ge [sflag:s20], $0x4000  }
0x76: {  	[sflag:s20] =	ssyncset.done $0x0  }
0x77: {  	s31 =	simm.s32 $0x1480;
	[sflag:s20] =	ssyncadd.s32 $0xFFFFC000  }
0x78: {  	[spmem:s2] =	stream.indirect.scatter.add.f32 [tilespmem:s18], [sflag:$0x3], $0x80, s31, s16, $0xb8;
	[tilespmem:$0x1E880] =	vst v63  }
0x79: {  	_ =	swait.ge [sflag:s14], $0x4000  }
0x7a: {  	s25 =	simm.s32 $0x100;
	s26 =	simm.s32 $0x800;
	[sflag:s14] =	ssyncset.done $0x0  }
.LBB2_4:
0x7b: {  	s28 =	sadd.s32 $0x80, s25  }
0x7c: {  	[sflag:s14] =	ssyncadd.s32 $0xFFFFC000;
	s29 =	smov.u32 s26;
	s30 =	sadd.s32 $0x400, s26  }
0x7d: {  	[tilespmem:s18], [sflag:$0x2] =	stream.indirect.gather [hbm4b:s4+s16], $0x80, s28, s16, $0xb8;
	[tilespmem:$0x1E880] =	vst v63  }
0x7e: {  	p0 =	sne.s32 s26, $0x4800;
	_ =	swait.ge [sflag:s19], $0x4000  }
0x7f: {  	[sflag:s19] =	ssyncset.done $0x0  }
0x80: {  	s26 =	sadd.s32 $0x1400, s25;
	[sflag:s19] =	ssyncadd.s32 $0xFFFFC000  }
0x81: {  	[spmem:s2] =	stream.indirect.scatter.add.f32 [tilespmem:s17], [sflag:$0x3], $0x80, s26, s16, $0xb8;
	[tilespmem:$0x1E880] =	vst v63  }
0x82: {  	_ =	swait.ge [sflag:s14], $0x4000  }
0x83: {  	[sflag:s14] =	ssyncset.done $0x0  }
0x84: {  	s26 =	sadd.s32 $0x100, s25;
	[sflag:s14] =	ssyncadd.s32 $0xFFFFC000  }
0x85: {  	[tilespmem:s17], [sflag:$0x1] =	stream.indirect.gather [hbm4b:s4+s16], $0x80, s26, s16, $0xb8;
	[tilespmem:$0x1E880] =	vst v63  }
0x86: {  	_ =	swait.ge [sflag:s20], $0x4000  }
.Ltmp1:
0x87: {  	[sflag:s20] =	ssyncset.done $0x0;
	(pc) =	sbr.rel @p0 .LBB2_4-.Ltmp1, $4  }
0x88: {  	s25 =	sadd.s32 $0x1480, s25;
	[sflag:s20] =	ssyncadd.s32 $0xFFFFC000  }
0x89: {  	[spmem:s2] =	stream.indirect.scatter.add.f32 [tilespmem:s18], [sflag:$0x3], $0x80, s25, s16, $0xb8;
	[tilespmem:$0x1E880] =	vst v63  }
0x8a: {  	_ =	swait.ge [sflag:s14], $0x4000  }
0x8b: {  	s26 =	smov.u32 s30;
	s25 =	sshra.s32 s29, $0x2;
	[sflag:s14] =	ssyncset.done $0x0  }
0x8c: {  	s26 =	sadd.s32 $0x80, s25;
	[sflag:s14] =	ssyncadd.s32 $0xFFFFC000  }
0x8d: {  	[tilespmem:s18], [sflag:$0x2] =	stream.indirect.gather [hbm4b:s4+s16], $0x80, s26, s16, $0xb8;
	[tilespmem:$0x1E880] =	vst v63  }
0x8e: {  	_ =	swait.ge [sflag:s19], $0x4000  }
0x8f: {  	[sflag:s19] =	ssyncset.done $0x0  }
0x90: {  	s29 =	sadd.s32 $0x1400, s25;
	[sflag:s19] =	ssyncadd.s32 $0xFFFFC000  }
0x91: {  	[spmem:s2] =	stream.indirect.scatter.add.f32 [tilespmem:s17], [sflag:$0x3], $0x80, s29, s16, $0xb8;
	[tilespmem:$0x1E880] =	vst v63  }
0x92: {  	_ =	swait.ge [sflag:s14], $0x4000  }
0x93: {  	[sflag:s14] =	ssyncset.done $0x0  }
0x94: {  	s30 =	sadd.s32 $0x100, s25;
	[sflag:s14] =	ssyncadd.s32 $0xFFFFC000  }
0x95: {  	[tilespmem:s17], [sflag:$0x1] =	stream.indirect.gather [hbm4b:s4+s16], $0x80, s30, s16, $0xb8;
	[tilespmem:$0x1E880] =	vst v63  }
0x96: {  	_ =	swait.ge [sflag:s20], $0x4000  }
0x97: {  	[sflag:s20] =	ssyncset.done $0x0  }
0x98: {  	s31 =	sadd.s32 $0x1480, s25;
	[sflag:s20] =	ssyncadd.s32 $0xFFFFC000  }
0x99: {  	[spmem:s2] =	stream.indirect.scatter.add.f32 [tilespmem:s18], [sflag:$0x3], $0x80, s31, s16, $0xb8;
	[tilespmem:$0x1E880] =	vst v63  }
0x9a: {  	_ =	swait.ge [sflag:s14], $0x4000  }
0x9b: {  	[sflag:s14] =	ssyncset.done $0x0  }
0x9c: {  	[sflag:s14] =	ssyncadd.s32 $0xFFFFC000  }
0x9d: {  	[tilespmem:s18], [sflag:$0x2] =	stream.indirect.gather [hbm4b:s4+s16], $0x80, s21, s16, $0xb8;
	[tilespmem:$0x1E880] =	vst v63  }
0x9e: {  	_ =	swait.ge [sflag:s19], $0x4000  }
0x9f: {  	[sflag:s19] =	ssyncset.done $0x0  }
0xa0: {  	[sflag:s19] =	ssyncadd.s32 $0xFFFFC000  }
0xa1: {  	[spmem:s2] =	stream.indirect.scatter.add.f32 [tilespmem:s17], [sflag:$0x3], $0x80, s22, s16, $0xb8;
	[tilespmem:$0x1E880] =	vst v63  }
0xa2: {  	_ =	swait.ge [sflag:s14], $0x4000  }
0xa3: {  	[sflag:s14] =	ssyncset.done $0x0  }
0xa4: {  	[sflag:s14] =	ssyncadd.s32 $0xFFFFC000  }
0xa5: {  	_ =	swait.ge [sflag:s20], $0x4000  }
0xa6: {  	[sflag:s20] =	ssyncset.done $0x0  }
0xa7: {  	[sflag:s20] =	ssyncadd.s32 $0xFFFFC000  }
0xa8: {  	[spmem:s2] =	stream.indirect.scatter.add.f32 [tilespmem:s18], [sflag:$0x3], $0x80, s23, s16, $0xb8;
	[tilespmem:$0x1E880] =	vst v63  }
0xa9: {  	_ =	swait.ge [sflag:s14], $0x4000  }
0xaa: {  	s24 =	sadd.s32 $0x1, s24;
	[sflag:s14] =	ssyncset.done $0x0  }
0xab: {  	p0 =	sne.s32 s24, s8;
	[sflag:s14] =	ssyncadd.s32 $0xFFFFC000  }
.Ltmp2:
0xac: {  	[bflag:$0x0] =	sbarrier.arrive $0xFFFF;
	(pc) =	sbr.rel @p0 .LBB2_1-.Ltmp2, $4  }
0xad: {  	[hbm:s7], [sflag:s6] =	dma.local [spmem:s13], $0x2800  }
0xae: {  	_ =	swait.ge [sflag:s14], $0x2800  }
0xaf: {  	[sflag:s14] =	ssyncset.done $0x0  }
0xb0: {  	[sflag:s14] =	ssyncadd.s32 $0xFFFFD800  }
0xb1: {  	_ =	sfence.sel $0x180000  }
0xb2: {  	[bflag:$0x0] =	sbarrier.arrive $0xFFFF  }
0xb3: {  	p0 =	sne.s32 s0, $0x0;
	_ =	strace $0x9000004D  }
0xb4: {  	s0 =	sadd.s32 @!p0 $0x100000, s1;
	[bflag:$0x2] =	sbarrier.arrive $0xFFFF  }
0xb5: {  	[sflag:s0] =	ssyncadd.tile.s32 @!p0 $0x1;
	_ =	shalt  }
.Lfunc_end2:
_tile_overlayer_lowered:
.L_overlay_start_2:
0xb6: {  	(tag) =	ssettag $0x2  }
0xb7: {  	s0 =	rddreg [dreg:$0x0];
	s2 =	stileid.u32  }
0xb8: {  	s1 =	rddreg [dreg:$0x1];
	p0 =	sne.s32 s2, $0x0  }
0xb9: {  	s3 =	rddreg [dreg:$0x2];
	[bflag:$0x3] =	sbarrier.arrive $0xFFFF;
	s2 =	simm.s32 @!p0 $0x1C03  }
0xba: {  	[timem:s3], [sflag:s2] =	dma.local @!p0 [hbm:s0], s1  }
0xbb: {  	s0 =	simm.s32 @!p0 $0x3  }
0xbc: {  	_ =	swait.ge @!p0 [sflag:s0], s1  }
0xbd: {  	s1 =	ssub.s32 @!p0 $0x0, s1;
	[sflag:s0] =	ssyncset.done @!p0 $0x0  }
0xbe: {  	[sflag:s0] =	ssyncadd.s32 @!p0 s1  }
0xbf: {  	[bflag:$0x3] =	sbarrier.arrive $0xFFFF  }
0xc0: {  	_ =	shalt  }

// kernel: kernel.22.cloned.1.call-start
scs
__scs_entry_jumppad:
0x0: {  	(pc) =	sbr.rel $0x88, $3  }
0x1: {  	(tag) =	ssettag $0x0;
	lr =	simm.s32 $0x1  }
0x2: {  	[smem:$0x3F8F] =	sst lr;
	_ =	strace $0xD0000000  }
0x3: {  	_ = 	snop  }
0x4: {  	_ = 	snop  }
0x5: {  	_ = 	snop  }
0x6: {  	_ = 	snop  }
0x7: {  	_ = 	snop  }
__scs_overlays_trampoline_lowered:
0x8: {  	[smem:$0x3F9E] =	sst s0  }
0x9: {  	[smem:$0x3F9F] =	sst s1  }
0xa: {  	[smem:$0x3FA0] =	sst s2  }
0xb: {  	[smem:$0x3FA1] =	sst s3  }
0xc: {  	[smem:$0x3FA2] =	sst s4  }
0xd: {  	[smem:$0x3FA3] =	sst s5  }
0xe: {  	[smem:$0x3FA4] =	sst s6  }
0xf: {  	[smem:$0x3FA5] =	sst s7  }
0x10: {  	[smem:$0x3FA6] =	sst s8  }
0x11: {  	[smem:$0x3FA7] =	sst s9;
	s0 =	simm.s32 @!p0 $0x0  }
0x12: {  	s1 =	sld [smem:$0x3F8D];
	s0 =	simm.s32 @p0 $0x1  }
0x13: {  	[smem:$0x3FA8] =	sst s0;
	s0 =	simm.s32 @!p1 $0x0  }
0x14: {  	s2 =	sld [smem:$0x3F8C];
	s0 =	simm.s32 @p1 $0x1  }
0x15: {  	[smem:$0x3FA9] =	sst s0;
	s0 =	simm.s32 @!p2 $0x0  }
0x16: {  	s3 =	sld [smem:$0x3FDB];
	s0 =	simm.s32 @p2 $0x1  }
0x17: {  	s4 =	simm.s32 $0x1BF5;
	[smem:$0x3FAB] =	sst s0  }
0x18: {  	s0 =	sld [smem:$0x3F8E];
	_ =	swait.ge [sflag:s4], $0x0  }
0x19: {  	s7 =	sld [smem:$0x3F8F]  }
0x1a: {  	s8 =	sadd.s32 $0xFFFFE003, lr  }
0x1b: {  	s9 =	sadd.s32 $0xFFFFFEF7, lr;
	s5 =	simm.s32 $0xFFFFFFFF;
	p2 =	slt.u32 s8, $0xFFFFF086  }
0x1c: {  	p1 =	slt.u32 s9, $0xF7A;
	s5 =	simm.s32 @!p2 $0x0  }
0x1d: {  	s5 =	simm.s32 @p1 $0x1;
	p0 =	seq.s32 s7, s2  }
0x1e: {  	s7 =	smul.u32 @!p0 $0xF7A, s2;
	p2 =	seq.s32 @!p0 s5, $0x0  }
0x1f: {  	s9 =	smul.u32 $0xF7A, s1;
	s8 =	simm.s32 @!p0 $0x1BF5;
	p2 =	por !p2, p0  }
0x20: {  	[sflag:s8] =	ssyncset.s32 @!p0 $0xFFFFF086;
	s6 =	sadd.s32 @!p0 s3, s7;
	s7 =	simm.s32 @!p0 $0x108  }
0x21: {  	s3 =	sadd.s32 s3, s9;
	s6 =	sadd.s32 @!p0 $0x88, s6;
	s7 =	simm.s32 @p2 $0x1082  }
0x22: {  	[simem:s7], [sflag:s8] =	dma.local @!p0 [hbm:s6], $0xF7A  }
0x23: {  	s9 =	sor.u32 $0xD0000000, s2;
	s6 =	simm.s32 $0x108;
	_ =	swait.ge @!p0 [sflag:s8], $0x0  }
0x24: {  	s3 =	sadd.s32 $0x88, s3;
	s6 =	simm.s32 @!p1 $0x1082;
	[sflag:s4] =	ssyncset.s32 $0xFFFFF086  }
0x25: {  	[simem:s6], [sflag:s4] =	dma.local [hbm:s3], $0xF7A  }
0x26: {  	[smem:$0x3F8F] =	sst s1;
	(tag) =	ssettag s2;
	_ =	strace s9  }
0x27: {  	s1 =	sld [smem:$0x3F9F]  }
0x28: {  	s2 =	sld [smem:$0x3FA0]  }
0x29: {  	s4 =	sld [smem:$0x3FA2]  }
0x2a: {  	p0 =	seq.s32 s5, $0x0;
	s5 =	sld [smem:$0x3FA3]  }
0x2b: {  	s6 =	sld [smem:$0x3FA4]  }
0x2c: {  	s7 =	sld [smem:$0x3FA5]  }
0x2d: {  	s3 =	simm.s32 $0x108;
	s8 =	sld [smem:$0x3FA6]  }
0x2e: {  	s3 =	simm.s32 @!p0 $0x1082;
	s9 =	sld [smem:$0x3FA7]  }
0x2f: {  	lr =	sadd.s32 s0, s3;
	s0 =	sld [smem:$0x3F9E]  }
0x30: {  	s3 =	sld [smem:$0x3FA1]  }
0x31: {  	[smem:$0x3FAA] =	sst s10  }
0x32: {  	s10 =	sld [smem:$0x3FA8];
	_ =	sdelay $0x3  }
0x33: {  	p0 =	seq.s32 s10, $0x1;
	s10 =	sld [smem:$0x3FAA];
	_ =	sdelay $0x3  }
0x34: {  	[smem:$0x3FAA] =	sst s10  }
0x35: {  	s10 =	sld [smem:$0x3FA9];
	_ =	sdelay $0x3  }
0x36: {  	p1 =	seq.s32 s10, $0x1;
	s10 =	sld [smem:$0x3FAA];
	_ =	sdelay $0x3  }
0x37: {  	[smem:$0x3FAA] =	sst s10  }
0x38: {  	s10 =	sld [smem:$0x3FAB]  }
0x39: {  	_ = 	snop;
	(pc) =	sbr.ind lr, $3  }
0x3a: {  	_ = 	snop  }
0x3b: {  	_ = 	snop  }
0x3c: {  	p2 =	seq.s32 s10, $0x1;
	s10 =	sld [smem:$0x3FAA]  }
0x3d: {  	_ =	shalt  }
0x3e: {  	_ =	shalt  }
0x3f: {  	_ =	shalt  }
0x40: {  	_ =	shalt  }
0x41: {  	_ =	shalt  }
0x42: {  	_ =	shalt  }
0x43: {  	_ =	shalt  }
0x44: {  	_ =	shalt  }
0x45: {  	_ =	shalt  }
0x46: {  	_ =	shalt  }
0x47: {  	_ =	shalt  }
0x48: {  	_ =	shalt  }
0x49: {  	_ =	shalt  }
0x4a: {  	_ =	shalt  }
0x4b: {  	_ =	shalt  }
0x4c: {  	_ =	shalt  }
0x4d: {  	_ =	shalt  }
0x4e: {  	_ =	shalt  }
0x4f: {  	_ =	shalt  }
0x50: {  	_ =	shalt  }
0x51: {  	_ =	shalt  }
0x52: {  	_ =	shalt  }
0x53: {  	_ =	shalt  }
0x54: {  	_ =	shalt  }
0x55: {  	_ =	shalt  }
0x56: {  	_ =	shalt  }
0x57: {  	_ =	shalt  }
0x58: {  	_ =	shalt  }
0x59: {  	_ =	shalt  }
0x5a: {  	_ =	shalt  }
0x5b: {  	_ =	shalt  }
0x5c: {  	_ =	shalt  }
0x5d: {  	_ =	shalt  }
0x5e: {  	_ =	shalt  }
0x5f: {  	_ =	shalt  }
0x60: {  	_ =	shalt  }
0x61: {  	_ =	shalt  }
0x62: {  	_ =	shalt  }
0x63: {  	_ =	shalt  }
0x64: {  	_ =	shalt  }
0x65: {  	_ =	shalt  }
0x66: {  	_ =	shalt  }
0x67: {  	_ =	shalt  }
0x68: {  	_ =	shalt  }
0x69: {  	_ =	shalt  }
0x6a: {  	_ =	shalt  }
0x6b: {  	_ =	shalt  }
0x6c: {  	_ =	shalt  }
0x6d: {  	_ =	shalt  }
0x6e: {  	_ =	shalt  }
0x6f: {  	_ =	shalt  }
0x70: {  	_ =	shalt  }
0x71: {  	_ =	shalt  }
0x72: {  	_ =	shalt  }
0x73: {  	_ =	shalt  }
0x74: {  	_ =	shalt  }
0x75: {  	_ =	shalt  }
0x76: {  	_ =	shalt  }
0x77: {  	_ =	shalt  }
0x78: {  	_ =	shalt  }
0x79: {  	_ =	shalt  }
0x7a: {  	_ =	shalt  }
0x7b: {  	_ =	shalt  }
0x7c: {  	_ =	shalt  }
0x7d: {  	_ =	shalt  }
0x7e: {  	_ =	shalt  }
0x7f: {  	_ =	shalt  }
0x80: {  	_ =	shalt  }
0x81: {  	_ =	shalt  }
0x82: {  	_ =	shalt  }
0x83: {  	_ =	shalt  }
0x84: {  	_ =	shalt  }
0x85: {  	_ =	shalt  }
0x86: {  	_ =	shalt  }
0x87: {  	_ =	shalt  }
.Lfunc_end0:
.L_simem_size_0:
called_computation.3_lowered:
.L_overlay_start_0:
0x88: {  	s2 =	sld [smem:$0x3FD9]  }
0x89: {  	s3 =	sld [smem:$0x3FFE];
	_ =	sdelay $0x1  }
0x8a: {  	s1 =	srdreg.scid  }
0x8b: {  	s0 =	sand.u32 $0x1, s1  }
0x8c: {  	s16 =	sshll.u32 s0, $0xA;
	s2 =	sadd.s32 s3, s2  }
0x8d: {  	s2 =	sadd.s32 s2, s16  }
0x8e: {  	[smem:$0x3FB6] =	sst s2  }
0x8f: {  	_ = 	snop  }
0x90: {  	(tm) =	ssettm $0x1  }
0x91: {  	s17 =	sld [smem:$0x3FFB];
	_ =	sdelay $0x3  }
0x92: {  	_ =	strace s17  }
0x93: {  	s2 =	sld [smem:$0x3FFC];
	_ =	sdelay $0x3  }
0x94: {  	_ =	strace s2  }
0x95: {  	s2 =	sld [smem:$0x3FFD];
	_ =	sdelay $0x3  }
0x96: {  	_ =	strace s2  }
0x97: {  	_ =	strace $0x8FFFFFFF  }
0x98: {  	s18 =	sld [smem:$0x3FDB];
	_ =	sdelay $0x1  }
0x99: {  	s19 =	simm.s32 $_scs_section_size  }
0x9a: {  	s4 =	simm.s32 $_size__tile_overlayer_lowered;
	s5 =	simm.s32 $_tile_overlayer_lowered  }
0x9b: {  	s22 =	simm.s32 $0x1BFF;
	s21 =	sshll.u32 s5, $0x1;
	s2 =	sadd.s32 s19, s18  }
0x9c: {  	s6 =	simm.s32 $0x0;
	s20 =	sshll.u32 s4, $0x1;
	s4 =	sadd.s32 s21, s2  }
0x9d: {  	[timem:s6], [sflag:s22] =	dma.local [hbm:s4], s20  }
0x9e: {  	_ =	swait.ge [sflag:s22], s20  }
0x9f: {  	s3 =	ssub.s32 $0x0, s20;
	[sflag:s22] =	ssyncset.done $0x0  }
0xa0: {  	[sflag:s22] =	ssyncadd.s32 s3;
	_ =	sdelay $0x1  }
0xa1: {  	s23 =	simm.s32 $0x1B8B  }
0xa2: {  	_ =	swait.ge [sflag:s23], $0x1  }
0xa3: {  	[sflag:s23] =	ssyncset.done $0x0  }
0xa4: {  	s25 =	simm.s32 $0x1B8E;
	s24 =	sld [smem:$0x3FFE];
	[sflag:s23] =	ssyncadd.s32 $0xFFFFFFFF  }
0xa5: {  	s26 =	simm.s32 $execute0_lowered;
	[smem:$0x3FD2] =	sst s25  }
0xa6: {  	s4 =	sshll.u32 s26, $0x1;
	_ =	strace $0x8000004F;
	[dreg:$0x1] =	wrdreg $0xFFFFFFFF  }
0xa7: {  	s28 =	simm.s32 $_size_execute0_lowered;
	s2 =	sadd.s32 s2, s4;
	[dreg:$0x0] =	wrdreg $0x0  }
0xa8: {  	s4 =	sshll.u32 s28, $0x1;
	[dreg:$0x2] =	wrdreg s2  }
0xa9: {  	[dreg:$0x3] =	wrdreg s4  }
0xaa: {  	[dreg:$0x4] =	wrdreg $0xC0  }
0xab: {  	_ =	task [dreg:s6], $0x5FFFF  }
0xac: {  	[dreg:$0x1] =	wrdreg $0xFFFFFFFF  }
0xad: {  	[dreg:$0x0] =	wrdreg $0x60  }
0xae: {  	[dreg:$0x2] =	wrdreg s24  }
0xaf: {  	[dreg:$0x3] =	wrdreg $0xA8000  }
0xb0: {  	[dreg:$0x4] =	wrdreg $0x9  }
0xb1: {  	_ =	task.clear_ibuf [dreg:s6], $0x5FFFF;
	_ =	strace $0x9000004F  }
0xb2: {  	s29 =	simm.s32 $0x9;
	_ =	strace $0x80000051  }
0xb3: {  	_ =	swait.ge [sflag:s29], $0x1  }
0xb4: {  	[sflag:s29] =	ssyncadd.s32 $0xFFFFFFFF  }
0xb5: {  	_ =	strace $0x90000051  }
0xb6: {  	_ =	sfence  }
0xb7: {  	s30 =	sld [smem:$0x0];
	_ =	sdelay $0x2  }
0xb8: {  	s31 =	sshll.u32 s1, $0xD;
	s1 =	sshrl.u32 s1, $0x2  }
0xb9: {  	s3 =	sand.u32 $0x4000, s31;
	s1 =	sadd.s32 s1, s30  }
0xba: {  	s0 =	sor.u32 s3, s0;
	s1 =	sshll.u32 s1, $0x11  }
0xbb: {  	s0 =	sor.u32 s1, s0  }
0xbc: {  	s0 =	sadd.s32 $0x8F2B, s0  }
0xbd: {  	[sflag:s0] =	ssyncadd.remote.s32 $0x1  }
0xbe: {  	_ =	sfence.sel $0xFFFF  }
0xbf: {  	[dreg:$0x0] =	wrdreg $0xFFFFFFFF;
	(pc) =	sbr.abs _section_cstart, $3  }
0xc0: {  	[dreg:$0x1] =	wrdreg $0xFFFFFFFF  }
0xc1: {  	_ =	task.clear_ibuf [dreg:s6], $0x2FFFF;
	_ =	strace $0x9FFFFFFF  }
0xc2: {  	(tm) =	ssettm $0x7FFFFFFF  }
0xc3: {  	_ =	shalt  }
tec
execute0_lowered:
.L_overlay_start_1:
0x0: {  	(tag) =	ssettag $0x1  }
0x1: {  	s5 =	rddreg [dreg:$0x0]  }
0x2: {  	s2 =	rddreg [dreg:$0x1]  }
0x3: {  	s0 =	srdreg.scid;
	s1 =	rddreg [dreg:$0x2]  }
0x4: {  	s3 =	simm.s32 $0x0;
	s14 =	simm.s32 $0x3;
	s15 =	simm.s32 $0x1400  }
0x5: {  	s16 =	simm.s32 $0x80;
	s17 =	simm.s32 $0x2800;
	s18 =	simm.s32 $0x6800  }
0x6: {  	s19 =	simm.s32 $0x1;
	s20 =	simm.s32 $0x2;
	s4 =	sand.u32 $0x1, s0  }
0x7: {  	s21 =	simm.s32 $0x1380;
	s0 =	stileid.u32;
	s6 =	smul.u32 $0x28000, s4  }
0x8: {  	s22 =	simm.s32 $0x2700;
	s23 =	simm.s32 $0x2780;
	s7 =	smul.u32 $0x2800, s0  }
0x9: {  	s24 =	simm.s32 $0x0;
	[smem:$0x7FF] =	sst s3;
	s8 =	smul.u32 $0x140000, s4  }
0xa: {  	s9 =	smul.u32 $0x14000, s0;
	_ =	strace $0x80000050;
	s26 =	ssub.s32 $0x2, s4  }
0xb: {  	s28 =	smul.u32 $0x50000, s0;
	s4 =	sadd.s32 $0x9600, s5;
	s31 =	sshll.u32 s0, $0x6  }
0xc: {  	s29 =	sshrl.u32 s26, $0x1;
	s6 =	sadd.s32 s7, s6;
	s7 =	sshrl.u32 s7, $0x3  }
0xd: {  	s25 =	sadd.s32 s9, s8;
	s8 =	ssub.s32 s26, s29;
	s30 =	sshrl.u32 s28, $0x2  }
0xe: {  	s10 =	sshrl.u32 s6, $0x3;
	s12 =	sadd.s32 s7, s5;
	s7 =	sshrl.u32 s25, $0x3  }
0xf: {  	s13 =	sadd.s32 s30, s2;
	s8 =	smax.u32 s8, $0x1;
	s11 =	sadd.s32 s10, s5  }
0x10: {  	s7 =	sadd.s32 s7, s5;
	s5 =	sadd.s32 s4, s6;
	s6 =	sor.u32 $0x1C03, s31  }
0x11: {  	s10 =	sadd.s32 $0x4600, s12;
	s12 =	sadd.s32 $0x4880, s12;
	s13 =	sshrl.u32 s13, $0x3  }
0x12: {  	s7 =	sadd.s32 $0x59600, s7;
	s9 =	sadd.s32 $0xA9E00, s11;
	s11 =	sadd.s32 $0xAA080, s11  }
.LBB2_1:
0x13: {  	[spmem:s13], [sflag:s6] =	dma.local [hbm:s5], $0x2800  }
0x14: {  	_ =	swait.ge [sflag:s14], $0x2800  }
0x15: {  	[sflag:s14] =	ssyncset.done $0x0  }
0x16: {  	[sflag:s14] =	ssyncadd.s32 $0xFFFFD800  }
0x17: {  	[bflag:$0x0] =	sbarrier.arrive $0xFFFF  }
0x18: {  	[tilespmem:s3], [sflag:$0x3] =	stream.linear.gather [hbm4b:s9+s3], $0x1400, $0x38;
	[tilespmem:$0x1E880] =	vst v63  }
0x19: {  	_ =	swait.ge [sflag:s14], $0x1400  }
0x1a: {  	[sflag:s14] =	ssyncset.done $0x0  }
0x1b: {  	[sflag:s14] =	ssyncadd.s32 $0xFFFFEC00  }
0x1c: {  	[tilespmem:s15], [sflag:$0x3] =	stream.linear.gather [hbm4b:s10+s3], $0x1400, $0x38;
	[tilespmem:$0x1E880] =	vst v63  }
0x1d: {  	_ =	swait.ge [sflag:s14], $0x1400  }
0x1e: {  	[sflag:s14] =	ssyncset.done $0x0  }
0x1f: {  	[sflag:s14] =	ssyncadd.s32 $0xFFFFEC00  }
0x20: {  	[tilespmem:s17], [sflag:$0x1] =	stream.indirect.gather [hbm4b:s4+s16], $0x80, s3, s16, $0xb8;
	[tilespmem:$0x1E880] =	vst v63  }
0x21: {  	s25 =	simm.s32 $0x80  }
0x22: {  	[tilespmem:s18], [sflag:$0x2] =	stream.indirect.gather [hbm4b:s4+s16], $0x80, s25, s16, $0xb8;
	[tilespmem:$0x1E880] =	vst v63  }
0x23: {  	_ =	swait.ge [sflag:s19], $0x4000  }
0x24: {  	[sflag:s19] =	ssyncset.done $0x0  }
0x25: {  	s29 =	simm.s32 $0x1400;
	[sflag:s19] =	ssyncadd.s32 $0xFFFFC000  }
0x26: {  	[spmem:s2] =	stream.indirect.scatter.add.f32 [tilespmem:s17], [sflag:$0x3], $0x80, s29, s16, $0xb8;
	[tilespmem:$0x1E880] =	vst v63  }
0x27: {  	_ =	swait.ge [sflag:s14], $0x4000  }
0x28: {  	[sflag:s14] =	ssyncset.done $0x0  }
0x29: {  	s30 =	simm.s32 $0x100;
	[sflag:s14] =	ssyncadd.s32 $0xFFFFC000  }
0x2a: {  	[tilespmem:s17], [sflag:$0x1] =	stream.indirect.gather [hbm4b:s4+s16], $0x80, s30, s16, $0xb8;
	[tilespmem:$0x1E880] =	vst v63  }
0x2b: {  	_ =	swait.ge [sflag:s20], $0x4000  }
0x2c: {  	[sflag:s20] =	ssyncset.done $0x0  }
0x2d: {  	s31 =	simm.s32 $0x1480;
	[sflag:s20] =	ssyncadd.s32 $0xFFFFC000  }
0x2e: {  	[spmem:s2] =	stream.indirect.scatter.add.f32 [tilespmem:s18], [sflag:$0x3], $0x80, s31, s16, $0xb8;
	[tilespmem:$0x1E880] =	vst v63  }
0x2f: {  	_ =	swait.ge [sflag:s14], $0x4000  }
0x30: {  	s26 =	simm.s32 $0x800;
	s25 =	simm.s32 $0x100;
	[sflag:s14] =	ssyncset.done $0x0  }
.LBB2_2:
0x31: {  	s28 =	sadd.s32 $0x80, s25  }
0x32: {  	[sflag:s14] =	ssyncadd.s32 $0xFFFFC000;
	s29 =	smov.u32 s26;
	s30 =	sadd.s32 $0x400, s26  }
0x33: {  	[tilespmem:s18], [sflag:$0x2] =	stream.indirect.gather [hbm4b:s4+s16], $0x80, s28, s16, $0xb8;
	[tilespmem:$0x1E880] =	vst v63  }
0x34: {  	p0 =	sne.s32 s26, $0x4800;
	_ =	swait.ge [sflag:s19], $0x4000  }
0x35: {  	[sflag:s19] =	ssyncset.done $0x0  }
0x36: {  	s26 =	sadd.s32 $0x1400, s25;
	[sflag:s19] =	ssyncadd.s32 $0xFFFFC000  }
0x37: {  	[spmem:s2] =	stream.indirect.scatter.add.f32 [tilespmem:s17], [sflag:$0x3], $0x80, s26, s16, $0xb8;
	[tilespmem:$0x1E880] =	vst v63  }
0x38: {  	_ =	swait.ge [sflag:s14], $0x4000  }
0x39: {  	[sflag:s14] =	ssyncset.done $0x0  }
0x3a: {  	s26 =	sadd.s32 $0x100, s25;
	[sflag:s14] =	ssyncadd.s32 $0xFFFFC000  }
0x3b: {  	[tilespmem:s17], [sflag:$0x1] =	stream.indirect.gather [hbm4b:s4+s16], $0x80, s26, s16, $0xb8;
	[tilespmem:$0x1E880] =	vst v63  }
0x3c: {  	_ =	swait.ge [sflag:s20], $0x4000  }
.Ltmp0:
0x3d: {  	[sflag:s20] =	ssyncset.done $0x0;
	(pc) =	sbr.rel @p0 .LBB2_2-.Ltmp0, $4  }
0x3e: {  	s25 =	sadd.s32 $0x1480, s25;
	[sflag:s20] =	ssyncadd.s32 $0xFFFFC000  }
0x3f: {  	[spmem:s2] =	stream.indirect.scatter.add.f32 [tilespmem:s18], [sflag:$0x3], $0x80, s25, s16, $0xb8;
	[tilespmem:$0x1E880] =	vst v63  }
0x40: {  	_ =	swait.ge [sflag:s14], $0x4000  }
0x41: {  	s26 =	smov.u32 s30;
	s25 =	sshra.s32 s29, $0x2;
	[sflag:s14] =	ssyncset.done $0x0  }
0x42: {  	s26 =	sadd.s32 $0x80, s25;
	[sflag:s14] =	ssyncadd.s32 $0xFFFFC000  }
0x43: {  	[tilespmem:s18], [sflag:$0x2] =	stream.indirect.gather [hbm4b:s4+s16], $0x80, s26, s16, $0xb8;
	[tilespmem:$0x1E880] =	vst v63  }
0x44: {  	_ =	swait.ge [sflag:s19], $0x4000  }
0x45: {  	[sflag:s19] =	ssyncset.done $0x0  }
0x46: {  	s29 =	sadd.s32 $0x1400, s25;
	[sflag:s19] =	ssyncadd.s32 $0xFFFFC000  }
0x47: {  	[spmem:s2] =	stream.indirect.scatter.add.f32 [tilespmem:s17], [sflag:$0x3], $0x80, s29, s16, $0xb8;
	[tilespmem:$0x1E880] =	vst v63  }
0x48: {  	_ =	swait.ge [sflag:s14], $0x4000  }
0x49: {  	[sflag:s14] =	ssyncset.done $0x0  }
0x4a: {  	s30 =	sadd.s32 $0x100, s25;
	[sflag:s14] =	ssyncadd.s32 $0xFFFFC000  }
0x4b: {  	[tilespmem:s17], [sflag:$0x1] =	stream.indirect.gather [hbm4b:s4+s16], $0x80, s30, s16, $0xb8;
	[tilespmem:$0x1E880] =	vst v63  }
0x4c: {  	_ =	swait.ge [sflag:s20], $0x4000  }
0x4d: {  	[sflag:s20] =	ssyncset.done $0x0  }
0x4e: {  	s31 =	sadd.s32 $0x1480, s25;
	[sflag:s20] =	ssyncadd.s32 $0xFFFFC000  }
0x4f: {  	[spmem:s2] =	stream.indirect.scatter.add.f32 [tilespmem:s18], [sflag:$0x3], $0x80, s31, s16, $0xb8;
	[tilespmem:$0x1E880] =	vst v63  }
0x50: {  	_ =	swait.ge [sflag:s14], $0x4000  }
0x51: {  	[sflag:s14] =	ssyncset.done $0x0  }
0x52: {  	[sflag:s14] =	ssyncadd.s32 $0xFFFFC000  }
0x53: {  	[tilespmem:s18], [sflag:$0x2] =	stream.indirect.gather [hbm4b:s4+s16], $0x80, s21, s16, $0xb8;
	[tilespmem:$0x1E880] =	vst v63  }
0x54: {  	_ =	swait.ge [sflag:s19], $0x4000  }
0x55: {  	[sflag:s19] =	ssyncset.done $0x0  }
0x56: {  	[sflag:s19] =	ssyncadd.s32 $0xFFFFC000  }
0x57: {  	[spmem:s2] =	stream.indirect.scatter.add.f32 [tilespmem:s17], [sflag:$0x3], $0x80, s22, s16, $0xb8;
	[tilespmem:$0x1E880] =	vst v63  }
0x58: {  	_ =	swait.ge [sflag:s14], $0x4000  }
0x59: {  	[sflag:s14] =	ssyncset.done $0x0  }
0x5a: {  	[sflag:s14] =	ssyncadd.s32 $0xFFFFC000  }
0x5b: {  	_ =	swait.ge [sflag:s20], $0x4000  }
0x5c: {  	[sflag:s20] =	ssyncset.done $0x0  }
0x5d: {  	[sflag:s20] =	ssyncadd.s32 $0xFFFFC000  }
0x5e: {  	[spmem:s2] =	stream.indirect.scatter.add.f32 [tilespmem:s18], [sflag:$0x3], $0x80, s23, s16, $0xb8;
	[tilespmem:$0x1E880] =	vst v63  }
0x5f: {  	_ =	swait.ge [sflag:s14], $0x4000  }
0x60: {  	[sflag:s14] =	ssyncset.done $0x0  }
0x61: {  	s26 =	simm.s32 $0x0;
	[sflag:s14] =	ssyncadd.s32 $0xFFFFC000  }
0x62: {  	[tilespmem:s26], [sflag:$0x3] =	stream.linear.gather [hbm4b:s11+s26], $0x1400, $0x38;
	[tilespmem:$0x1E880] =	vst v63  }
0x63: {  	_ =	swait.ge [sflag:s14], $0x1400  }
0x64: {  	[sflag:s14] =	ssyncset.done $0x0  }
0x65: {  	[sflag:s14] =	ssyncadd.s32 $0xFFFFEC00  }
0x66: {  	[tilespmem:s15], [sflag:$0x3] =	stream.linear.gather [hbm4b:s12+s26], $0x1400, $0x38;
	[tilespmem:$0x1E880] =	vst v63  }
0x67: {  	_ =	swait.ge [sflag:s14], $0x1400  }
0x68: {  	[sflag:s14] =	ssyncset.done $0x0  }
0x69: {  	[sflag:s14] =	ssyncadd.s32 $0xFFFFEC00  }
0x6a: {  	[tilespmem:s17], [sflag:$0x1] =	stream.indirect.gather [hbm4b:s4+s16], $0x80, s26, s16, $0xb8;
	[tilespmem:$0x1E880] =	vst v63  }
0x6b: {  	s28 =	simm.s32 $0x80  }
0x6c: {  	[tilespmem:s18], [sflag:$0x2] =	stream.indirect.gather [hbm4b:s4+s16], $0x80, s28, s16, $0xb8;
	[tilespmem:$0x1E880] =	vst v63  }
0x6d: {  	_ =	swait.ge [sflag:s19], $0x4000  }
0x6e: {  	[sflag:s19] =	ssyncset.done $0x0  }
0x6f: {  	s29 =	simm.s32 $0x1400;
	[sflag:s19] =	ssyncadd.s32 $0xFFFFC000  }
0x70: {  	[spmem:s2] =	stream.indirect.scatter.add.f32 [tilespmem:s17], [sflag:$0x3], $0x80, s29, s16, $0xb8;
	[tilespmem:$0x1E880] =	vst v63  }
0x71: {  	_ =	swait.ge [sflag:s14], $0x4000  }
0x72: {  	[sflag:s14] =	ssyncset.done $0x0  }
0x73: {  	s30 =	simm.s32 $0x100;
	[sflag:s14] =	ssyncadd.s32 $0xFFFFC000  }
0x74: {  	[tilespmem:s17], [sflag:$0x1] =	stream.indirect.gather [hbm4b:s4+s16], $0x80, s30, s16, $0xb8;
	[tilespmem:$0x1E880] =	vst v63  }
0x75: {  	_ =	swait.ge [sflag:s20], $0x4000  }
0x76: {  	[sflag:s20] =	ssyncset.done $0x0  }
0x77: {  	s31 =	simm.s32 $0x1480;
	[sflag:s20] =	ssyncadd.s32 $0xFFFFC000  }
0x78: {  	[spmem:s2] =	stream.indirect.scatter.add.f32 [tilespmem:s18], [sflag:$0x3], $0x80, s31, s16, $0xb8;
	[tilespmem:$0x1E880] =	vst v63  }
0x79: {  	_ =	swait.ge [sflag:s14], $0x4000  }
0x7a: {  	s25 =	simm.s32 $0x100;
	s26 =	simm.s32 $0x800;
	[sflag:s14] =	ssyncset.done $0x0  }
.LBB2_4:
0x7b: {  	s28 =	sadd.s32 $0x80, s25  }
0x7c: {  	[sflag:s14] =	ssyncadd.s32 $0xFFFFC000;
	s29 =	smov.u32 s26;
	s30 =	sadd.s32 $0x400, s26  }
0x7d: {  	[tilespmem:s18], [sflag:$0x2] =	stream.indirect.gather [hbm4b:s4+s16], $0x80, s28, s16, $0xb8;
	[tilespmem:$0x1E880] =	vst v63  }
0x7e: {  	p0 =	sne.s32 s26, $0x4800;
	_ =	swait.ge [sflag:s19], $0x4000  }
0x7f: {  	[sflag:s19] =	ssyncset.done $0x0  }
0x80: {  	s26 =	sadd.s32 $0x1400, s25;
	[sflag:s19] =	ssyncadd.s32 $0xFFFFC000  }
0x81: {  	[spmem:s2] =	stream.indirect.scatter.add.f32 [tilespmem:s17], [sflag:$0x3], $0x80, s26, s16, $0xb8;
	[tilespmem:$0x1E880] =	vst v63  }
0x82: {  	_ =	swait.ge [sflag:s14], $0x4000  }
0x83: {  	[sflag:s14] =	ssyncset.done $0x0  }
0x84: {  	s26 =	sadd.s32 $0x100, s25;
	[sflag:s14] =	ssyncadd.s32 $0xFFFFC000  }
0x85: {  	[tilespmem:s17], [sflag:$0x1] =	stream.indirect.gather [hbm4b:s4+s16], $0x80, s26, s16, $0xb8;
	[tilespmem:$0x1E880] =	vst v63  }
0x86: {  	_ =	swait.ge [sflag:s20], $0x4000  }
.Ltmp1:
0x87: {  	[sflag:s20] =	ssyncset.done $0x0;
	(pc) =	sbr.rel @p0 .LBB2_4-.Ltmp1, $4  }
0x88: {  	s25 =	sadd.s32 $0x1480, s25;
	[sflag:s20] =	ssyncadd.s32 $0xFFFFC000  }
0x89: {  	[spmem:s2] =	stream.indirect.scatter.add.f32 [tilespmem:s18], [sflag:$0x3], $0x80, s25, s16, $0xb8;
	[tilespmem:$0x1E880] =	vst v63  }
0x8a: {  	_ =	swait.ge [sflag:s14], $0x4000  }
0x8b: {  	s26 =	smov.u32 s30;
	s25 =	sshra.s32 s29, $0x2;
	[sflag:s14] =	ssyncset.done $0x0  }
0x8c: {  	s26 =	sadd.s32 $0x80, s25;
	[sflag:s14] =	ssyncadd.s32 $0xFFFFC000  }
0x8d: {  	[tilespmem:s18], [sflag:$0x2] =	stream.indirect.gather [hbm4b:s4+s16], $0x80, s26, s16, $0xb8;
	[tilespmem:$0x1E880] =	vst v63  }
0x8e: {  	_ =	swait.ge [sflag:s19], $0x4000  }
0x8f: {  	[sflag:s19] =	ssyncset.done $0x0  }
0x90: {  	s29 =	sadd.s32 $0x1400, s25;
	[sflag:s19] =	ssyncadd.s32 $0xFFFFC000  }
0x91: {  	[spmem:s2] =	stream.indirect.scatter.add.f32 [tilespmem:s17], [sflag:$0x3], $0x80, s29, s16, $0xb8;
	[tilespmem:$0x1E880] =	vst v63  }
0x92: {  	_ =	swait.ge [sflag:s14], $0x4000  }
0x93: {  	[sflag:s14] =	ssyncset.done $0x0  }
0x94: {  	s30 =	sadd.s32 $0x100, s25;
	[sflag:s14] =	ssyncadd.s32 $0xFFFFC000  }
0x95: {  	[tilespmem:s17], [sflag:$0x1] =	stream.indirect.gather [hbm4b:s4+s16], $0x80, s30, s16, $0xb8;
	[tilespmem:$0x1E880] =	vst v63  }
0x96: {  	_ =	swait.ge [sflag:s20], $0x4000  }
0x97: {  	[sflag:s20] =	ssyncset.done $0x0  }
0x98: {  	s31 =	sadd.s32 $0x1480, s25;
	[sflag:s20] =	ssyncadd.s32 $0xFFFFC000  }
0x99: {  	[spmem:s2] =	stream.indirect.scatter.add.f32 [tilespmem:s18], [sflag:$0x3], $0x80, s31, s16, $0xb8;
	[tilespmem:$0x1E880] =	vst v63  }
0x9a: {  	_ =	swait.ge [sflag:s14], $0x4000  }
0x9b: {  	[sflag:s14] =	ssyncset.done $0x0  }
0x9c: {  	[sflag:s14] =	ssyncadd.s32 $0xFFFFC000  }
0x9d: {  	[tilespmem:s18], [sflag:$0x2] =	stream.indirect.gather [hbm4b:s4+s16], $0x80, s21, s16, $0xb8;
	[tilespmem:$0x1E880] =	vst v63  }
0x9e: {  	_ =	swait.ge [sflag:s19], $0x4000  }
0x9f: {  	[sflag:s19] =	ssyncset.done $0x0  }
0xa0: {  	[sflag:s19] =	ssyncadd.s32 $0xFFFFC000  }
0xa1: {  	[spmem:s2] =	stream.indirect.scatter.add.f32 [tilespmem:s17], [sflag:$0x3], $0x80, s22, s16, $0xb8;
	[tilespmem:$0x1E880] =	vst v63  }
0xa2: {  	_ =	swait.ge [sflag:s14], $0x4000  }
0xa3: {  	[sflag:s14] =	ssyncset.done $0x0  }
0xa4: {  	[sflag:s14] =	ssyncadd.s32 $0xFFFFC000  }
0xa5: {  	_ =	swait.ge [sflag:s20], $0x4000  }
0xa6: {  	[sflag:s20] =	ssyncset.done $0x0  }
0xa7: {  	[sflag:s20] =	ssyncadd.s32 $0xFFFFC000  }
0xa8: {  	[spmem:s2] =	stream.indirect.scatter.add.f32 [tilespmem:s18], [sflag:$0x3], $0x80, s23, s16, $0xb8;
	[tilespmem:$0x1E880] =	vst v63  }
0xa9: {  	_ =	swait.ge [sflag:s14], $0x4000  }
0xaa: {  	s24 =	sadd.s32 $0x1, s24;
	[sflag:s14] =	ssyncset.done $0x0  }
0xab: {  	p0 =	sne.s32 s24, s8;
	[sflag:s14] =	ssyncadd.s32 $0xFFFFC000  }
.Ltmp2:
0xac: {  	[bflag:$0x0] =	sbarrier.arrive $0xFFFF;
	(pc) =	sbr.rel @p0 .LBB2_1-.Ltmp2, $4  }
0xad: {  	[hbm:s7], [sflag:s6] =	dma.local [spmem:s13], $0x2800  }
0xae: {  	_ =	swait.ge [sflag:s14], $0x2800  }
0xaf: {  	[sflag:s14] =	ssyncset.done $0x0  }
0xb0: {  	[sflag:s14] =	ssyncadd.s32 $0xFFFFD800  }
0xb1: {  	_ =	sfence.sel $0x180000  }
0xb2: {  	[bflag:$0x0] =	sbarrier.arrive $0xFFFF  }
0xb3: {  	p0 =	sne.s32 s0, $0x0;
	_ =	strace $0x90000050  }
0xb4: {  	s0 =	sadd.s32 @!p0 $0x100000, s1;
	[bflag:$0x2] =	sbarrier.arrive $0xFFFF  }
0xb5: {  	[sflag:s0] =	ssyncadd.tile.s32 @!p0 $0x1;
	_ =	shalt  }
.Lfunc_end2:
_tile_overlayer_lowered:
.L_overlay_start_2:
0xb6: {  	(tag) =	ssettag $0x2  }
0xb7: {  	s0 =	rddreg [dreg:$0x0];
	s2 =	stileid.u32  }
0xb8: {  	s1 =	rddreg [dreg:$0x1];
	p0 =	sne.s32 s2, $0x0  }
0xb9: {  	s3 =	rddreg [dreg:$0x2];
	[bflag:$0x3] =	sbarrier.arrive $0xFFFF;
	s2 =	simm.s32 @!p0 $0x1C03  }
0xba: {  	[timem:s3], [sflag:s2] =	dma.local @!p0 [hbm:s0], s1  }
0xbb: {  	s0 =	simm.s32 @!p0 $0x3  }
0xbc: {  	_ =	swait.ge @!p0 [sflag:s0], s1  }
0xbd: {  	s1 =	ssub.s32 @!p0 $0x0, s1;
	[sflag:s0] =	ssyncset.done @!p0 $0x0  }
0xbe: {  	[sflag:s0] =	ssyncadd.s32 @!p0 s1  }
0xbf: {  	[bflag:$0x3] =	sbarrier.arrive $0xFFFF  }
0xc0: {  	_ =	shalt  }

// kernel: kernel.25.cloned.1.call-start
scs
__scs_entry_jumppad:
0x0: {  	(pc) =	sbr.rel $0x88, $3  }
0x1: {  	(tag) =	ssettag $0x0;
	lr =	simm.s32 $0x1  }
0x2: {  	[smem:$0x3F8F] =	sst lr;
	_ =	strace $0xD0000000  }
0x3: {  	_ = 	snop  }
0x4: {  	_ = 	snop  }
0x5: {  	_ = 	snop  }
0x6: {  	_ = 	snop  }
0x7: {  	_ = 	snop  }
__scs_overlays_trampoline_lowered:
0x8: {  	[smem:$0x3F9E] =	sst s0  }
0x9: {  	[smem:$0x3F9F] =	sst s1  }
0xa: {  	[smem:$0x3FA0] =	sst s2  }
0xb: {  	[smem:$0x3FA1] =	sst s3  }
0xc: {  	[smem:$0x3FA2] =	sst s4  }
0xd: {  	[smem:$0x3FA3] =	sst s5  }
0xe: {  	[smem:$0x3FA4] =	sst s6  }
0xf: {  	[smem:$0x3FA5] =	sst s7  }
0x10: {  	[smem:$0x3FA6] =	sst s8  }
0x11: {  	[smem:$0x3FA7] =	sst s9;
	s0 =	simm.s32 @!p0 $0x0  }
0x12: {  	s1 =	sld [smem:$0x3F8D];
	s0 =	simm.s32 @p0 $0x1  }
0x13: {  	[smem:$0x3FA8] =	sst s0;
	s0 =	simm.s32 @!p1 $0x0  }
0x14: {  	s2 =	sld [smem:$0x3F8C];
	s0 =	simm.s32 @p1 $0x1  }
0x15: {  	[smem:$0x3FA9] =	sst s0;
	s0 =	simm.s32 @!p2 $0x0  }
0x16: {  	s3 =	sld [smem:$0x3FDB];
	s0 =	simm.s32 @p2 $0x1  }
0x17: {  	s4 =	simm.s32 $0x1BF5;
	[smem:$0x3FAB] =	sst s0  }
0x18: {  	s0 =	sld [smem:$0x3F8E];
	_ =	swait.ge [sflag:s4], $0x0  }
0x19: {  	s7 =	sld [smem:$0x3F8F]  }
0x1a: {  	s8 =	sadd.s32 $0xFFFFE003, lr  }
0x1b: {  	s9 =	sadd.s32 $0xFFFFFEF7, lr;
	s5 =	simm.s32 $0xFFFFFFFF;
	p2 =	slt.u32 s8, $0xFFFFF086  }
0x1c: {  	p1 =	slt.u32 s9, $0xF7A;
	s5 =	simm.s32 @!p2 $0x0  }
0x1d: {  	s5 =	simm.s32 @p1 $0x1;
	p0 =	seq.s32 s7, s2  }
0x1e: {  	s7 =	smul.u32 @!p0 $0xF7A, s2;
	p2 =	seq.s32 @!p0 s5, $0x0  }
0x1f: {  	s9 =	smul.u32 $0xF7A, s1;
	s8 =	simm.s32 @!p0 $0x1BF5;
	p2 =	por !p2, p0  }
0x20: {  	[sflag:s8] =	ssyncset.s32 @!p0 $0xFFFFF086;
	s6 =	sadd.s32 @!p0 s3, s7;
	s7 =	simm.s32 @!p0 $0x108  }
0x21: {  	s3 =	sadd.s32 s3, s9;
	s6 =	sadd.s32 @!p0 $0x88, s6;
	s7 =	simm.s32 @p2 $0x1082  }
0x22: {  	[simem:s7], [sflag:s8] =	dma.local @!p0 [hbm:s6], $0xF7A  }
0x23: {  	s9 =	sor.u32 $0xD0000000, s2;
	s6 =	simm.s32 $0x108;
	_ =	swait.ge @!p0 [sflag:s8], $0x0  }
0x24: {  	s3 =	sadd.s32 $0x88, s3;
	s6 =	simm.s32 @!p1 $0x1082;
	[sflag:s4] =	ssyncset.s32 $0xFFFFF086  }
0x25: {  	[simem:s6], [sflag:s4] =	dma.local [hbm:s3], $0xF7A  }
0x26: {  	[smem:$0x3F8F] =	sst s1;
	(tag) =	ssettag s2;
	_ =	strace s9  }
0x27: {  	s1 =	sld [smem:$0x3F9F]  }
0x28: {  	s2 =	sld [smem:$0x3FA0]  }
0x29: {  	s4 =	sld [smem:$0x3FA2]  }
0x2a: {  	p0 =	seq.s32 s5, $0x0;
	s5 =	sld [smem:$0x3FA3]  }
0x2b: {  	s6 =	sld [smem:$0x3FA4]  }
0x2c: {  	s7 =	sld [smem:$0x3FA5]  }
0x2d: {  	s3 =	simm.s32 $0x108;
	s8 =	sld [smem:$0x3FA6]  }
0x2e: {  	s3 =	simm.s32 @!p0 $0x1082;
	s9 =	sld [smem:$0x3FA7]  }
0x2f: {  	lr =	sadd.s32 s0, s3;
	s0 =	sld [smem:$0x3F9E]  }
0x30: {  	s3 =	sld [smem:$0x3FA1]  }
0x31: {  	[smem:$0x3FAA] =	sst s10  }
0x32: {  	s10 =	sld [smem:$0x3FA8];
	_ =	sdelay $0x3  }
0x33: {  	p0 =	seq.s32 s10, $0x1;
	s10 =	sld [smem:$0x3FAA];
	_ =	sdelay $0x3  }
0x34: {  	[smem:$0x3FAA] =	sst s10  }
0x35: {  	s10 =	sld [smem:$0x3FA9];
	_ =	sdelay $0x3  }
0x36: {  	p1 =	seq.s32 s10, $0x1;
	s10 =	sld [smem:$0x3FAA];
	_ =	sdelay $0x3  }
0x37: {  	[smem:$0x3FAA] =	sst s10  }
0x38: {  	s10 =	sld [smem:$0x3FAB]  }
0x39: {  	_ = 	snop;
	(pc) =	sbr.ind lr, $3  }
0x3a: {  	_ = 	snop  }
0x3b: {  	_ = 	snop  }
0x3c: {  	p2 =	seq.s32 s10, $0x1;
	s10 =	sld [smem:$0x3FAA]  }
0x3d: {  	_ =	shalt  }
0x3e: {  	_ =	shalt  }
0x3f: {  	_ =	shalt  }
0x40: {  	_ =	shalt  }
0x41: {  	_ =	shalt  }
0x42: {  	_ =	shalt  }
0x43: {  	_ =	shalt  }
0x44: {  	_ =	shalt  }
0x45: {  	_ =	shalt  }
0x46: {  	_ =	shalt  }
0x47: {  	_ =	shalt  }
0x48: {  	_ =	shalt  }
0x49: {  	_ =	shalt  }
0x4a: {  	_ =	shalt  }
0x4b: {  	_ =	shalt  }
0x4c: {  	_ =	shalt  }
0x4d: {  	_ =	shalt  }
0x4e: {  	_ =	shalt  }
0x4f: {  	_ =	shalt  }
0x50: {  	_ =	shalt  }
0x51: {  	_ =	shalt  }
0x52: {  	_ =	shalt  }
0x53: {  	_ =	shalt  }
0x54: {  	_ =	shalt  }
0x55: {  	_ =	shalt  }
0x56: {  	_ =	shalt  }
0x57: {  	_ =	shalt  }
0x58: {  	_ =	shalt  }
0x59: {  	_ =	shalt  }
0x5a: {  	_ =	shalt  }
0x5b: {  	_ =	shalt  }
0x5c: {  	_ =	shalt  }
0x5d: {  	_ =	shalt  }
0x5e: {  	_ =	shalt  }
0x5f: {  	_ =	shalt  }
0x60: {  	_ =	shalt  }
0x61: {  	_ =	shalt  }
0x62: {  	_ =	shalt  }
0x63: {  	_ =	shalt  }
0x64: {  	_ =	shalt  }
0x65: {  	_ =	shalt  }
0x66: {  	_ =	shalt  }
0x67: {  	_ =	shalt  }
0x68: {  	_ =	shalt  }
0x69: {  	_ =	shalt  }
0x6a: {  	_ =	shalt  }
0x6b: {  	_ =	shalt  }
0x6c: {  	_ =	shalt  }
0x6d: {  	_ =	shalt  }
0x6e: {  	_ =	shalt  }
0x6f: {  	_ =	shalt  }
0x70: {  	_ =	shalt  }
0x71: {  	_ =	shalt  }
0x72: {  	_ =	shalt  }
0x73: {  	_ =	shalt  }
0x74: {  	_ =	shalt  }
0x75: {  	_ =	shalt  }
0x76: {  	_ =	shalt  }
0x77: {  	_ =	shalt  }
0x78: {  	_ =	shalt  }
0x79: {  	_ =	shalt  }
0x7a: {  	_ =	shalt  }
0x7b: {  	_ =	shalt  }
0x7c: {  	_ =	shalt  }
0x7d: {  	_ =	shalt  }
0x7e: {  	_ =	shalt  }
0x7f: {  	_ =	shalt  }
0x80: {  	_ =	shalt  }
0x81: {  	_ =	shalt  }
0x82: {  	_ =	shalt  }
0x83: {  	_ =	shalt  }
0x84: {  	_ =	shalt  }
0x85: {  	_ =	shalt  }
0x86: {  	_ =	shalt  }
0x87: {  	_ =	shalt  }
.Lfunc_end0:
.L_simem_size_0:
called_computation.4_lowered:
.L_overlay_start_0:
0x88: {  	s2 =	sld [smem:$0x3FD9]  }
0x89: {  	s3 =	sld [smem:$0x3FFE];
	_ =	sdelay $0x1  }
0x8a: {  	s1 =	srdreg.scid  }
0x8b: {  	s0 =	sand.u32 $0x1, s1  }
0x8c: {  	s16 =	sshll.u32 s0, $0xA;
	s2 =	sadd.s32 s3, s2  }
0x8d: {  	s2 =	sadd.s32 s2, s16  }
0x8e: {  	[smem:$0x3FB6] =	sst s2  }
0x8f: {  	_ = 	snop  }
0x90: {  	(tm) =	ssettm $0x1  }
0x91: {  	s17 =	sld [smem:$0x3FFB];
	_ =	sdelay $0x3  }
0x92: {  	_ =	strace s17  }
0x93: {  	s2 =	sld [smem:$0x3FFC];
	_ =	sdelay $0x3  }
0x94: {  	_ =	strace s2  }
0x95: {  	s2 =	sld [smem:$0x3FFD];
	_ =	sdelay $0x3  }
0x96: {  	_ =	strace s2  }
0x97: {  	_ =	strace $0x8FFFFFFF  }
0x98: {  	s18 =	sld [smem:$0x3FDB];
	_ =	sdelay $0x1  }
0x99: {  	s19 =	simm.s32 $_scs_section_size  }
0x9a: {  	s4 =	simm.s32 $_size__tile_overlayer_lowered;
	s5 =	simm.s32 $_tile_overlayer_lowered  }
0x9b: {  	s22 =	simm.s32 $0x1BFF;
	s21 =	sshll.u32 s5, $0x1;
	s2 =	sadd.s32 s19, s18  }
0x9c: {  	s6 =	simm.s32 $0x0;
	s20 =	sshll.u32 s4, $0x1;
	s4 =	sadd.s32 s21, s2  }
0x9d: {  	[timem:s6], [sflag:s22] =	dma.local [hbm:s4], s20  }
0x9e: {  	_ =	swait.ge [sflag:s22], s20  }
0x9f: {  	s3 =	ssub.s32 $0x0, s20;
	[sflag:s22] =	ssyncset.done $0x0  }
0xa0: {  	[sflag:s22] =	ssyncadd.s32 s3;
	_ =	sdelay $0x1  }
0xa1: {  	s23 =	simm.s32 $0x1B8B  }
0xa2: {  	_ =	swait.ge [sflag:s23], $0x1  }
0xa3: {  	[sflag:s23] =	ssyncset.done $0x0  }
0xa4: {  	s25 =	simm.s32 $0x1B8E;
	s24 =	sld [smem:$0x3FFE];
	[sflag:s23] =	ssyncadd.s32 $0xFFFFFFFF  }
0xa5: {  	s26 =	simm.s32 $execute0_lowered;
	[smem:$0x3FD2] =	sst s25  }
0xa6: {  	s4 =	sshll.u32 s26, $0x1;
	_ =	strace $0x80000052;
	[dreg:$0x1] =	wrdreg $0xFFFFFFFF  }
0xa7: {  	s28 =	simm.s32 $_size_execute0_lowered;
	s2 =	sadd.s32 s2, s4;
	[dreg:$0x0] =	wrdreg $0x0  }
0xa8: {  	s4 =	sshll.u32 s28, $0x1;
	[dreg:$0x2] =	wrdreg s2  }
0xa9: {  	[dreg:$0x3] =	wrdreg s4  }
0xaa: {  	[dreg:$0x4] =	wrdreg $0xC0  }
0xab: {  	_ =	task [dreg:s6], $0x5FFFF  }
0xac: {  	[dreg:$0x1] =	wrdreg $0xFFFFFFFF  }
0xad: {  	[dreg:$0x0] =	wrdreg $0x60  }
0xae: {  	[dreg:$0x2] =	wrdreg s24  }
0xaf: {  	[dreg:$0x3] =	wrdreg $0xA8000  }
0xb0: {  	[dreg:$0x4] =	wrdreg $0x9  }
0xb1: {  	_ =	task.clear_ibuf [dreg:s6], $0x5FFFF;
	_ =	strace $0x90000052  }
0xb2: {  	s29 =	simm.s32 $0x9;
	_ =	strace $0x80000054  }
0xb3: {  	_ =	swait.ge [sflag:s29], $0x1  }
0xb4: {  	[sflag:s29] =	ssyncadd.s32 $0xFFFFFFFF  }
0xb5: {  	_ =	strace $0x90000054  }
0xb6: {  	_ =	sfence  }
0xb7: {  	s30 =	sld [smem:$0x0];
	_ =	sdelay $0x2  }
0xb8: {  	s31 =	sshll.u32 s1, $0xD;
	s1 =	sshrl.u32 s1, $0x2  }
0xb9: {  	s3 =	sand.u32 $0x4000, s31;
	s1 =	sadd.s32 s1, s30  }
0xba: {  	s0 =	sor.u32 s3, s0;
	s1 =	sshll.u32 s1, $0x11  }
0xbb: {  	s0 =	sor.u32 s1, s0  }
0xbc: {  	s0 =	sadd.s32 $0x8F2B, s0  }
0xbd: {  	[sflag:s0] =	ssyncadd.remote.s32 $0x1  }
0xbe: {  	_ =	sfence.sel $0xFFFF  }
0xbf: {  	[dreg:$0x0] =	wrdreg $0xFFFFFFFF;
	(pc) =	sbr.abs _section_cstart, $3  }
0xc0: {  	[dreg:$0x1] =	wrdreg $0xFFFFFFFF  }
0xc1: {  	_ =	task.clear_ibuf [dreg:s6], $0x2FFFF;
	_ =	strace $0x9FFFFFFF  }
0xc2: {  	(tm) =	ssettm $0x7FFFFFFF  }
0xc3: {  	_ =	shalt  }
tec
execute0_lowered:
.L_overlay_start_1:
0x0: {  	(tag) =	ssettag $0x1  }
0x1: {  	s5 =	rddreg [dreg:$0x0]  }
0x2: {  	s2 =	rddreg [dreg:$0x1]  }
0x3: {  	s0 =	srdreg.scid;
	s1 =	rddreg [dreg:$0x2]  }
0x4: {  	s3 =	simm.s32 $0x0;
	s14 =	simm.s32 $0x3;
	s15 =	simm.s32 $0x1400  }
0x5: {  	s16 =	simm.s32 $0x80;
	s17 =	simm.s32 $0x2800;
	s18 =	simm.s32 $0x6800  }
0x6: {  	s19 =	simm.s32 $0x1;
	s20 =	simm.s32 $0x2;
	s4 =	sand.u32 $0x1, s0  }
0x7: {  	s21 =	simm.s32 $0x1380;
	s0 =	stileid.u32;
	s6 =	smul.u32 $0x28000, s4  }
0x8: {  	s22 =	simm.s32 $0x2700;
	s23 =	simm.s32 $0x2780;
	s7 =	smul.u32 $0x2800, s0  }
0x9: {  	s24 =	simm.s32 $0x0;
	[smem:$0x7FF] =	sst s3;
	s8 =	smul.u32 $0x140000, s4  }
0xa: {  	s9 =	smul.u32 $0x14000, s0;
	_ =	strace $0x80000053;
	s26 =	ssub.s32 $0x2, s4  }
0xb: {  	s28 =	smul.u32 $0x50000, s0;
	s4 =	sadd.s32 $0x9600, s5;
	s31 =	sshll.u32 s0, $0x6  }
0xc: {  	s29 =	sshrl.u32 s26, $0x1;
	s6 =	sadd.s32 s7, s6;
	s7 =	sshrl.u32 s7, $0x3  }
0xd: {  	s25 =	sadd.s32 s9, s8;
	s8 =	ssub.s32 s26, s29;
	s30 =	sshrl.u32 s28, $0x2  }
0xe: {  	s10 =	sshrl.u32 s6, $0x3;
	s12 =	sadd.s32 s7, s5;
	s7 =	sshrl.u32 s25, $0x3  }
0xf: {  	s13 =	sadd.s32 s30, s2;
	s8 =	smax.u32 s8, $0x1;
	s11 =	sadd.s32 s10, s5  }
0x10: {  	s7 =	sadd.s32 s7, s5;
	s5 =	sadd.s32 s4, s6;
	s6 =	sor.u32 $0x1C03, s31  }
0x11: {  	s10 =	sadd.s32 $0x4600, s12;
	s12 =	sadd.s32 $0x4880, s12;
	s13 =	sshrl.u32 s13, $0x3  }
0x12: {  	s7 =	sadd.s32 $0x59600, s7;
	s9 =	sadd.s32 $0xA9E00, s11;
	s11 =	sadd.s32 $0xAA080, s11  }
.LBB2_1:
0x13: {  	[spmem:s13], [sflag:s6] =	dma.local [hbm:s5], $0x2800  }
0x14: {  	_ =	swait.ge [sflag:s14], $0x2800  }
0x15: {  	[sflag:s14] =	ssyncset.done $0x0  }
0x16: {  	[sflag:s14] =	ssyncadd.s32 $0xFFFFD800  }
0x17: {  	[bflag:$0x0] =	sbarrier.arrive $0xFFFF  }
0x18: {  	[tilespmem:s3], [sflag:$0x3] =	stream.linear.gather [hbm4b:s9+s3], $0x1400, $0x38;
	[tilespmem:$0x1E880] =	vst v63  }
0x19: {  	_ =	swait.ge [sflag:s14], $0x1400  }
0x1a: {  	[sflag:s14] =	ssyncset.done $0x0  }
0x1b: {  	[sflag:s14] =	ssyncadd.s32 $0xFFFFEC00  }
0x1c: {  	[tilespmem:s15], [sflag:$0x3] =	stream.linear.gather [hbm4b:s10+s3], $0x1400, $0x38;
	[tilespmem:$0x1E880] =	vst v63  }
0x1d: {  	_ =	swait.ge [sflag:s14], $0x1400  }
0x1e: {  	[sflag:s14] =	ssyncset.done $0x0  }
0x1f: {  	[sflag:s14] =	ssyncadd.s32 $0xFFFFEC00  }
0x20: {  	[tilespmem:s17], [sflag:$0x1] =	stream.indirect.gather [hbm4b:s4+s16], $0x80, s3, s16, $0xb8;
	[tilespmem:$0x1E880] =	vst v63  }
0x21: {  	s25 =	simm.s32 $0x80  }
0x22: {  	[tilespmem:s18], [sflag:$0x2] =	stream.indirect.gather [hbm4b:s4+s16], $0x80, s25, s16, $0xb8;
	[tilespmem:$0x1E880] =	vst v63  }
0x23: {  	_ =	swait.ge [sflag:s19], $0x4000  }
0x24: {  	[sflag:s19] =	ssyncset.done $0x0  }
0x25: {  	s29 =	simm.s32 $0x1400;
	[sflag:s19] =	ssyncadd.s32 $0xFFFFC000  }
0x26: {  	[spmem:s2] =	stream.indirect.scatter.add.f32 [tilespmem:s17], [sflag:$0x3], $0x80, s29, s16, $0xb8;
	[tilespmem:$0x1E880] =	vst v63  }
0x27: {  	_ =	swait.ge [sflag:s14], $0x4000  }
0x28: {  	[sflag:s14] =	ssyncset.done $0x0  }
0x29: {  	s30 =	simm.s32 $0x100;
	[sflag:s14] =	ssyncadd.s32 $0xFFFFC000  }
0x2a: {  	[tilespmem:s17], [sflag:$0x1] =	stream.indirect.gather [hbm4b:s4+s16], $0x80, s30, s16, $0xb8;
	[tilespmem:$0x1E880] =	vst v63  }
0x2b: {  	_ =	swait.ge [sflag:s20], $0x4000  }
0x2c: {  	[sflag:s20] =	ssyncset.done $0x0  }
0x2d: {  	s31 =	simm.s32 $0x1480;
	[sflag:s20] =	ssyncadd.s32 $0xFFFFC000  }
0x2e: {  	[spmem:s2] =	stream.indirect.scatter.add.f32 [tilespmem:s18], [sflag:$0x3], $0x80, s31, s16, $0xb8;
	[tilespmem:$0x1E880] =	vst v63  }
0x2f: {  	_ =	swait.ge [sflag:s14], $0x4000  }
0x30: {  	s26 =	simm.s32 $0x800;
	s25 =	simm.s32 $0x100;
	[sflag:s14] =	ssyncset.done $0x0  }
.LBB2_2:
0x31: {  	s28 =	sadd.s32 $0x80, s25  }
0x32: {  	[sflag:s14] =	ssyncadd.s32 $0xFFFFC000;
	s29 =	smov.u32 s26;
	s30 =	sadd.s32 $0x400, s26  }
0x33: {  	[tilespmem:s18], [sflag:$0x2] =	stream.indirect.gather [hbm4b:s4+s16], $0x80, s28, s16, $0xb8;
	[tilespmem:$0x1E880] =	vst v63  }
0x34: {  	p0 =	sne.s32 s26, $0x4800;
	_ =	swait.ge [sflag:s19], $0x4000  }
0x35: {  	[sflag:s19] =	ssyncset.done $0x0  }
0x36: {  	s26 =	sadd.s32 $0x1400, s25;
	[sflag:s19] =	ssyncadd.s32 $0xFFFFC000  }
0x37: {  	[spmem:s2] =	stream.indirect.scatter.add.f32 [tilespmem:s17], [sflag:$0x3], $0x80, s26, s16, $0xb8;
	[tilespmem:$0x1E880] =	vst v63  }
0x38: {  	_ =	swait.ge [sflag:s14], $0x4000  }
0x39: {  	[sflag:s14] =	ssyncset.done $0x0  }
0x3a: {  	s26 =	sadd.s32 $0x100, s25;
	[sflag:s14] =	ssyncadd.s32 $0xFFFFC000  }
0x3b: {  	[tilespmem:s17], [sflag:$0x1] =	stream.indirect.gather [hbm4b:s4+s16], $0x80, s26, s16, $0xb8;
	[tilespmem:$0x1E880] =	vst v63  }
0x3c: {  	_ =	swait.ge [sflag:s20], $0x4000  }
.Ltmp0:
0x3d: {  	[sflag:s20] =	ssyncset.done $0x0;
	(pc) =	sbr.rel @p0 .LBB2_2-.Ltmp0, $4  }
0x3e: {  	s25 =	sadd.s32 $0x1480, s25;
	[sflag:s20] =	ssyncadd.s32 $0xFFFFC000  }
0x3f: {  	[spmem:s2] =	stream.indirect.scatter.add.f32 [tilespmem:s18], [sflag:$0x3], $0x80, s25, s16, $0xb8;
	[tilespmem:$0x1E880] =	vst v63  }
0x40: {  	_ =	swait.ge [sflag:s14], $0x4000  }
0x41: {  	s26 =	smov.u32 s30;
	s25 =	sshra.s32 s29, $0x2;
	[sflag:s14] =	ssyncset.done $0x0  }
0x42: {  	s26 =	sadd.s32 $0x80, s25;
	[sflag:s14] =	ssyncadd.s32 $0xFFFFC000  }
0x43: {  	[tilespmem:s18], [sflag:$0x2] =	stream.indirect.gather [hbm4b:s4+s16], $0x80, s26, s16, $0xb8;
	[tilespmem:$0x1E880] =	vst v63  }
0x44: {  	_ =	swait.ge [sflag:s19], $0x4000  }
0x45: {  	[sflag:s19] =	ssyncset.done $0x0  }
0x46: {  	s29 =	sadd.s32 $0x1400, s25;
	[sflag:s19] =	ssyncadd.s32 $0xFFFFC000  }
0x47: {  	[spmem:s2] =	stream.indirect.scatter.add.f32 [tilespmem:s17], [sflag:$0x3], $0x80, s29, s16, $0xb8;
	[tilespmem:$0x1E880] =	vst v63  }
0x48: {  	_ =	swait.ge [sflag:s14], $0x4000  }
0x49: {  	[sflag:s14] =	ssyncset.done $0x0  }
0x4a: {  	s30 =	sadd.s32 $0x100, s25;
	[sflag:s14] =	ssyncadd.s32 $0xFFFFC000  }
0x4b: {  	[tilespmem:s17], [sflag:$0x1] =	stream.indirect.gather [hbm4b:s4+s16], $0x80, s30, s16, $0xb8;
	[tilespmem:$0x1E880] =	vst v63  }
0x4c: {  	_ =	swait.ge [sflag:s20], $0x4000  }
0x4d: {  	[sflag:s20] =	ssyncset.done $0x0  }
0x4e: {  	s31 =	sadd.s32 $0x1480, s25;
	[sflag:s20] =	ssyncadd.s32 $0xFFFFC000  }
0x4f: {  	[spmem:s2] =	stream.indirect.scatter.add.f32 [tilespmem:s18], [sflag:$0x3], $0x80, s31, s16, $0xb8;
	[tilespmem:$0x1E880] =	vst v63  }
0x50: {  	_ =	swait.ge [sflag:s14], $0x4000  }
0x51: {  	[sflag:s14] =	ssyncset.done $0x0  }
0x52: {  	[sflag:s14] =	ssyncadd.s32 $0xFFFFC000  }
0x53: {  	[tilespmem:s18], [sflag:$0x2] =	stream.indirect.gather [hbm4b:s4+s16], $0x80, s21, s16, $0xb8;
	[tilespmem:$0x1E880] =	vst v63  }
0x54: {  	_ =	swait.ge [sflag:s19], $0x4000  }
0x55: {  	[sflag:s19] =	ssyncset.done $0x0  }
0x56: {  	[sflag:s19] =	ssyncadd.s32 $0xFFFFC000  }
0x57: {  	[spmem:s2] =	stream.indirect.scatter.add.f32 [tilespmem:s17], [sflag:$0x3], $0x80, s22, s16, $0xb8;
	[tilespmem:$0x1E880] =	vst v63  }
0x58: {  	_ =	swait.ge [sflag:s14], $0x4000  }
0x59: {  	[sflag:s14] =	ssyncset.done $0x0  }
0x5a: {  	[sflag:s14] =	ssyncadd.s32 $0xFFFFC000  }
0x5b: {  	_ =	swait.ge [sflag:s20], $0x4000  }
0x5c: {  	[sflag:s20] =	ssyncset.done $0x0  }
0x5d: {  	[sflag:s20] =	ssyncadd.s32 $0xFFFFC000  }
0x5e: {  	[spmem:s2] =	stream.indirect.scatter.add.f32 [tilespmem:s18], [sflag:$0x3], $0x80, s23, s16, $0xb8;
	[tilespmem:$0x1E880] =	vst v63  }
0x5f: {  	_ =	swait.ge [sflag:s14], $0x4000  }
0x60: {  	[sflag:s14] =	ssyncset.done $0x0  }
0x61: {  	s26 =	simm.s32 $0x0;
	[sflag:s14] =	ssyncadd.s32 $0xFFFFC000  }
0x62: {  	[tilespmem:s26], [sflag:$0x3] =	stream.linear.gather [hbm4b:s11+s26], $0x1400, $0x38;
	[tilespmem:$0x1E880] =	vst v63  }
0x63: {  	_ =	swait.ge [sflag:s14], $0x1400  }
0x64: {  	[sflag:s14] =	ssyncset.done $0x0  }
0x65: {  	[sflag:s14] =	ssyncadd.s32 $0xFFFFEC00  }
0x66: {  	[tilespmem:s15], [sflag:$0x3] =	stream.linear.gather [hbm4b:s12+s26], $0x1400, $0x38;
	[tilespmem:$0x1E880] =	vst v63  }
0x67: {  	_ =	swait.ge [sflag:s14], $0x1400  }
0x68: {  	[sflag:s14] =	ssyncset.done $0x0  }
0x69: {  	[sflag:s14] =	ssyncadd.s32 $0xFFFFEC00  }
0x6a: {  	[tilespmem:s17], [sflag:$0x1] =	stream.indirect.gather [hbm4b:s4+s16], $0x80, s26, s16, $0xb8;
	[tilespmem:$0x1E880] =	vst v63  }
0x6b: {  	s28 =	simm.s32 $0x80  }
0x6c: {  	[tilespmem:s18], [sflag:$0x2] =	stream.indirect.gather [hbm4b:s4+s16], $0x80, s28, s16, $0xb8;
	[tilespmem:$0x1E880] =	vst v63  }
0x6d: {  	_ =	swait.ge [sflag:s19], $0x4000  }
0x6e: {  	[sflag:s19] =	ssyncset.done $0x0  }
0x6f: {  	s29 =	simm.s32 $0x1400;
	[sflag:s19] =	ssyncadd.s32 $0xFFFFC000  }
0x70: {  	[spmem:s2] =	stream.indirect.scatter.add.f32 [tilespmem:s17], [sflag:$0x3], $0x80, s29, s16, $0xb8;
	[tilespmem:$0x1E880] =	vst v63  }
0x71: {  	_ =	swait.ge [sflag:s14], $0x4000  }
0x72: {  	[sflag:s14] =	ssyncset.done $0x0  }
0x73: {  	s30 =	simm.s32 $0x100;
	[sflag:s14] =	ssyncadd.s32 $0xFFFFC000  }
0x74: {  	[tilespmem:s17], [sflag:$0x1] =	stream.indirect.gather [hbm4b:s4+s16], $0x80, s30, s16, $0xb8;
	[tilespmem:$0x1E880] =	vst v63  }
0x75: {  	_ =	swait.ge [sflag:s20], $0x4000  }
0x76: {  	[sflag:s20] =	ssyncset.done $0x0  }
0x77: {  	s31 =	simm.s32 $0x1480;
	[sflag:s20] =	ssyncadd.s32 $0xFFFFC000  }
0x78: {  	[spmem:s2] =	stream.indirect.scatter.add.f32 [tilespmem:s18], [sflag:$0x3], $0x80, s31, s16, $0xb8;
	[tilespmem:$0x1E880] =	vst v63  }
0x79: {  	_ =	swait.ge [sflag:s14], $0x4000  }
0x7a: {  	s25 =	simm.s32 $0x100;
	s26 =	simm.s32 $0x800;
	[sflag:s14] =	ssyncset.done $0x0  }
.LBB2_4:
0x7b: {  	s28 =	sadd.s32 $0x80, s25  }
0x7c: {  	[sflag:s14] =	ssyncadd.s32 $0xFFFFC000;
	s29 =	smov.u32 s26;
	s30 =	sadd.s32 $0x400, s26  }
0x7d: {  	[tilespmem:s18], [sflag:$0x2] =	stream.indirect.gather [hbm4b:s4+s16], $0x80, s28, s16, $0xb8;
	[tilespmem:$0x1E880] =	vst v63  }
0x7e: {  	p0 =	sne.s32 s26, $0x4800;
	_ =	swait.ge [sflag:s19], $0x4000  }
0x7f: {  	[sflag:s19] =	ssyncset.done $0x0  }
0x80: {  	s26 =	sadd.s32 $0x1400, s25;
	[sflag:s19] =	ssyncadd.s32 $0xFFFFC000  }
0x81: {  	[spmem:s2] =	stream.indirect.scatter.add.f32 [tilespmem:s17], [sflag:$0x3], $0x80, s26, s16, $0xb8;
	[tilespmem:$0x1E880] =	vst v63  }
0x82: {  	_ =	swait.ge [sflag:s14], $0x4000  }
0x83: {  	[sflag:s14] =	ssyncset.done $0x0  }
0x84: {  	s26 =	sadd.s32 $0x100, s25;
	[sflag:s14] =	ssyncadd.s32 $0xFFFFC000  }
0x85: {  	[tilespmem:s17], [sflag:$0x1] =	stream.indirect.gather [hbm4b:s4+s16], $0x80, s26, s16, $0xb8;
	[tilespmem:$0x1E880] =	vst v63  }
0x86: {  	_ =	swait.ge [sflag:s20], $0x4000  }
.Ltmp1:
0x87: {  	[sflag:s20] =	ssyncset.done $0x0;
	(pc) =	sbr.rel @p0 .LBB2_4-.Ltmp1, $4  }
0x88: {  	s25 =	sadd.s32 $0x1480, s25;
	[sflag:s20] =	ssyncadd.s32 $0xFFFFC000  }
0x89: {  	[spmem:s2] =	stream.indirect.scatter.add.f32 [tilespmem:s18], [sflag:$0x3], $0x80, s25, s16, $0xb8;
	[tilespmem:$0x1E880] =	vst v63  }
0x8a: {  	_ =	swait.ge [sflag:s14], $0x4000  }
0x8b: {  	s26 =	smov.u32 s30;
	s25 =	sshra.s32 s29, $0x2;
	[sflag:s14] =	ssyncset.done $0x0  }
0x8c: {  	s26 =	sadd.s32 $0x80, s25;
	[sflag:s14] =	ssyncadd.s32 $0xFFFFC000  }
0x8d: {  	[tilespmem:s18], [sflag:$0x2] =	stream.indirect.gather [hbm4b:s4+s16], $0x80, s26, s16, $0xb8;
	[tilespmem:$0x1E880] =	vst v63  }
0x8e: {  	_ =	swait.ge [sflag:s19], $0x4000  }
0x8f: {  	[sflag:s19] =	ssyncset.done $0x0  }
0x90: {  	s29 =	sadd.s32 $0x1400, s25;
	[sflag:s19] =	ssyncadd.s32 $0xFFFFC000  }
0x91: {  	[spmem:s2] =	stream.indirect.scatter.add.f32 [tilespmem:s17], [sflag:$0x3], $0x80, s29, s16, $0xb8;
	[tilespmem:$0x1E880] =	vst v63  }
0x92: {  	_ =	swait.ge [sflag:s14], $0x4000  }
0x93: {  	[sflag:s14] =	ssyncset.done $0x0  }
0x94: {  	s30 =	sadd.s32 $0x100, s25;
	[sflag:s14] =	ssyncadd.s32 $0xFFFFC000  }
0x95: {  	[tilespmem:s17], [sflag:$0x1] =	stream.indirect.gather [hbm4b:s4+s16], $0x80, s30, s16, $0xb8;
	[tilespmem:$0x1E880] =	vst v63  }
0x96: {  	_ =	swait.ge [sflag:s20], $0x4000  }
0x97: {  	[sflag:s20] =	ssyncset.done $0x0  }
0x98: {  	s31 =	sadd.s32 $0x1480, s25;
	[sflag:s20] =	ssyncadd.s32 $0xFFFFC000  }
0x99: {  	[spmem:s2] =	stream.indirect.scatter.add.f32 [tilespmem:s18], [sflag:$0x3], $0x80, s31, s16, $0xb8;
	[tilespmem:$0x1E880] =	vst v63  }
0x9a: {  	_ =	swait.ge [sflag:s14], $0x4000  }
0x9b: {  	[sflag:s14] =	ssyncset.done $0x0  }
0x9c: {  	[sflag:s14] =	ssyncadd.s32 $0xFFFFC000  }
0x9d: {  	[tilespmem:s18], [sflag:$0x2] =	stream.indirect.gather [hbm4b:s4+s16], $0x80, s21, s16, $0xb8;
	[tilespmem:$0x1E880] =	vst v63  }
0x9e: {  	_ =	swait.ge [sflag:s19], $0x4000  }
0x9f: {  	[sflag:s19] =	ssyncset.done $0x0  }
0xa0: {  	[sflag:s19] =	ssyncadd.s32 $0xFFFFC000  }
0xa1: {  	[spmem:s2] =	stream.indirect.scatter.add.f32 [tilespmem:s17], [sflag:$0x3], $0x80, s22, s16, $0xb8;
	[tilespmem:$0x1E880] =	vst v63  }
0xa2: {  	_ =	swait.ge [sflag:s14], $0x4000  }
0xa3: {  	[sflag:s14] =	ssyncset.done $0x0  }
0xa4: {  	[sflag:s14] =	ssyncadd.s32 $0xFFFFC000  }
0xa5: {  	_ =	swait.ge [sflag:s20], $0x4000  }
0xa6: {  	[sflag:s20] =	ssyncset.done $0x0  }
0xa7: {  	[sflag:s20] =	ssyncadd.s32 $0xFFFFC000  }
0xa8: {  	[spmem:s2] =	stream.indirect.scatter.add.f32 [tilespmem:s18], [sflag:$0x3], $0x80, s23, s16, $0xb8;
	[tilespmem:$0x1E880] =	vst v63  }
0xa9: {  	_ =	swait.ge [sflag:s14], $0x4000  }
0xaa: {  	s24 =	sadd.s32 $0x1, s24;
	[sflag:s14] =	ssyncset.done $0x0  }
0xab: {  	p0 =	sne.s32 s24, s8;
	[sflag:s14] =	ssyncadd.s32 $0xFFFFC000  }
.Ltmp2:
0xac: {  	[bflag:$0x0] =	sbarrier.arrive $0xFFFF;
	(pc) =	sbr.rel @p0 .LBB2_1-.Ltmp2, $4  }
0xad: {  	[hbm:s7], [sflag:s6] =	dma.local [spmem:s13], $0x2800  }
0xae: {  	_ =	swait.ge [sflag:s14], $0x2800  }
0xaf: {  	[sflag:s14] =	ssyncset.done $0x0  }
0xb0: {  	[sflag:s14] =	ssyncadd.s32 $0xFFFFD800  }
0xb1: {  	_ =	sfence.sel $0x180000  }
0xb2: {  	[bflag:$0x0] =	sbarrier.arrive $0xFFFF  }
0xb3: {  	p0 =	sne.s32 s0, $0x0;
	_ =	strace $0x90000053  }
0xb4: {  	s0 =	sadd.s32 @!p0 $0x100000, s1;
	[bflag:$0x2] =	sbarrier.arrive $0xFFFF  }
0xb5: {  	[sflag:s0] =	ssyncadd.tile.s32 @!p0 $0x1;
	_ =	shalt  }
.Lfunc_end2:
_tile_overlayer_lowered:
.L_overlay_start_2:
0xb6: {  	(tag) =	ssettag $0x2  }
0xb7: {  	s0 =	rddreg [dreg:$0x0];
	s2 =	stileid.u32  }
0xb8: {  	s1 =	rddreg [dreg:$0x1];
	p0 =	sne.s32 s2, $0x0  }
0xb9: {  	s3 =	rddreg [dreg:$0x2];
	[bflag:$0x3] =	sbarrier.arrive $0xFFFF;
	s2 =	simm.s32 @!p0 $0x1C03  }
0xba: {  	[timem:s3], [sflag:s2] =	dma.local @!p0 [hbm:s0], s1  }
0xbb: {  	s0 =	simm.s32 @!p0 $0x3  }
0xbc: {  	_ =	swait.ge @!p0 [sflag:s0], s1  }
0xbd: {  	s1 =	ssub.s32 @!p0 $0x0, s1;
	[sflag:s0] =	ssyncset.done @!p0 $0x0  }
0xbe: {  	[sflag:s0] =	ssyncadd.s32 @!p0 s1  }
0xbf: {  	[bflag:$0x3] =	sbarrier.arrive $0xFFFF  }
0xc0: {  	_ =	shalt  }

</sc_bundles>
